<compile_context>
chip_gen: v7x
topology: tpu7x:2x2x1
jax: 0.10.2.dev20260603
libtpu: 0.0.44.dev20260713+nightly
codegen_flags: <defaults>
</compile_context>

<pallas_src>
import functools

import jax
import jax.numpy as jnp
from jax import lax
from jax.experimental import pallas as pl
from jax.experimental.pallas import tpu as pltpu
from jax.experimental.pallas import tpu_sc as plsc

N = 10000
H = 128
E = 320000
EPS = 1e-5

NP = 10240
NC = 2
NS = 16
NW = NC * NS
CHUNK = 128
NCH = 79
EPW = NCH * CHUNK
EP = NW * EPW
ROWS_PER_TILE = NP // NS

_mesh = plsc.VectorSubcoreMesh(
    core_axis_name="c", subcore_axis_name="s", num_cores=NC, num_subcores=NS)


@functools.partial(
    pl.kernel,
    out_type=jax.ShapeDtypeStruct((NC, NP, H), jnp.float32),
    mesh=_mesh,
    scratch_types=[
        pltpu.VMEM((NCH, CHUNK), jnp.int32),
        pltpu.VMEM((CHUNK, H), jnp.float32),
        pltpu.VMEM((32, H), jnp.float32),
        pltpu.VMEM_SHARED((NP, H), jnp.float32),
        pltpu.SemaphoreType.DMA,
    ],
)
def _deg_kernel(dst_hbm, degp_hbm, dstbuf, ones, zbuf, dacc, sem):
    c = lax.axis_index("c")
    s = lax.axis_index("s")
    w = s * NC + c

    def fill(i, _):
        for jj in range(H // 16):
            ones[i, pl.ds(jj * 16, 16)] = jnp.ones((16,), jnp.float32)
        return 0
    lax.fori_loop(0, CHUNK, fill, 0)

    def zfill(i, _):
        for jj in range(H // 16):
            zbuf[i, pl.ds(jj * 16, 16)] = jnp.zeros((16,), jnp.float32)
        return 0
    lax.fori_loop(0, 32, zfill, 0)

    for t in range(ROWS_PER_TILE // 32):
        pltpu.sync_copy(zbuf, dacc.at[pl.ds(s * ROWS_PER_TILE + t * 32, 32)])
    pltpu.sync_copy(dst_hbm.at[w], dstbuf)
    plsc.subcore_barrier()

    def body(j, _):
        pltpu.sync_copy(ones, dacc.at[dstbuf.at[j]], add=True)
        return 0
    lax.fori_loop(0, NCH, body, 0)

    plsc.subcore_barrier()
    base = s * ROWS_PER_TILE
    pltpu.sync_copy(dacc.at[pl.ds(base, ROWS_PER_TILE)],
                    degp_hbm.at[c].at[pl.ds(base, ROWS_PER_TILE)])


@functools.partial(
    pl.kernel,
    out_type=jax.ShapeDtypeStruct((NC, NP, H), jnp.float32),
    mesh=_mesh,
    scratch_types=[
        pltpu.VMEM((NCH, CHUNK), jnp.int32),
        pltpu.VMEM((NCH, CHUNK), jnp.int32),
        pltpu.VMEM((CHUNK, H), jnp.float32),
        pltpu.VMEM((32, H), jnp.float32),
        pltpu.VMEM_SHARED((NP, H), jnp.float32),
        pltpu.SemaphoreType.DMA,
    ],
)
def _agg_kernel(src_hbm, dst_hbm, hn_hbm, out_hbm,
                srcbuf, dstbuf, rows, zbuf, acc, sem):
    c = lax.axis_index("c")
    s = lax.axis_index("s")
    w = s * NC + c

    def fill(i, _):
        for jj in range(H // 16):
            zbuf[i, pl.ds(jj * 16, 16)] = jnp.zeros((16,), jnp.float32)
        return 0
    lax.fori_loop(0, 32, fill, 0)

    for t in range(ROWS_PER_TILE // 32):
        pltpu.sync_copy(zbuf, acc.at[pl.ds(s * ROWS_PER_TILE + t * 32, 32)])
    pltpu.sync_copy(src_hbm.at[w], srcbuf)
    pltpu.sync_copy(dst_hbm.at[w], dstbuf)
    plsc.subcore_barrier()

    def body(j, _):
        pltpu.async_copy(hn_hbm.at[srcbuf.at[j]], rows, sem).wait()
        pltpu.sync_copy(rows, acc.at[dstbuf.at[j]], add=True)
        return 0
    lax.fori_loop(0, NCH, body, 0)

    plsc.subcore_barrier()
    base = s * ROWS_PER_TILE
    pltpu.sync_copy(acc.at[pl.ds(base, ROWS_PER_TILE)],
                    out_hbm.at[c].at[pl.ds(base, ROWS_PER_TILE)])


RB = 1024
GRID = NP // RB


def _mm_scale_body(x_ref, w_ref, dp_ref, hn_ref, dv_ref):
    deg = 1.0 + dp_ref[0, :, 0:1] + dp_ref[1, :, 0:1]
    dinv = lax.rsqrt(deg)
    dv_ref[...] = jnp.zeros((RB, H), jnp.float32) + dinv
    hn_ref[...] = jnp.dot(x_ref[...], w_ref[...],
                          preferred_element_type=jnp.float32) * dinv


_mm_scale = pl.pallas_call(
    _mm_scale_body,
    grid=(GRID,),
    in_specs=[
        pl.BlockSpec((RB, H), lambda i: (i, 0)),
        pl.BlockSpec((H, H), lambda i: (0, 0)),
        pl.BlockSpec((NC, RB, H), lambda i: (0, i, 0)),
    ],
    out_specs=[
        pl.BlockSpec((RB, H), lambda i: (i, 0)),
        pl.BlockSpec((RB, H), lambda i: (i, 0)),
    ],
    out_shape=[
        jax.ShapeDtypeStruct((NP, H), jnp.float32),
        jax.ShapeDtypeStruct((NP, H), jnp.float32),
    ],
)


def _combine_body(p_ref, hn_ref, dv_ref, b_ref, y_ref, s_ref, q_ref):
    i = pl.program_id(0)
    y = (p_ref[0] + p_ref[1] + hn_ref[...]) * dv_ref[...] + b_ref[...]
    rid = lax.broadcasted_iota(jnp.int32, (RB, 1), 0) + i * RB
    ym = jnp.where(rid < N, y, 0.0)
    y_ref[...] = ym

    @pl.when(i == 0)
    def _():
        s_ref[...] = jnp.zeros_like(s_ref)
        q_ref[...] = jnp.zeros_like(q_ref)
    s_ref[...] += jnp.sum(ym, axis=0, keepdims=True)
    q_ref[...] += jnp.sum(ym * ym, axis=0, keepdims=True)


_combine = pl.pallas_call(
    _combine_body,
    grid=(GRID,),
    in_specs=[
        pl.BlockSpec((NC, RB, H), lambda i: (0, i, 0)),
        pl.BlockSpec((RB, H), lambda i: (i, 0)),
        pl.BlockSpec((RB, H), lambda i: (i, 0)),
        pl.BlockSpec((1, H), lambda i: (0, 0)),
    ],
    out_specs=[
        pl.BlockSpec((RB, H), lambda i: (i, 0)),
        pl.BlockSpec((1, H), lambda i: (0, 0)),
        pl.BlockSpec((1, H), lambda i: (0, 0)),
    ],
    out_shape=[
        jax.ShapeDtypeStruct((NP, H), jnp.float32),
        jax.ShapeDtypeStruct((1, H), jnp.float32),
        jax.ShapeDtypeStruct((1, H), jnp.float32),
    ],
)


def _bn_relu_mm_body(y_ref, s_ref, q_ref, g_ref, be_ref, w_ref, dv_ref, hn_ref):
    i = pl.program_id(0)
    mean = s_ref[...] / N
    var = q_ref[...] / N - mean * mean
    x2 = g_ref[...] * (y_ref[...] - mean) * lax.rsqrt(var + EPS) + be_ref[...]
    x2 = jnp.maximum(x2, 0.0)
    rid = lax.broadcasted_iota(jnp.int32, (RB, 1), 0) + i * RB
    x2 = jnp.where(rid < N, x2, 0.0)
    hn_ref[...] = jnp.dot(x2, w_ref[...],
                          preferred_element_type=jnp.float32) * dv_ref[...]


_bn_relu_mm = pl.pallas_call(
    _bn_relu_mm_body,
    grid=(GRID,),
    in_specs=[
        pl.BlockSpec((RB, H), lambda i: (i, 0)),
        pl.BlockSpec((1, H), lambda i: (0, 0)),
        pl.BlockSpec((1, H), lambda i: (0, 0)),
        pl.BlockSpec((1, H), lambda i: (0, 0)),
        pl.BlockSpec((1, H), lambda i: (0, 0)),
        pl.BlockSpec((H, H), lambda i: (0, 0)),
        pl.BlockSpec((RB, H), lambda i: (i, 0)),
    ],
    out_specs=pl.BlockSpec((RB, H), lambda i: (i, 0)),
    out_shape=jax.ShapeDtypeStruct((NP, H), jnp.float32),
)


def _bn_final_body(y_ref, s_ref, q_ref, g_ref, be_ref, o_ref):
    mean = s_ref[...] / N
    var = q_ref[...] / N - mean * mean
    o_ref[...] = (g_ref[...] * (y_ref[...] - mean) * lax.rsqrt(var + EPS)
                  + be_ref[...])


_bn_final = pl.pallas_call(
    _bn_final_body,
    grid=(GRID,),
    in_specs=[
        pl.BlockSpec((RB, H), lambda i: (i, 0)),
        pl.BlockSpec((1, H), lambda i: (0, 0)),
        pl.BlockSpec((1, H), lambda i: (0, 0)),
        pl.BlockSpec((1, H), lambda i: (0, 0)),
        pl.BlockSpec((1, H), lambda i: (0, 0)),
    ],
    out_specs=pl.BlockSpec((RB, H), lambda i: (i, 0)),
    out_shape=jax.ShapeDtypeStruct((NP, H), jnp.float32),
)


def kernel(edge_index, emb, W1, b1, g1, be1, W2, b2, g2, be2):
    src = edge_index[0].astype(jnp.int32)
    dst = edge_index[1].astype(jnp.int32)
    pad = jnp.full((EP - E,), N, jnp.int32)
    src3 = jnp.concatenate([src, pad]).reshape(NW, NCH, CHUNK)
    dst3 = jnp.concatenate([dst, pad]).reshape(NW, NCH, CHUNK)
    emb_p = jnp.pad(emb, ((0, NP - N), (0, 0)))
    b1r, g1r, be1r = b1.reshape(1, H), g1.reshape(1, H), be1.reshape(1, H)
    b2r, g2r, be2r = b2.reshape(1, H), g2.reshape(1, H), be2.reshape(1, H)

    degp = _deg_kernel(dst3)

    hn1, dinvb = _mm_scale(emb_p, W1, degp)
    parts1 = _agg_kernel(src3, dst3, hn1)
    y1, s1, q1 = _combine(parts1, hn1, dinvb, b1r)

    hn2 = _bn_relu_mm(y1, s1, q1, g1r, be1r, W2, dinvb)
    parts2 = _agg_kernel(src3, dst3, hn2)
    y2, s2, q2 = _combine(parts2, hn2, dinvb, b2r)

    out = _bn_final(y2, s2, q2, g2r, be2r)
    return out[:N]

# --- scband reference (transcript-rebuilt; emitter-appended) ---
"""Pipeline reference for scband-improved-gcn-62122406969975 (READ-ONLY COPY).

The authoritative reference and input builder live on the scoring server;
editing this copy changes nothing except your own understanding.
"""

import jax, jax.numpy as jnp
import numpy as np

NUM_NODES = 10000
HIDDEN = 128
NUM_EDGES = 320000
EPS = 1e-5


def gcn_conv(x, edge_index, W, b, num_nodes):
    # PyG GCNConv: linear transform, add self loops, symmetric normalization, scatter-add aggregate, add bias
    src = edge_index[0]
    dst = edge_index[1]
    loop = jnp.arange(num_nodes, dtype=src.dtype)
    src = jnp.concatenate([src, loop])
    dst = jnp.concatenate([dst, loop])
    deg = jnp.zeros((num_nodes,), dtype=x.dtype).at[dst].add(1.0)
    dinv = jnp.where(deg > 0, jax.lax.rsqrt(deg), 0.0)
    norm = dinv[src] * dinv[dst]
    h = x @ W
    msgs = h[src] * norm[:, None]
    out = jnp.zeros_like(h).at[dst].add(msgs)
    return out + b


def batch_norm(x, gamma, beta):
    # BatchNorm1d in training mode: batch statistics over dim 0
    mean = jnp.mean(x, axis=0)
    var = jnp.var(x, axis=0)
    return gamma * (x - mean) * jax.lax.rsqrt(var + EPS) + beta


def setup_inputs(seed: int = 0) -> dict:
    key = jax.random.key(seed)
    ks = jax.random.split(key, 4)
    edge_index = jax.random.randint(ks[0], (2, NUM_EDGES), 0, NUM_NODES)
    emb = 0.02 * jax.random.normal(ks[1], (NUM_NODES, HIDDEN), dtype=jnp.float32)
    W1 = jax.random.normal(ks[2], (HIDDEN, HIDDEN), dtype=jnp.float32) / np.sqrt(HIDDEN)
    b1 = jnp.zeros((HIDDEN,), dtype=jnp.float32)
    g1 = jnp.ones((HIDDEN,), dtype=jnp.float32)
    be1 = jnp.zeros((HIDDEN,), dtype=jnp.float32)
    W2 = jax.random.normal(ks[3], (HIDDEN, HIDDEN), dtype=jnp.float32) / np.sqrt(HIDDEN)
    b2 = jnp.zeros((HIDDEN,), dtype=jnp.float32)
    g2 = jnp.ones((HIDDEN,), dtype=jnp.float32)
    be2 = jnp.zeros((HIDDEN,), dtype=jnp.float32)
    return {"edge_index": edge_index, "emb": emb, "W1": W1, "b1": b1, "g1": g1,
            "be1": be1, "W2": W2, "b2": b2, "g2": g2, "be2": be2}


def reference(edge_index, emb, W1, b1, g1, be1, W2, b2, g2, be2):
    # ImprovedGCN.encode (dropout disabled / eval mode for determinism)
    x = emb
    x = gcn_conv(x, edge_index, W1, b1, NUM_NODES)
    x = batch_norm(x, g1, be1)
    x = jax.nn.relu(x)
    x = gcn_conv(x, edge_index, W2, b2, NUM_NODES)
    x = batch_norm(x, g2, be2)
    return x

if __name__ == "__main__":
    import jax
    _d = setup_inputs()
    print(jax.jit(kernel)(*tuple(_d.values())))

</pallas_src>

<mosaic_0001>
#map = affine_map<(d0, d1) -> (0, 0, 0)>
#map1 = affine_map<(d0, d1) -> (0, 0)>
module attributes {stable_mosaic.version = 14 : i64} {
  func.func @_agg_kernel(%arg0: i32, %arg1: i32, %arg2: memref<32x79x128xi32, #tpu.memory_space<hbm>>, %arg3: memref<32x79x128xi32, #tpu.memory_space<hbm>>, %arg4: memref<10240x128xf32, #tpu.memory_space<hbm>>, %arg5: memref<2x10240x128xf32, #tpu.memory_space<hbm>>, %arg6: memref<79x128xi32, #tpu.memory_space<vmem>>, %arg7: memref<79x128xi32, #tpu.memory_space<vmem>>, %arg8: memref<128x128xf32, #tpu.memory_space<vmem>>, %arg9: memref<32x128xf32, #tpu.memory_space<vmem>>, %arg10: memref<10240x128xf32, #tpu.memory_space<vmem_shared>>, %arg11: memref<!tpu.dma_semaphore, #tpu.memory_space<semaphore_mem>>) attributes {dimension_semantics = [#tpu.dimension_semantics<core_parallel>, #tpu.dimension_semantics<subcore_parallel>], iteration_bounds = array<i64: 2, 16>, scalar_prefetch = 0 : i64, scratch_operands = 6 : i64, tpu.core_type = #tpu.core_type<sc_vector_subcore>, window_params = [{transform_indices = #map}, {transform_indices = #map}, {transform_indices = #map1}, {transform_indices = #map}]} {
    %mul3A = arith.constant 2 : i32
    %mul3A_0 = arith.muli %arg1, %mul3A : i32
    %add3A = arith.addi %mul3A_0, %arg0 : i32
    %scan3A = arith.constant 0 : i32
    %scan3A_1 = arith.constant 0 : i32
    %scan3A_2 = arith.constant 32 : i32
    %scan3A_3 = arith.addi %scan3A_1, %scan3A_2 : i32
    %scan3A_4 = arith.constant 1 : i32
    %scan3A_5 = scf.for %scan3A_97 = %scan3A_1 to %scan3A_3 step %scan3A_4 iter_args(%scan3A_98 = %scan3A) -> (i32)  : i32 {
      %broadcast_in_dim3A = arith.constant 0.000000e+00 : f32
      %broadcast_in_dim3A_99 = vector.broadcast %broadcast_in_dim3A : f32 to vector<16xf32>
      %swap3A = arith.index_cast %scan3A_97 : i32 to index
      %swap3A_100 = arith.constant 0 : index
      %swap3A_101 = tpu.vector_load %arg9[%swap3A, %swap3A_100] {strides = array<i32>} : memref<32x128xf32, #tpu.memory_space<vmem>>, vector<1x16xf32>,
      %swap3A_102 = vector.shape_cast %swap3A_101 : vector<1x16xf32> to vector<16xf32>
      %swap3A_103 = vector.shape_cast %broadcast_in_dim3A_99 : vector<16xf32> to vector<1x16xf32>
      tpu.vector_store %arg9[%swap3A, %swap3A_100], %swap3A_103 {strides = array<i32>} : memref<32x128xf32, #tpu.memory_space<vmem>>, vector<1x16xf32>,
      %broadcast_in_dim3A_104 = arith.constant 0.000000e+00 : f32
      %broadcast_in_dim3A_105 = vector.broadcast %broadcast_in_dim3A_104 : f32 to vector<16xf32>
      %swap3A_106 = arith.index_cast %scan3A_97 : i32 to index
      %swap3A_107 = arith.constant 16 : index
      %swap3A_108 = tpu.vector_load %arg9[%swap3A_106, %swap3A_107] {strides = array<i32>} : memref<32x128xf32, #tpu.memory_space<vmem>>, vector<1x16xf32>,
      %swap3A_109 = vector.shape_cast %swap3A_108 : vector<1x16xf32> to vector<16xf32>
      %swap3A_110 = vector.shape_cast %broadcast_in_dim3A_105 : vector<16xf32> to vector<1x16xf32>
      tpu.vector_store %arg9[%swap3A_106, %swap3A_107], %swap3A_110 {strides = array<i32>} : memref<32x128xf32, #tpu.memory_space<vmem>>, vector<1x16xf32>,
      %broadcast_in_dim3A_111 = arith.constant 0.000000e+00 : f32
      %broadcast_in_dim3A_112 = vector.broadcast %broadcast_in_dim3A_111 : f32 to vector<16xf32>
      %swap3A_113 = arith.index_cast %scan3A_97 : i32 to index
      %swap3A_114 = arith.constant 32 : index
      %swap3A_115 = tpu.vector_load %arg9[%swap3A_113, %swap3A_114] {strides = array<i32>} : memref<32x128xf32, #tpu.memory_space<vmem>>, vector<1x16xf32>,
      %swap3A_116 = vector.shape_cast %swap3A_115 : vector<1x16xf32> to vector<16xf32>
      %swap3A_117 = vector.shape_cast %broadcast_in_dim3A_112 : vector<16xf32> to vector<1x16xf32>
      tpu.vector_store %arg9[%swap3A_113, %swap3A_114], %swap3A_117 {strides = array<i32>} : memref<32x128xf32, #tpu.memory_space<vmem>>, vector<1x16xf32>,
      %broadcast_in_dim3A_118 = arith.constant 0.000000e+00 : f32
      %broadcast_in_dim3A_119 = vector.broadcast %broadcast_in_dim3A_118 : f32 to vector<16xf32>
      %swap3A_120 = arith.index_cast %scan3A_97 : i32 to index
      %swap3A_121 = arith.constant 48 : index
      %swap3A_122 = tpu.vector_load %arg9[%swap3A_120, %swap3A_121] {strides = array<i32>} : memref<32x128xf32, #tpu.memory_space<vmem>>, vector<1x16xf32>,
      %swap3A_123 = vector.shape_cast %swap3A_122 : vector<1x16xf32> to vector<16xf32>
      %swap3A_124 = vector.shape_cast %broadcast_in_dim3A_119 : vector<16xf32> to vector<1x16xf32>
      tpu.vector_store %arg9[%swap3A_120, %swap3A_121], %swap3A_124 {strides = array<i32>} : memref<32x128xf32, #tpu.memory_space<vmem>>, vector<1x16xf32>,
      %broadcast_in_dim3A_125 = arith.constant 0.000000e+00 : f32
      %broadcast_in_dim3A_126 = vector.broadcast %broadcast_in_dim3A_125 : f32 to vector<16xf32>
      %swap3A_127 = arith.index_cast %scan3A_97 : i32 to index
      %swap3A_128 = arith.constant 64 : index
      %swap3A_129 = tpu.vector_load %arg9[%swap3A_127, %swap3A_128] {strides = array<i32>} : memref<32x128xf32, #tpu.memory_space<vmem>>, vector<1x16xf32>,
      %swap3A_130 = vector.shape_cast %swap3A_129 : vector<1x16xf32> to vector<16xf32>
      %swap3A_131 = vector.shape_cast %broadcast_in_dim3A_126 : vector<16xf32> to vector<1x16xf32>
      tpu.vector_store %arg9[%swap3A_127, %swap3A_128], %swap3A_131 {strides = array<i32>} : memref<32x128xf32, #tpu.memory_space<vmem>>, vector<1x16xf32>,
      %broadcast_in_dim3A_132 = arith.constant 0.000000e+00 : f32
      %broadcast_in_dim3A_133 = vector.broadcast %broadcast_in_dim3A_132 : f32 to vector<16xf32>
      %swap3A_134 = arith.index_cast %scan3A_97 : i32 to index
      %swap3A_135 = arith.constant 80 : index
      %swap3A_136 = tpu.vector_load %arg9[%swap3A_134, %swap3A_135] {strides = array<i32>} : memref<32x128xf32, #tpu.memory_space<vmem>>, vector<1x16xf32>,
      %swap3A_137 = vector.shape_cast %swap3A_136 : vector<1x16xf32> to vector<16xf32>
      %swap3A_138 = vector.shape_cast %broadcast_in_dim3A_133 : vector<16xf32> to vector<1x16xf32>
      tpu.vector_store %arg9[%swap3A_134, %swap3A_135], %swap3A_138 {strides = array<i32>} : memref<32x128xf32, #tpu.memory_space<vmem>>, vector<1x16xf32>,
      %broadcast_in_dim3A_139 = arith.constant 0.000000e+00 : f32
      %broadcast_in_dim3A_140 = vector.broadcast %broadcast_in_dim3A_139 : f32 to vector<16xf32>
      %swap3A_141 = arith.index_cast %scan3A_97 : i32 to index
      %swap3A_142 = arith.constant 96 : index
      %swap3A_143 = tpu.vector_load %arg9[%swap3A_141, %swap3A_142] {strides = array<i32>} : memref<32x128xf32, #tpu.memory_space<vmem>>, vector<1x16xf32>,
      %swap3A_144 = vector.shape_cast %swap3A_143 : vector<1x16xf32> to vector<16xf32>
      %swap3A_145 = vector.shape_cast %broadcast_in_dim3A_140 : vector<16xf32> to vector<1x16xf32>
      tpu.vector_store %arg9[%swap3A_141, %swap3A_142], %swap3A_145 {strides = array<i32>} : memref<32x128xf32, #tpu.memory_space<vmem>>, vector<1x16xf32>,
      %broadcast_in_dim3A_146 = arith.constant 0.000000e+00 : f32
      %broadcast_in_dim3A_147 = vector.broadcast %broadcast_in_dim3A_146 : f32 to vector<16xf32>
      %swap3A_148 = arith.index_cast %scan3A_97 : i32 to index
      %swap3A_149 = arith.constant 112 : index
      %swap3A_150 = tpu.vector_load %arg9[%swap3A_148, %swap3A_149] {strides = array<i32>} : memref<32x128xf32, #tpu.memory_space<vmem>>, vector<1x16xf32>,
      %swap3A_151 = vector.shape_cast %swap3A_150 : vector<1x16xf32> to vector<16xf32>
      %swap3A_152 = vector.shape_cast %broadcast_in_dim3A_147 : vector<16xf32> to vector<1x16xf32>
      tpu.vector_store %arg9[%swap3A_148, %swap3A_149], %swap3A_152 {strides = array<i32>} : memref<32x128xf32, #tpu.memory_space<vmem>>, vector<1x16xf32>,
      %scan3A_153 = arith.constant 0 : i32
      scf.yield %scan3A_153 : i32
    }
    %scan3A_6 = arith.constant 32 : i32
    %mul3A_7 = arith.constant 640 : i32
    %mul3A_8 = arith.muli %arg1, %mul3A_7 : i32
    %add3A_9 = arith.constant 0 : i32
    %add3A_10 = arith.addi %mul3A_8, %add3A_9 : i32
    "tpu.region"() ({
      %run_scoped3A = tpu.sem_alloc : memref<!tpu.dma_semaphore, #tpu.memory_space<semaphore_mem>>
      %dma_start3A = arith.constant 0 : i32
      %dma_start3A_97 = tpu.memref_slice %arg10[%add3A_10, %dma_start3A] : memref<10240x128xf32, #tpu.memory_space<vmem_shared>> -> memref<32x128xf32, #tpu.memory_space<vmem_shared>>
      %dma_start3A_98 = arith.constant 0 : i32
      %dma_start3A_99 = tpu.memref_slice %arg10[%add3A_10, %dma_start3A_98] : memref<10240x128xf32, #tpu.memory_space<vmem_shared>> -> memref<32x128xf32, #tpu.memory_space<vmem_shared>>
      tpu.enqueue_dma source(%arg9 : memref<32x128xf32, #tpu.memory_space<vmem>>) target(%dma_start3A_99 : memref<32x128xf32, #tpu.memory_space<vmem_shared>>) target_semaphore(%run_scoped3A : memref<!tpu.dma_semaphore, #tpu.memory_space<semaphore_mem>>)
      %dma_wait3A = arith.constant 0 : i32
      %dma_wait3A_100 = tpu.memref_slice %arg10[%add3A_10, %dma_wait3A] : memref<10240x128xf32, #tpu.memory_space<vmem_shared>> -> memref<32x128xf32, #tpu.memory_space<vmem_shared>>
      %dma_wait3A_101 = arith.constant 0 : i32
      %dma_wait3A_102 = tpu.memref_slice %arg10[%add3A_10, %dma_wait3A_101] : memref<10240x128xf32, #tpu.memory_space<vmem_shared>> -> memref<32x128xf32, #tpu.memory_space<vmem_shared>>
      tpu.wait_dma2 semaphore(%run_scoped3A : memref<!tpu.dma_semaphore, #tpu.memory_space<semaphore_mem>>) src(%arg9 : memref<32x128xf32, #tpu.memory_space<vmem>>) dst(%dma_wait3A_102 : memref<32x128xf32, #tpu.memory_space<vmem_shared>>)
      tpu.yield
    }) : () -> ()
    %mul3A_11 = arith.constant 640 : i32
    %mul3A_12 = arith.muli %arg1, %mul3A_11 : i32
    %add3A_13 = arith.constant 32 : i32
    %add3A_14 = arith.addi %mul3A_12, %add3A_13 : i32
    "tpu.region"() ({
      %run_scoped3A = tpu.sem_alloc : memref<!tpu.dma_semaphore, #tpu.memory_space<semaphore_mem>>
      %dma_start3A = arith.constant 0 : i32
      %dma_start3A_97 = tpu.memref_slice %arg10[%add3A_14, %dma_start3A] : memref<10240x128xf32, #tpu.memory_space<vmem_shared>> -> memref<32x128xf32, #tpu.memory_space<vmem_shared>>
      %dma_start3A_98 = arith.constant 0 : i32
      %dma_start3A_99 = tpu.memref_slice %arg10[%add3A_14, %dma_start3A_98] : memref<10240x128xf32, #tpu.memory_space<vmem_shared>> -> memref<32x128xf32, #tpu.memory_space<vmem_shared>>
      tpu.enqueue_dma source(%arg9 : memref<32x128xf32, #tpu.memory_space<vmem>>) target(%dma_start3A_99 : memref<32x128xf32, #tpu.memory_space<vmem_shared>>) target_semaphore(%run_scoped3A : memref<!tpu.dma_semaphore, #tpu.memory_space<semaphore_mem>>)
      %dma_wait3A = arith.constant 0 : i32
      %dma_wait3A_100 = tpu.memref_slice %arg10[%add3A_14, %dma_wait3A] : memref<10240x128xf32, #tpu.memory_space<vmem_shared>> -> memref<32x128xf32, #tpu.memory_space<vmem_shared>>
      %dma_wait3A_101 = arith.constant 0 : i32
      %dma_wait3A_102 = tpu.memref_slice %arg10[%add3A_14, %dma_wait3A_101] : memref<10240x128xf32, #tpu.memory_space<vmem_shared>> -> memref<32x128xf32, #tpu.memory_space<vmem_shared>>
      tpu.wait_dma2 semaphore(%run_scoped3A : memref<!tpu.dma_semaphore, #tpu.memory_space<semaphore_mem>>) src(%arg9 : memref<32x128xf32, #tpu.memory_space<vmem>>) dst(%dma_wait3A_102 : memref<32x128xf32, #tpu.memory_space<vmem_shared>>)
      tpu.yield
    }) : () -> ()
    %mul3A_15 = arith.constant 640 : i32
    %mul3A_16 = arith.muli %arg1, %mul3A_15 : i32
    %add3A_17 = arith.constant 64 : i32
    %add3A_18 = arith.addi %mul3A_16, %add3A_17 : i32
    "tpu.region"() ({
      %run_scoped3A = tpu.sem_alloc : memref<!tpu.dma_semaphore, #tpu.memory_space<semaphore_mem>>
      %dma_start3A = arith.constant 0 : i32
      %dma_start3A_97 = tpu.memref_slice %arg10[%add3A_18, %dma_start3A] : memref<10240x128xf32, #tpu.memory_space<vmem_shared>> -> memref<32x128xf32, #tpu.memory_space<vmem_shared>>
      %dma_start3A_98 = arith.constant 0 : i32
      %dma_start3A_99 = tpu.memref_slice %arg10[%add3A_18, %dma_start3A_98] : memref<10240x128xf32, #tpu.memory_space<vmem_shared>> -> memref<32x128xf32, #tpu.memory_space<vmem_shared>>
      tpu.enqueue_dma source(%arg9 : memref<32x128xf32, #tpu.memory_space<vmem>>) target(%dma_start3A_99 : memref<32x128xf32, #tpu.memory_space<vmem_shared>>) target_semaphore(%run_scoped3A : memref<!tpu.dma_semaphore, #tpu.memory_space<semaphore_mem>>)
      %dma_wait3A = arith.constant 0 : i32
      %dma_wait3A_100 = tpu.memref_slice %arg10[%add3A_18, %dma_wait3A] : memref<10240x128xf32, #tpu.memory_space<vmem_shared>> -> memref<32x128xf32, #tpu.memory_space<vmem_shared>>
      %dma_wait3A_101 = arith.constant 0 : i32
      %dma_wait3A_102 = tpu.memref_slice %arg10[%add3A_18, %dma_wait3A_101] : memref<10240x128xf32, #tpu.memory_space<vmem_shared>> -> memref<32x128xf32, #tpu.memory_space<vmem_shared>>
      tpu.wait_dma2 semaphore(%run_scoped3A : memref<!tpu.dma_semaphore, #tpu.memory_space<semaphore_mem>>) src(%arg9 : memref<32x128xf32, #tpu.memory_space<vmem>>) dst(%dma_wait3A_102 : memref<32x128xf32, #tpu.memory_space<vmem_shared>>)
      tpu.yield
    }) : () -> ()
    %mul3A_19 = arith.constant 640 : i32
    %mul3A_20 = arith.muli %arg1, %mul3A_19 : i32
    %add3A_21 = arith.constant 96 : i32
    %add3A_22 = arith.addi %mul3A_20, %add3A_21 : i32
    "tpu.region"() ({
      %run_scoped3A = tpu.sem_alloc : memref<!tpu.dma_semaphore, #tpu.memory_space<semaphore_mem>>
      %dma_start3A = arith.constant 0 : i32
      %dma_start3A_97 = tpu.memref_slice %arg10[%add3A_22, %dma_start3A] : memref<10240x128xf32, #tpu.memory_space<vmem_shared>> -> memref<32x128xf32, #tpu.memory_space<vmem_shared>>
      %dma_start3A_98 = arith.constant 0 : i32
      %dma_start3A_99 = tpu.memref_slice %arg10[%add3A_22, %dma_start3A_98] : memref<10240x128xf32, #tpu.memory_space<vmem_shared>> -> memref<32x128xf32, #tpu.memory_space<vmem_shared>>
      tpu.enqueue_dma source(%arg9 : memref<32x128xf32, #tpu.memory_space<vmem>>) target(%dma_start3A_99 : memref<32x128xf32, #tpu.memory_space<vmem_shared>>) target_semaphore(%run_scoped3A : memref<!tpu.dma_semaphore, #tpu.memory_space<semaphore_mem>>)
      %dma_wait3A = arith.constant 0 : i32
      %dma_wait3A_100 = tpu.memref_slice %arg10[%add3A_22, %dma_wait3A] : memref<10240x128xf32, #tpu.memory_space<vmem_shared>> -> memref<32x128xf32, #tpu.memory_space<vmem_shared>>
      %dma_wait3A_101 = arith.constant 0 : i32
      %dma_wait3A_102 = tpu.memref_slice %arg10[%add3A_22, %dma_wait3A_101] : memref<10240x128xf32, #tpu.memory_space<vmem_shared>> -> memref<32x128xf32, #tpu.memory_space<vmem_shared>>
      tpu.wait_dma2 semaphore(%run_scoped3A : memref<!tpu.dma_semaphore, #tpu.memory_space<semaphore_mem>>) src(%arg9 : memref<32x128xf32, #tpu.memory_space<vmem>>) dst(%dma_wait3A_102 : memref<32x128xf32, #tpu.memory_space<vmem_shared>>)
      tpu.yield
    }) : () -> ()
    %mul3A_23 = arith.constant 640 : i32
    %mul3A_24 = arith.muli %arg1, %mul3A_23 : i32
    %add3A_25 = arith.constant 128 : i32
    %add3A_26 = arith.addi %mul3A_24, %add3A_25 : i32
    "tpu.region"() ({
      %run_scoped3A = tpu.sem_alloc : memref<!tpu.dma_semaphore, #tpu.memory_space<semaphore_mem>>
      %dma_start3A = arith.constant 0 : i32
      %dma_start3A_97 = tpu.memref_slice %arg10[%add3A_26, %dma_start3A] : memref<10240x128xf32, #tpu.memory_space<vmem_shared>> -> memref<32x128xf32, #tpu.memory_space<vmem_shared>>
      %dma_start3A_98 = arith.constant 0 : i32
      %dma_start3A_99 = tpu.memref_slice %arg10[%add3A_26, %dma_start3A_98] : memref<10240x128xf32, #tpu.memory_space<vmem_shared>> -> memref<32x128xf32, #tpu.memory_space<vmem_shared>>
      tpu.enqueue_dma source(%arg9 : memref<32x128xf32, #tpu.memory_space<vmem>>) target(%dma_start3A_99 : memref<32x128xf32, #tpu.memory_space<vmem_shared>>) target_semaphore(%run_scoped3A : memref<!tpu.dma_semaphore, #tpu.memory_space<semaphore_mem>>)
      %dma_wait3A = arith.constant 0 : i32
      %dma_wait3A_100 = tpu.memref_slice %arg10[%add3A_26, %dma_wait3A] : memref<10240x128xf32, #tpu.memory_space<vmem_shared>> -> memref<32x128xf32, #tpu.memory_space<vmem_shared>>
      %dma_wait3A_101 = arith.constant 0 : i32
      %dma_wait3A_102 = tpu.memref_slice %arg10[%add3A_26, %dma_wait3A_101] : memref<10240x128xf32, #tpu.memory_space<vmem_shared>> -> memref<32x128xf32, #tpu.memory_space<vmem_shared>>
      tpu.wait_dma2 semaphore(%run_scoped3A : memref<!tpu.dma_semaphore, #tpu.memory_space<semaphore_mem>>) src(%arg9 : memref<32x128xf32, #tpu.memory_space<vmem>>) dst(%dma_wait3A_102 : memref<32x128xf32, #tpu.memory_space<vmem_shared>>)
      tpu.yield
    }) : () -> ()
    %mul3A_27 = arith.constant 640 : i32
    %mul3A_28 = arith.muli %arg1, %mul3A_27 : i32
    %add3A_29 = arith.constant 160 : i32
    %add3A_30 = arith.addi %mul3A_28, %add3A_29 : i32
    "tpu.region"() ({
      %run_scoped3A = tpu.sem_alloc : memref<!tpu.dma_semaphore, #tpu.memory_space<semaphore_mem>>
      %dma_start3A = arith.constant 0 : i32
      %dma_start3A_97 = tpu.memref_slice %arg10[%add3A_30, %dma_start3A] : memref<10240x128xf32, #tpu.memory_space<vmem_shared>> -> memref<32x128xf32, #tpu.memory_space<vmem_shared>>
      %dma_start3A_98 = arith.constant 0 : i32
      %dma_start3A_99 = tpu.memref_slice %arg10[%add3A_30, %dma_start3A_98] : memref<10240x128xf32, #tpu.memory_space<vmem_shared>> -> memref<32x128xf32, #tpu.memory_space<vmem_shared>>
      tpu.enqueue_dma source(%arg9 : memref<32x128xf32, #tpu.memory_space<vmem>>) target(%dma_start3A_99 : memref<32x128xf32, #tpu.memory_space<vmem_shared>>) target_semaphore(%run_scoped3A : memref<!tpu.dma_semaphore, #tpu.memory_space<semaphore_mem>>)
      %dma_wait3A = arith.constant 0 : i32
      %dma_wait3A_100 = tpu.memref_slice %arg10[%add3A_30, %dma_wait3A] : memref<10240x128xf32, #tpu.memory_space<vmem_shared>> -> memref<32x128xf32, #tpu.memory_space<vmem_shared>>
      %dma_wait3A_101 = arith.constant 0 : i32
      %dma_wait3A_102 = tpu.memref_slice %arg10[%add3A_30, %dma_wait3A_101] : memref<10240x128xf32, #tpu.memory_space<vmem_shared>> -> memref<32x128xf32, #tpu.memory_space<vmem_shared>>
      tpu.wait_dma2 semaphore(%run_scoped3A : memref<!tpu.dma_semaphore, #tpu.memory_space<semaphore_mem>>) src(%arg9 : memref<32x128xf32, #tpu.memory_space<vmem>>) dst(%dma_wait3A_102 : memref<32x128xf32, #tpu.memory_space<vmem_shared>>)
      tpu.yield
    }) : () -> ()
    %mul3A_31 = arith.constant 640 : i32
    %mul3A_32 = arith.muli %arg1, %mul3A_31 : i32
    %add3A_33 = arith.constant 192 : i32
    %add3A_34 = arith.addi %mul3A_32, %add3A_33 : i32
    "tpu.region"() ({
      %run_scoped3A = tpu.sem_alloc : memref<!tpu.dma_semaphore, #tpu.memory_space<semaphore_mem>>
      %dma_start3A = arith.constant 0 : i32
      %dma_start3A_97 = tpu.memref_slice %arg10[%add3A_34, %dma_start3A] : memref<10240x128xf32, #tpu.memory_space<vmem_shared>> -> memref<32x128xf32, #tpu.memory_space<vmem_shared>>
      %dma_start3A_98 = arith.constant 0 : i32
      %dma_start3A_99 = tpu.memref_slice %arg10[%add3A_34, %dma_start3A_98] : memref<10240x128xf32, #tpu.memory_space<vmem_shared>> -> memref<32x128xf32, #tpu.memory_space<vmem_shared>>
      tpu.enqueue_dma source(%arg9 : memref<32x128xf32, #tpu.memory_space<vmem>>) target(%dma_start3A_99 : memref<32x128xf32, #tpu.memory_space<vmem_shared>>) target_semaphore(%run_scoped3A : memref<!tpu.dma_semaphore, #tpu.memory_space<semaphore_mem>>)
      %dma_wait3A = arith.constant 0 : i32
      %dma_wait3A_100 = tpu.memref_slice %arg10[%add3A_34, %dma_wait3A] : memref<10240x128xf32, #tpu.memory_space<vmem_shared>> -> memref<32x128xf32, #tpu.memory_space<vmem_shared>>
      %dma_wait3A_101 = arith.constant 0 : i32
      %dma_wait3A_102 = tpu.memref_slice %arg10[%add3A_34, %dma_wait3A_101] : memref<10240x128xf32, #tpu.memory_space<vmem_shared>> -> memref<32x128xf32, #tpu.memory_space<vmem_shared>>
      tpu.wait_dma2 semaphore(%run_scoped3A : memref<!tpu.dma_semaphore, #tpu.memory_space<semaphore_mem>>) src(%arg9 : memref<32x128xf32, #tpu.memory_space<vmem>>) dst(%dma_wait3A_102 : memref<32x128xf32, #tpu.memory_space<vmem_shared>>)
      tpu.yield
    }) : () -> ()
    %mul3A_35 = arith.constant 640 : i32
    %mul3A_36 = arith.muli %arg1, %mul3A_35 : i32
    %add3A_37 = arith.constant 224 : i32
    %add3A_38 = arith.addi %mul3A_36, %add3A_37 : i32
    "tpu.region"() ({
      %run_scoped3A = tpu.sem_alloc : memref<!tpu.dma_semaphore, #tpu.memory_space<semaphore_mem>>
      %dma_start3A = arith.constant 0 : i32
      %dma_start3A_97 = tpu.memref_slice %arg10[%add3A_38, %dma_start3A] : memref<10240x128xf32, #tpu.memory_space<vmem_shared>> -> memref<32x128xf32, #tpu.memory_space<vmem_shared>>
      %dma_start3A_98 = arith.constant 0 : i32
      %dma_start3A_99 = tpu.memref_slice %arg10[%add3A_38, %dma_start3A_98] : memref<10240x128xf32, #tpu.memory_space<vmem_shared>> -> memref<32x128xf32, #tpu.memory_space<vmem_shared>>
      tpu.enqueue_dma source(%arg9 : memref<32x128xf32, #tpu.memory_space<vmem>>) target(%dma_start3A_99 : memref<32x128xf32, #tpu.memory_space<vmem_shared>>) target_semaphore(%run_scoped3A : memref<!tpu.dma_semaphore, #tpu.memory_space<semaphore_mem>>)
      %dma_wait3A = arith.constant 0 : i32
      %dma_wait3A_100 = tpu.memref_slice %arg10[%add3A_38, %dma_wait3A] : memref<10240x128xf32, #tpu.memory_space<vmem_shared>> -> memref<32x128xf32, #tpu.memory_space<vmem_shared>>
      %dma_wait3A_101 = arith.constant 0 : i32
      %dma_wait3A_102 = tpu.memref_slice %arg10[%add3A_38, %dma_wait3A_101] : memref<10240x128xf32, #tpu.memory_space<vmem_shared>> -> memref<32x128xf32, #tpu.memory_space<vmem_shared>>
      tpu.wait_dma2 semaphore(%run_scoped3A : memref<!tpu.dma_semaphore, #tpu.memory_space<semaphore_mem>>) src(%arg9 : memref<32x128xf32, #tpu.memory_space<vmem>>) dst(%dma_wait3A_102 : memref<32x128xf32, #tpu.memory_space<vmem_shared>>)
      tpu.yield
    }) : () -> ()
    %mul3A_39 = arith.constant 640 : i32
    %mul3A_40 = arith.muli %arg1, %mul3A_39 : i32
    %add3A_41 = arith.constant 256 : i32
    %add3A_42 = arith.addi %mul3A_40, %add3A_41 : i32
    "tpu.region"() ({
      %run_scoped3A = tpu.sem_alloc : memref<!tpu.dma_semaphore, #tpu.memory_space<semaphore_mem>>
      %dma_start3A = arith.constant 0 : i32
      %dma_start3A_97 = tpu.memref_slice %arg10[%add3A_42, %dma_start3A] : memref<10240x128xf32, #tpu.memory_space<vmem_shared>> -> memref<32x128xf32, #tpu.memory_space<vmem_shared>>
      %dma_start3A_98 = arith.constant 0 : i32
      %dma_start3A_99 = tpu.memref_slice %arg10[%add3A_42, %dma_start3A_98] : memref<10240x128xf32, #tpu.memory_space<vmem_shared>> -> memref<32x128xf32, #tpu.memory_space<vmem_shared>>
      tpu.enqueue_dma source(%arg9 : memref<32x128xf32, #tpu.memory_space<vmem>>) target(%dma_start3A_99 : memref<32x128xf32, #tpu.memory_space<vmem_shared>>) target_semaphore(%run_scoped3A : memref<!tpu.dma_semaphore, #tpu.memory_space<semaphore_mem>>)
      %dma_wait3A = arith.constant 0 : i32
      %dma_wait3A_100 = tpu.memref_slice %arg10[%add3A_42, %dma_wait3A] : memref<10240x128xf32, #tpu.memory_space<vmem_shared>> -> memref<32x128xf32, #tpu.memory_space<vmem_shared>>
      %dma_wait3A_101 = arith.constant 0 : i32
      %dma_wait3A_102 = tpu.memref_slice %arg10[%add3A_42, %dma_wait3A_101] : memref<10240x128xf32, #tpu.memory_space<vmem_shared>> -> memref<32x128xf32, #tpu.memory_space<vmem_shared>>
      tpu.wait_dma2 semaphore(%run_scoped3A : memref<!tpu.dma_semaphore, #tpu.memory_space<semaphore_mem>>) src(%arg9 : memref<32x128xf32, #tpu.memory_space<vmem>>) dst(%dma_wait3A_102 : memref<32x128xf32, #tpu.memory_space<vmem_shared>>)
      tpu.yield
    }) : () -> ()
    %mul3A_43 = arith.constant 640 : i32
    %mul3A_44 = arith.muli %arg1, %mul3A_43 : i32
    %add3A_45 = arith.constant 288 : i32
    %add3A_46 = arith.addi %mul3A_44, %add3A_45 : i32
    "tpu.region"() ({
      %run_scoped3A = tpu.sem_alloc : memref<!tpu.dma_semaphore, #tpu.memory_space<semaphore_mem>>
      %dma_start3A = arith.constant 0 : i32
      %dma_start3A_97 = tpu.memref_slice %arg10[%add3A_46, %dma_start3A] : memref<10240x128xf32, #tpu.memory_space<vmem_shared>> -> memref<32x128xf32, #tpu.memory_space<vmem_shared>>
      %dma_start3A_98 = arith.constant 0 : i32
      %dma_start3A_99 = tpu.memref_slice %arg10[%add3A_46, %dma_start3A_98] : memref<10240x128xf32, #tpu.memory_space<vmem_shared>> -> memref<32x128xf32, #tpu.memory_space<vmem_shared>>
      tpu.enqueue_dma source(%arg9 : memref<32x128xf32, #tpu.memory_space<vmem>>) target(%dma_start3A_99 : memref<32x128xf32, #tpu.memory_space<vmem_shared>>) target_semaphore(%run_scoped3A : memref<!tpu.dma_semaphore, #tpu.memory_space<semaphore_mem>>)
      %dma_wait3A = arith.constant 0 : i32
      %dma_wait3A_100 = tpu.memref_slice %arg10[%add3A_46, %dma_wait3A] : memref<10240x128xf32, #tpu.memory_space<vmem_shared>> -> memref<32x128xf32, #tpu.memory_space<vmem_shared>>
      %dma_wait3A_101 = arith.constant 0 : i32
      %dma_wait3A_102 = tpu.memref_slice %arg10[%add3A_46, %dma_wait3A_101] : memref<10240x128xf32, #tpu.memory_space<vmem_shared>> -> memref<32x128xf32, #tpu.memory_space<vmem_shared>>
      tpu.wait_dma2 semaphore(%run_scoped3A : memref<!tpu.dma_semaphore, #tpu.memory_space<semaphore_mem>>) src(%arg9 : memref<32x128xf32, #tpu.memory_space<vmem>>) dst(%dma_wait3A_102 : memref<32x128xf32, #tpu.memory_space<vmem_shared>>)
      tpu.yield
    }) : () -> ()
    %mul3A_47 = arith.constant 640 : i32
    %mul3A_48 = arith.muli %arg1, %mul3A_47 : i32
    %add3A_49 = arith.constant 320 : i32
    %add3A_50 = arith.addi %mul3A_48, %add3A_49 : i32
    "tpu.region"() ({
      %run_scoped3A = tpu.sem_alloc : memref<!tpu.dma_semaphore, #tpu.memory_space<semaphore_mem>>
      %dma_start3A = arith.constant 0 : i32
      %dma_start3A_97 = tpu.memref_slice %arg10[%add3A_50, %dma_start3A] : memref<10240x128xf32, #tpu.memory_space<vmem_shared>> -> memref<32x128xf32, #tpu.memory_space<vmem_shared>>
      %dma_start3A_98 = arith.constant 0 : i32
      %dma_start3A_99 = tpu.memref_slice %arg10[%add3A_50, %dma_start3A_98] : memref<10240x128xf32, #tpu.memory_space<vmem_shared>> -> memref<32x128xf32, #tpu.memory_space<vmem_shared>>
      tpu.enqueue_dma source(%arg9 : memref<32x128xf32, #tpu.memory_space<vmem>>) target(%dma_start3A_99 : memref<32x128xf32, #tpu.memory_space<vmem_shared>>) target_semaphore(%run_scoped3A : memref<!tpu.dma_semaphore, #tpu.memory_space<semaphore_mem>>)
      %dma_wait3A = arith.constant 0 : i32
      %dma_wait3A_100 = tpu.memref_slice %arg10[%add3A_50, %dma_wait3A] : memref<10240x128xf32, #tpu.memory_space<vmem_shared>> -> memref<32x128xf32, #tpu.memory_space<vmem_shared>>
      %dma_wait3A_101 = arith.constant 0 : i32
      %dma_wait3A_102 = tpu.memref_slice %arg10[%add3A_50, %dma_wait3A_101] : memref<10240x128xf32, #tpu.memory_space<vmem_shared>> -> memref<32x128xf32, #tpu.memory_space<vmem_shared>>
      tpu.wait_dma2 semaphore(%run_scoped3A : memref<!tpu.dma_semaphore, #tpu.memory_space<semaphore_mem>>) src(%arg9 : memref<32x128xf32, #tpu.memory_space<vmem>>) dst(%dma_wait3A_102 : memref<32x128xf32, #tpu.memory_space<vmem_shared>>)
      tpu.yield
    }) : () -> ()
    %mul3A_51 = arith.constant 640 : i32
    %mul3A_52 = arith.muli %arg1, %mul3A_51 : i32
    %add3A_53 = arith.constant 352 : i32
    %add3A_54 = arith.addi %mul3A_52, %add3A_53 : i32
    "tpu.region"() ({
      %run_scoped3A = tpu.sem_alloc : memref<!tpu.dma_semaphore, #tpu.memory_space<semaphore_mem>>
      %dma_start3A = arith.constant 0 : i32
      %dma_start3A_97 = tpu.memref_slice %arg10[%add3A_54, %dma_start3A] : memref<10240x128xf32, #tpu.memory_space<vmem_shared>> -> memref<32x128xf32, #tpu.memory_space<vmem_shared>>
      %dma_start3A_98 = arith.constant 0 : i32
      %dma_start3A_99 = tpu.memref_slice %arg10[%add3A_54, %dma_start3A_98] : memref<10240x128xf32, #tpu.memory_space<vmem_shared>> -> memref<32x128xf32, #tpu.memory_space<vmem_shared>>
      tpu.enqueue_dma source(%arg9 : memref<32x128xf32, #tpu.memory_space<vmem>>) target(%dma_start3A_99 : memref<32x128xf32, #tpu.memory_space<vmem_shared>>) target_semaphore(%run_scoped3A : memref<!tpu.dma_semaphore, #tpu.memory_space<semaphore_mem>>)
      %dma_wait3A = arith.constant 0 : i32
      %dma_wait3A_100 = tpu.memref_slice %arg10[%add3A_54, %dma_wait3A] : memref<10240x128xf32, #tpu.memory_space<vmem_shared>> -> memref<32x128xf32, #tpu.memory_space<vmem_shared>>
      %dma_wait3A_101 = arith.constant 0 : i32
      %dma_wait3A_102 = tpu.memref_slice %arg10[%add3A_54, %dma_wait3A_101] : memref<10240x128xf32, #tpu.memory_space<vmem_shared>> -> memref<32x128xf32, #tpu.memory_space<vmem_shared>>
      tpu.wait_dma2 semaphore(%run_scoped3A : memref<!tpu.dma_semaphore, #tpu.memory_space<semaphore_mem>>) src(%arg9 : memref<32x128xf32, #tpu.memory_space<vmem>>) dst(%dma_wait3A_102 : memref<32x128xf32, #tpu.memory_space<vmem_shared>>)
      tpu.yield
    }) : () -> ()
    %mul3A_55 = arith.constant 640 : i32
    %mul3A_56 = arith.muli %arg1, %mul3A_55 : i32
    %add3A_57 = arith.constant 384 : i32
    %add3A_58 = arith.addi %mul3A_56, %add3A_57 : i32
    "tpu.region"() ({
      %run_scoped3A = tpu.sem_alloc : memref<!tpu.dma_semaphore, #tpu.memory_space<semaphore_mem>>
      %dma_start3A = arith.constant 0 : i32
      %dma_start3A_97 = tpu.memref_slice %arg10[%add3A_58, %dma_start3A] : memref<10240x128xf32, #tpu.memory_space<vmem_shared>> -> memref<32x128xf32, #tpu.memory_space<vmem_shared>>
      %dma_start3A_98 = arith.constant 0 : i32
      %dma_start3A_99 = tpu.memref_slice %arg10[%add3A_58, %dma_start3A_98] : memref<10240x128xf32, #tpu.memory_space<vmem_shared>> -> memref<32x128xf32, #tpu.memory_space<vmem_shared>>
      tpu.enqueue_dma source(%arg9 : memref<32x128xf32, #tpu.memory_space<vmem>>) target(%dma_start3A_99 : memref<32x128xf32, #tpu.memory_space<vmem_shared>>) target_semaphore(%run_scoped3A : memref<!tpu.dma_semaphore, #tpu.memory_space<semaphore_mem>>)
      %dma_wait3A = arith.constant 0 : i32
      %dma_wait3A_100 = tpu.memref_slice %arg10[%add3A_58, %dma_wait3A] : memref<10240x128xf32, #tpu.memory_space<vmem_shared>> -> memref<32x128xf32, #tpu.memory_space<vmem_shared>>
      %dma_wait3A_101 = arith.constant 0 : i32
      %dma_wait3A_102 = tpu.memref_slice %arg10[%add3A_58, %dma_wait3A_101] : memref<10240x128xf32, #tpu.memory_space<vmem_shared>> -> memref<32x128xf32, #tpu.memory_space<vmem_shared>>
      tpu.wait_dma2 semaphore(%run_scoped3A : memref<!tpu.dma_semaphore, #tpu.memory_space<semaphore_mem>>) src(%arg9 : memref<32x128xf32, #tpu.memory_space<vmem>>) dst(%dma_wait3A_102 : memref<32x128xf32, #tpu.memory_space<vmem_shared>>)
      tpu.yield
    }) : () -> ()
    %mul3A_59 = arith.constant 640 : i32
    %mul3A_60 = arith.muli %arg1, %mul3A_59 : i32
    %add3A_61 = arith.constant 416 : i32
    %add3A_62 = arith.addi %mul3A_60, %add3A_61 : i32
    "tpu.region"() ({
      %run_scoped3A = tpu.sem_alloc : memref<!tpu.dma_semaphore, #tpu.memory_space<semaphore_mem>>
      %dma_start3A = arith.constant 0 : i32
      %dma_start3A_97 = tpu.memref_slice %arg10[%add3A_62, %dma_start3A] : memref<10240x128xf32, #tpu.memory_space<vmem_shared>> -> memref<32x128xf32, #tpu.memory_space<vmem_shared>>
      %dma_start3A_98 = arith.constant 0 : i32
      %dma_start3A_99 = tpu.memref_slice %arg10[%add3A_62, %dma_start3A_98] : memref<10240x128xf32, #tpu.memory_space<vmem_shared>> -> memref<32x128xf32, #tpu.memory_space<vmem_shared>>
      tpu.enqueue_dma source(%arg9 : memref<32x128xf32, #tpu.memory_space<vmem>>) target(%dma_start3A_99 : memref<32x128xf32, #tpu.memory_space<vmem_shared>>) target_semaphore(%run_scoped3A : memref<!tpu.dma_semaphore, #tpu.memory_space<semaphore_mem>>)
      %dma_wait3A = arith.constant 0 : i32
      %dma_wait3A_100 = tpu.memref_slice %arg10[%add3A_62, %dma_wait3A] : memref<10240x128xf32, #tpu.memory_space<vmem_shared>> -> memref<32x128xf32, #tpu.memory_space<vmem_shared>>
      %dma_wait3A_101 = arith.constant 0 : i32
      %dma_wait3A_102 = tpu.memref_slice %arg10[%add3A_62, %dma_wait3A_101] : memref<10240x128xf32, #tpu.memory_space<vmem_shared>> -> memref<32x128xf32, #tpu.memory_space<vmem_shared>>
      tpu.wait_dma2 semaphore(%run_scoped3A : memref<!tpu.dma_semaphore, #tpu.memory_space<semaphore_mem>>) src(%arg9 : memref<32x128xf32, #tpu.memory_space<vmem>>) dst(%dma_wait3A_102 : memref<32x128xf32, #tpu.memory_space<vmem_shared>>)
      tpu.yield
    }) : () -> ()
    %mul3A_63 = arith.constant 640 : i32
    %mul3A_64 = arith.muli %arg1, %mul3A_63 : i32
    %add3A_65 = arith.constant 448 : i32
    %add3A_66 = arith.addi %mul3A_64, %add3A_65 : i32
    "tpu.region"() ({
      %run_scoped3A = tpu.sem_alloc : memref<!tpu.dma_semaphore, #tpu.memory_space<semaphore_mem>>
      %dma_start3A = arith.constant 0 : i32
      %dma_start3A_97 = tpu.memref_slice %arg10[%add3A_66, %dma_start3A] : memref<10240x128xf32, #tpu.memory_space<vmem_shared>> -> memref<32x128xf32, #tpu.memory_space<vmem_shared>>
      %dma_start3A_98 = arith.constant 0 : i32
      %dma_start3A_99 = tpu.memref_slice %arg10[%add3A_66, %dma_start3A_98] : memref<10240x128xf32, #tpu.memory_space<vmem_shared>> -> memref<32x128xf32, #tpu.memory_space<vmem_shared>>
      tpu.enqueue_dma source(%arg9 : memref<32x128xf32, #tpu.memory_space<vmem>>) target(%dma_start3A_99 : memref<32x128xf32, #tpu.memory_space<vmem_shared>>) target_semaphore(%run_scoped3A : memref<!tpu.dma_semaphore, #tpu.memory_space<semaphore_mem>>)
      %dma_wait3A = arith.constant 0 : i32
      %dma_wait3A_100 = tpu.memref_slice %arg10[%add3A_66, %dma_wait3A] : memref<10240x128xf32, #tpu.memory_space<vmem_shared>> -> memref<32x128xf32, #tpu.memory_space<vmem_shared>>
      %dma_wait3A_101 = arith.constant 0 : i32
      %dma_wait3A_102 = tpu.memref_slice %arg10[%add3A_66, %dma_wait3A_101] : memref<10240x128xf32, #tpu.memory_space<vmem_shared>> -> memref<32x128xf32, #tpu.memory_space<vmem_shared>>
      tpu.wait_dma2 semaphore(%run_scoped3A : memref<!tpu.dma_semaphore, #tpu.memory_space<semaphore_mem>>) src(%arg9 : memref<32x128xf32, #tpu.memory_space<vmem>>) dst(%dma_wait3A_102 : memref<32x128xf32, #tpu.memory_space<vmem_shared>>)
      tpu.yield
    }) : () -> ()
    %mul3A_67 = arith.constant 640 : i32
    %mul3A_68 = arith.muli %arg1, %mul3A_67 : i32
    %add3A_69 = arith.constant 480 : i32
    %add3A_70 = arith.addi %mul3A_68, %add3A_69 : i32
    "tpu.region"() ({
      %run_scoped3A = tpu.sem_alloc : memref<!tpu.dma_semaphore, #tpu.memory_space<semaphore_mem>>
      %dma_start3A = arith.constant 0 : i32
      %dma_start3A_97 = tpu.memref_slice %arg10[%add3A_70, %dma_start3A] : memref<10240x128xf32, #tpu.memory_space<vmem_shared>> -> memref<32x128xf32, #tpu.memory_space<vmem_shared>>
      %dma_start3A_98 = arith.constant 0 : i32
      %dma_start3A_99 = tpu.memref_slice %arg10[%add3A_70, %dma_start3A_98] : memref<10240x128xf32, #tpu.memory_space<vmem_shared>> -> memref<32x128xf32, #tpu.memory_space<vmem_shared>>
      tpu.enqueue_dma source(%arg9 : memref<32x128xf32, #tpu.memory_space<vmem>>) target(%dma_start3A_99 : memref<32x128xf32, #tpu.memory_space<vmem_shared>>) target_semaphore(%run_scoped3A : memref<!tpu.dma_semaphore, #tpu.memory_space<semaphore_mem>>)
      %dma_wait3A = arith.constant 0 : i32
      %dma_wait3A_100 = tpu.memref_slice %arg10[%add3A_70, %dma_wait3A] : memref<10240x128xf32, #tpu.memory_space<vmem_shared>> -> memref<32x128xf32, #tpu.memory_space<vmem_shared>>
      %dma_wait3A_101 = arith.constant 0 : i32
      %dma_wait3A_102 = tpu.memref_slice %arg10[%add3A_70, %dma_wait3A_101] : memref<10240x128xf32, #tpu.memory_space<vmem_shared>> -> memref<32x128xf32, #tpu.memory_space<vmem_shared>>
      tpu.wait_dma2 semaphore(%run_scoped3A : memref<!tpu.dma_semaphore, #tpu.memory_space<semaphore_mem>>) src(%arg9 : memref<32x128xf32, #tpu.memory_space<vmem>>) dst(%dma_wait3A_102 : memref<32x128xf32, #tpu.memory_space<vmem_shared>>)
      tpu.yield
    }) : () -> ()
    %mul3A_71 = arith.constant 640 : i32
    %mul3A_72 = arith.muli %arg1, %mul3A_71 : i32
    %add3A_73 = arith.constant 512 : i32
    %add3A_74 = arith.addi %mul3A_72, %add3A_73 : i32
    "tpu.region"() ({
      %run_scoped3A = tpu.sem_alloc : memref<!tpu.dma_semaphore, #tpu.memory_space<semaphore_mem>>
      %dma_start3A = arith.constant 0 : i32
      %dma_start3A_97 = tpu.memref_slice %arg10[%add3A_74, %dma_start3A] : memref<10240x128xf32, #tpu.memory_space<vmem_shared>> -> memref<32x128xf32, #tpu.memory_space<vmem_shared>>
      %dma_start3A_98 = arith.constant 0 : i32
      %dma_start3A_99 = tpu.memref_slice %arg10[%add3A_74, %dma_start3A_98] : memref<10240x128xf32, #tpu.memory_space<vmem_shared>> -> memref<32x128xf32, #tpu.memory_space<vmem_shared>>
      tpu.enqueue_dma source(%arg9 : memref<32x128xf32, #tpu.memory_space<vmem>>) target(%dma_start3A_99 : memref<32x128xf32, #tpu.memory_space<vmem_shared>>) target_semaphore(%run_scoped3A : memref<!tpu.dma_semaphore, #tpu.memory_space<semaphore_mem>>)
      %dma_wait3A = arith.constant 0 : i32
      %dma_wait3A_100 = tpu.memref_slice %arg10[%add3A_74, %dma_wait3A] : memref<10240x128xf32, #tpu.memory_space<vmem_shared>> -> memref<32x128xf32, #tpu.memory_space<vmem_shared>>
      %dma_wait3A_101 = arith.constant 0 : i32
      %dma_wait3A_102 = tpu.memref_slice %arg10[%add3A_74, %dma_wait3A_101] : memref<10240x128xf32, #tpu.memory_space<vmem_shared>> -> memref<32x128xf32, #tpu.memory_space<vmem_shared>>
      tpu.wait_dma2 semaphore(%run_scoped3A : memref<!tpu.dma_semaphore, #tpu.memory_space<semaphore_mem>>) src(%arg9 : memref<32x128xf32, #tpu.memory_space<vmem>>) dst(%dma_wait3A_102 : memref<32x128xf32, #tpu.memory_space<vmem_shared>>)
      tpu.yield
    }) : () -> ()
    %mul3A_75 = arith.constant 640 : i32
    %mul3A_76 = arith.muli %arg1, %mul3A_75 : i32
    %add3A_77 = arith.constant 544 : i32
    %add3A_78 = arith.addi %mul3A_76, %add3A_77 : i32
    "tpu.region"() ({
      %run_scoped3A = tpu.sem_alloc : memref<!tpu.dma_semaphore, #tpu.memory_space<semaphore_mem>>
      %dma_start3A = arith.constant 0 : i32
      %dma_start3A_97 = tpu.memref_slice %arg10[%add3A_78, %dma_start3A] : memref<10240x128xf32, #tpu.memory_space<vmem_shared>> -> memref<32x128xf32, #tpu.memory_space<vmem_shared>>
      %dma_start3A_98 = arith.constant 0 : i32
      %dma_start3A_99 = tpu.memref_slice %arg10[%add3A_78, %dma_start3A_98] : memref<10240x128xf32, #tpu.memory_space<vmem_shared>> -> memref<32x128xf32, #tpu.memory_space<vmem_shared>>
      tpu.enqueue_dma source(%arg9 : memref<32x128xf32, #tpu.memory_space<vmem>>) target(%dma_start3A_99 : memref<32x128xf32, #tpu.memory_space<vmem_shared>>) target_semaphore(%run_scoped3A : memref<!tpu.dma_semaphore, #tpu.memory_space<semaphore_mem>>)
      %dma_wait3A = arith.constant 0 : i32
      %dma_wait3A_100 = tpu.memref_slice %arg10[%add3A_78, %dma_wait3A] : memref<10240x128xf32, #tpu.memory_space<vmem_shared>> -> memref<32x128xf32, #tpu.memory_space<vmem_shared>>
      %dma_wait3A_101 = arith.constant 0 : i32
      %dma_wait3A_102 = tpu.memref_slice %arg10[%add3A_78, %dma_wait3A_101] : memref<10240x128xf32, #tpu.memory_space<vmem_shared>> -> memref<32x128xf32, #tpu.memory_space<vmem_shared>>
      tpu.wait_dma2 semaphore(%run_scoped3A : memref<!tpu.dma_semaphore, #tpu.memory_space<semaphore_mem>>) src(%arg9 : memref<32x128xf32, #tpu.memory_space<vmem>>) dst(%dma_wait3A_102 : memref<32x128xf32, #tpu.memory_space<vmem_shared>>)
      tpu.yield
    }) : () -> ()
    %mul3A_79 = arith.constant 640 : i32
    %mul3A_80 = arith.muli %arg1, %mul3A_79 : i32
    %add3A_81 = arith.constant 576 : i32
    %add3A_82 = arith.addi %mul3A_80, %add3A_81 : i32
    "tpu.region"() ({
      %run_scoped3A = tpu.sem_alloc : memref<!tpu.dma_semaphore, #tpu.memory_space<semaphore_mem>>
      %dma_start3A = arith.constant 0 : i32
      %dma_start3A_97 = tpu.memref_slice %arg10[%add3A_82, %dma_start3A] : memref<10240x128xf32, #tpu.memory_space<vmem_shared>> -> memref<32x128xf32, #tpu.memory_space<vmem_shared>>
      %dma_start3A_98 = arith.constant 0 : i32
      %dma_start3A_99 = tpu.memref_slice %arg10[%add3A_82, %dma_start3A_98] : memref<10240x128xf32, #tpu.memory_space<vmem_shared>> -> memref<32x128xf32, #tpu.memory_space<vmem_shared>>
      tpu.enqueue_dma source(%arg9 : memref<32x128xf32, #tpu.memory_space<vmem>>) target(%dma_start3A_99 : memref<32x128xf32, #tpu.memory_space<vmem_shared>>) target_semaphore(%run_scoped3A : memref<!tpu.dma_semaphore, #tpu.memory_space<semaphore_mem>>)
      %dma_wait3A = arith.constant 0 : i32
      %dma_wait3A_100 = tpu.memref_slice %arg10[%add3A_82, %dma_wait3A] : memref<10240x128xf32, #tpu.memory_space<vmem_shared>> -> memref<32x128xf32, #tpu.memory_space<vmem_shared>>
      %dma_wait3A_101 = arith.constant 0 : i32
      %dma_wait3A_102 = tpu.memref_slice %arg10[%add3A_82, %dma_wait3A_101] : memref<10240x128xf32, #tpu.memory_space<vmem_shared>> -> memref<32x128xf32, #tpu.memory_space<vmem_shared>>
      tpu.wait_dma2 semaphore(%run_scoped3A : memref<!tpu.dma_semaphore, #tpu.memory_space<semaphore_mem>>) src(%arg9 : memref<32x128xf32, #tpu.memory_space<vmem>>) dst(%dma_wait3A_102 : memref<32x128xf32, #tpu.memory_space<vmem_shared>>)
      tpu.yield
    }) : () -> ()
    %mul3A_83 = arith.constant 640 : i32
    %mul3A_84 = arith.muli %arg1, %mul3A_83 : i32
    %add3A_85 = arith.constant 608 : i32
    %add3A_86 = arith.addi %mul3A_84, %add3A_85 : i32
    "tpu.region"() ({
      %run_scoped3A = tpu.sem_alloc : memref<!tpu.dma_semaphore, #tpu.memory_space<semaphore_mem>>
      %dma_start3A = arith.constant 0 : i32
      %dma_start3A_97 = tpu.memref_slice %arg10[%add3A_86, %dma_start3A] : memref<10240x128xf32, #tpu.memory_space<vmem_shared>> -> memref<32x128xf32, #tpu.memory_space<vmem_shared>>
      %dma_start3A_98 = arith.constant 0 : i32
      %dma_start3A_99 = tpu.memref_slice %arg10[%add3A_86, %dma_start3A_98] : memref<10240x128xf32, #tpu.memory_space<vmem_shared>> -> memref<32x128xf32, #tpu.memory_space<vmem_shared>>
      tpu.enqueue_dma source(%arg9 : memref<32x128xf32, #tpu.memory_space<vmem>>) target(%dma_start3A_99 : memref<32x128xf32, #tpu.memory_space<vmem_shared>>) target_semaphore(%run_scoped3A : memref<!tpu.dma_semaphore, #tpu.memory_space<semaphore_mem>>)
      %dma_wait3A = arith.constant 0 : i32
      %dma_wait3A_100 = tpu.memref_slice %arg10[%add3A_86, %dma_wait3A] : memref<10240x128xf32, #tpu.memory_space<vmem_shared>> -> memref<32x128xf32, #tpu.memory_space<vmem_shared>>
      %dma_wait3A_101 = arith.constant 0 : i32
      %dma_wait3A_102 = tpu.memref_slice %arg10[%add3A_86, %dma_wait3A_101] : memref<10240x128xf32, #tpu.memory_space<vmem_shared>> -> memref<32x128xf32, #tpu.memory_space<vmem_shared>>
      tpu.wait_dma2 semaphore(%run_scoped3A : memref<!tpu.dma_semaphore, #tpu.memory_space<semaphore_mem>>) src(%arg9 : memref<32x128xf32, #tpu.memory_space<vmem>>) dst(%dma_wait3A_102 : memref<32x128xf32, #tpu.memory_space<vmem_shared>>)
      tpu.yield
    }) : () -> ()
    "tpu.region"() ({
      %run_scoped3A = tpu.sem_alloc : memref<!tpu.dma_semaphore, #tpu.memory_space<semaphore_mem>>
      %dma_start3A = arith.constant 0 : i32
      %dma_start3A_97 = arith.constant 0 : i32
      %dma_start3A_98 = tpu.memref_slice %arg2[%add3A, %dma_start3A, %dma_start3A_97] : memref<32x79x128xi32, #tpu.memory_space<hbm>> -> memref<1x79x128xi32, #tpu.memory_space<hbm>>
      %dma_start3A_99 = tpu.memref_squeeze %dma_start3A_98 : memref<1x79x128xi32, #tpu.memory_space<hbm>> -> memref<79x128xi32, #tpu.memory_space<hbm>>
      %dma_start3A_100 = arith.constant 0 : i32
      %dma_start3A_101 = arith.constant 0 : i32
      %dma_start3A_102 = tpu.memref_slice %arg2[%add3A, %dma_start3A_100, %dma_start3A_101] : memref<32x79x128xi32, #tpu.memory_space<hbm>> -> memref<1x79x128xi32, #tpu.memory_space<hbm>>
      %dma_start3A_103 = tpu.memref_squeeze %dma_start3A_102 : memref<1x79x128xi32, #tpu.memory_space<hbm>> -> memref<79x128xi32, #tpu.memory_space<hbm>>
      tpu.enqueue_dma source(%dma_start3A_103 : memref<79x128xi32, #tpu.memory_space<hbm>>) target(%arg6 : memref<79x128xi32, #tpu.memory_space<vmem>>) target_semaphore(%run_scoped3A : memref<!tpu.dma_semaphore, #tpu.memory_space<semaphore_mem>>)
      %dma_wait3A = arith.constant 0 : i32
      %dma_wait3A_104 = arith.constant 0 : i32
      %dma_wait3A_105 = tpu.memref_slice %arg2[%add3A, %dma_wait3A, %dma_wait3A_104] : memref<32x79x128xi32, #tpu.memory_space<hbm>> -> memref<1x79x128xi32, #tpu.memory_space<hbm>>
      %dma_wait3A_106 = tpu.memref_squeeze %dma_wait3A_105 : memref<1x79x128xi32, #tpu.memory_space<hbm>> -> memref<79x128xi32, #tpu.memory_space<hbm>>
      %dma_wait3A_107 = arith.constant 0 : i32
      %dma_wait3A_108 = arith.constant 0 : i32
      %dma_wait3A_109 = tpu.memref_slice %arg2[%add3A, %dma_wait3A_107, %dma_wait3A_108] : memref<32x79x128xi32, #tpu.memory_space<hbm>> -> memref<1x79x128xi32, #tpu.memory_space<hbm>>
      %dma_wait3A_110 = tpu.memref_squeeze %dma_wait3A_109 : memref<1x79x128xi32, #tpu.memory_space<hbm>> -> memref<79x128xi32, #tpu.memory_space<hbm>>
      tpu.wait_dma2 semaphore(%run_scoped3A : memref<!tpu.dma_semaphore, #tpu.memory_space<semaphore_mem>>) src(%dma_wait3A_110 : memref<79x128xi32, #tpu.memory_space<hbm>>) dst(%arg6 : memref<79x128xi32, #tpu.memory_space<vmem>>)
      tpu.yield
    }) : () -> ()
    "tpu.region"() ({
      %run_scoped3A = tpu.sem_alloc : memref<!tpu.dma_semaphore, #tpu.memory_space<semaphore_mem>>
      %dma_start3A = arith.constant 0 : i32
      %dma_start3A_97 = arith.constant 0 : i32
      %dma_start3A_98 = tpu.memref_slice %arg3[%add3A, %dma_start3A, %dma_start3A_97] : memref<32x79x128xi32, #tpu.memory_space<hbm>> -> memref<1x79x128xi32, #tpu.memory_space<hbm>>
      %dma_start3A_99 = tpu.memref_squeeze %dma_start3A_98 : memref<1x79x128xi32, #tpu.memory_space<hbm>> -> memref<79x128xi32, #tpu.memory_space<hbm>>
      %dma_start3A_100 = arith.constant 0 : i32
      %dma_start3A_101 = arith.constant 0 : i32
      %dma_start3A_102 = tpu.memref_slice %arg3[%add3A, %dma_start3A_100, %dma_start3A_101] : memref<32x79x128xi32, #tpu.memory_space<hbm>> -> memref<1x79x128xi32, #tpu.memory_space<hbm>>
      %dma_start3A_103 = tpu.memref_squeeze %dma_start3A_102 : memref<1x79x128xi32, #tpu.memory_space<hbm>> -> memref<79x128xi32, #tpu.memory_space<hbm>>
      tpu.enqueue_dma source(%dma_start3A_103 : memref<79x128xi32, #tpu.memory_space<hbm>>) target(%arg7 : memref<79x128xi32, #tpu.memory_space<vmem>>) target_semaphore(%run_scoped3A : memref<!tpu.dma_semaphore, #tpu.memory_space<semaphore_mem>>)
      %dma_wait3A = arith.constant 0 : i32
      %dma_wait3A_104 = arith.constant 0 : i32
      %dma_wait3A_105 = tpu.memref_slice %arg3[%add3A, %dma_wait3A, %dma_wait3A_104] : memref<32x79x128xi32, #tpu.memory_space<hbm>> -> memref<1x79x128xi32, #tpu.memory_space<hbm>>
      %dma_wait3A_106 = tpu.memref_squeeze %dma_wait3A_105 : memref<1x79x128xi32, #tpu.memory_space<hbm>> -> memref<79x128xi32, #tpu.memory_space<hbm>>
      %dma_wait3A_107 = arith.constant 0 : i32
      %dma_wait3A_108 = arith.constant 0 : i32
      %dma_wait3A_109 = tpu.memref_slice %arg3[%add3A, %dma_wait3A_107, %dma_wait3A_108] : memref<32x79x128xi32, #tpu.memory_space<hbm>> -> memref<1x79x128xi32, #tpu.memory_space<hbm>>
      %dma_wait3A_110 = tpu.memref_squeeze %dma_wait3A_109 : memref<1x79x128xi32, #tpu.memory_space<hbm>> -> memref<79x128xi32, #tpu.memory_space<hbm>>
      tpu.wait_dma2 semaphore(%run_scoped3A : memref<!tpu.dma_semaphore, #tpu.memory_space<semaphore_mem>>) src(%dma_wait3A_110 : memref<79x128xi32, #tpu.memory_space<hbm>>) dst(%arg7 : memref<79x128xi32, #tpu.memory_space<vmem>>)
      tpu.yield
    }) : () -> ()
    %barrier3A = arith.constant 0 : index
    tpu.barrier barrier_id(%barrier3A)
    %scan3A_87 = arith.constant 0 : i32
    %scan3A_88 = arith.constant 0 : i32
    %scan3A_89 = arith.constant 79 : i32
    %scan3A_90 = arith.addi %scan3A_88, %scan3A_89 : i32
    %scan3A_91 = arith.constant 1 : i32
    %scan3A_92 = scf.for %scan3A_97 = %scan3A_88 to %scan3A_90 step %scan3A_91 iter_args(%scan3A_98 = %scan3A_87) -> (i32)  : i32 {
      %dma_start3A = arith.constant 0 : i32
      %dma_start3A_99 = tpu.memref_slice %arg6[%scan3A_97, %dma_start3A] : memref<79x128xi32, #tpu.memory_space<vmem>> -> memref<1x128xi32, #tpu.memory_space<vmem>>
      %dma_start3A_100 = tpu.memref_squeeze %dma_start3A_99 : memref<1x128xi32, #tpu.memory_space<vmem>> -> memref<128xi32, #tpu.memory_space<vmem>>
      %dma_start3A_101 = arith.constant 0 : i32
      %dma_start3A_102 = arith.constant 0 : i32
      %dma_start3A_103 = tpu.memref_slice %arg4[%dma_start3A_101, %dma_start3A_102] : memref<10240x128xf32, #tpu.memory_space<hbm>> -> memref<10240x128xf32, #tpu.memory_space<hbm>>
      tpu.enqueue_indirect_dma source(%dma_start3A_103 : memref<10240x128xf32, #tpu.memory_space<hbm>>) target(%arg8 : memref<128x128xf32, #tpu.memory_space<vmem>>) offsets(%dma_start3A_100 : memref<128xi32, #tpu.memory_space<vmem>>) semaphore(%arg11 : memref<!tpu.dma_semaphore, #tpu.memory_space<semaphore_mem>>)
      %dma_wait3A = arith.constant 0 : i32
      %dma_wait3A_104 = tpu.memref_slice %arg6[%scan3A_97, %dma_wait3A] : memref<79x128xi32, #tpu.memory_space<vmem>> -> memref<1x128xi32, #tpu.memory_space<vmem>>
      %dma_wait3A_105 = tpu.memref_squeeze %dma_wait3A_104 : memref<1x128xi32, #tpu.memory_space<vmem>> -> memref<128xi32, #tpu.memory_space<vmem>>
      %dma_wait3A_106 = arith.constant 0 : i32
      %dma_wait3A_107 = arith.constant 0 : i32
      %dma_wait3A_108 = tpu.memref_slice %arg4[%dma_wait3A_106, %dma_wait3A_107] : memref<10240x128xf32, #tpu.memory_space<hbm>> -> memref<10240x128xf32, #tpu.memory_space<hbm>>
      tpu.wait_indirect_dma semaphore(%arg11 : memref<!tpu.dma_semaphore, #tpu.memory_space<semaphore_mem>>) src(%dma_wait3A_108 : memref<10240x128xf32, #tpu.memory_space<hbm>>) dst(%arg8 : memref<128x128xf32, #tpu.memory_space<vmem>>)
      "tpu.region"() ({
        %run_scoped3A = tpu.sem_alloc : memref<!tpu.dma_semaphore, #tpu.memory_space<semaphore_mem>>
        %dma_start3A_110 = arith.constant 0 : i32
        %dma_start3A_111 = tpu.memref_slice %arg7[%scan3A_97, %dma_start3A_110] : memref<79x128xi32, #tpu.memory_space<vmem>> -> memref<1x128xi32, #tpu.memory_space<vmem>>
        %dma_start3A_112 = tpu.memref_squeeze %dma_start3A_111 : memref<1x128xi32, #tpu.memory_space<vmem>> -> memref<128xi32, #tpu.memory_space<vmem>>
        %dma_start3A_113 = arith.constant 0 : i32
        %dma_start3A_114 = arith.constant 0 : i32
        %dma_start3A_115 = tpu.memref_slice %arg10[%dma_start3A_113, %dma_start3A_114] : memref<10240x128xf32, #tpu.memory_space<vmem_shared>> -> memref<10240x128xf32, #tpu.memory_space<vmem_shared>>
        tpu.enqueue_indirect_dma source(%arg8 : memref<128x128xf32, #tpu.memory_space<vmem>>) target(%dma_start3A_115 : memref<10240x128xf32, #tpu.memory_space<vmem_shared>>) offsets(%dma_start3A_112 : memref<128xi32, #tpu.memory_space<vmem>>) semaphore(%run_scoped3A : memref<!tpu.dma_semaphore, #tpu.memory_space<semaphore_mem>>) {add = true}
        %dma_wait3A_116 = arith.constant 0 : i32
        %dma_wait3A_117 = tpu.memref_slice %arg7[%scan3A_97, %dma_wait3A_116] : memref<79x128xi32, #tpu.memory_space<vmem>> -> memref<1x128xi32, #tpu.memory_space<vmem>>
        %dma_wait3A_118 = tpu.memref_squeeze %dma_wait3A_117 : memref<1x128xi32, #tpu.memory_space<vmem>> -> memref<128xi32, #tpu.memory_space<vmem>>
        %dma_wait3A_119 = arith.constant 0 : i32
        %dma_wait3A_120 = arith.constant 0 : i32
        %dma_wait3A_121 = tpu.memref_slice %arg10[%dma_wait3A_119, %dma_wait3A_120] : memref<10240x128xf32, #tpu.memory_space<vmem_shared>> -> memref<10240x128xf32, #tpu.memory_space<vmem_shared>>
        tpu.wait_indirect_dma semaphore(%run_scoped3A : memref<!tpu.dma_semaphore, #tpu.memory_space<semaphore_mem>>) src(%arg8 : memref<128x128xf32, #tpu.memory_space<vmem>>) dst(%dma_wait3A_121 : memref<10240x128xf32, #tpu.memory_space<vmem_shared>>)
        tpu.yield
      }) : () -> ()
      %scan3A_109 = arith.constant 0 : i32
      scf.yield %scan3A_109 : i32
    }
    %scan3A_93 = arith.constant 79 : i32
    %barrier3A_94 = arith.constant 0 : index
    tpu.barrier barrier_id(%barrier3A_94)
    %mul3A_95 = arith.constant 640 : i32
    %mul3A_96 = arith.muli %arg1, %mul3A_95 : i32
    "tpu.region"() ({
      %run_scoped3A = tpu.sem_alloc : memref<!tpu.dma_semaphore, #tpu.memory_space<semaphore_mem>>
      %dma_start3A = arith.constant 0 : i32
      %dma_start3A_97 = arith.constant 0 : i32
      %dma_start3A_98 = tpu.memref_slice %arg5[%arg0, %dma_start3A, %dma_start3A_97] : memref<2x10240x128xf32, #tpu.memory_space<hbm>> -> memref<1x10240x128xf32, #tpu.memory_space<hbm>>
      %dma_start3A_99 = tpu.memref_squeeze %dma_start3A_98 : memref<1x10240x128xf32, #tpu.memory_space<hbm>> -> memref<10240x128xf32, #tpu.memory_space<hbm>>
      %dma_start3A_100 = arith.constant 0 : i32
      %dma_start3A_101 = tpu.memref_slice %dma_start3A_99[%mul3A_96, %dma_start3A_100] : memref<10240x128xf32, #tpu.memory_space<hbm>> -> memref<640x128xf32, #tpu.memory_space<hbm>>
      %dma_start3A_102 = arith.constant 0 : i32
      %dma_start3A_103 = tpu.memref_slice %arg10[%mul3A_96, %dma_start3A_102] : memref<10240x128xf32, #tpu.memory_space<vmem_shared>> -> memref<640x128xf32, #tpu.memory_space<vmem_shared>>
      tpu.enqueue_dma source(%dma_start3A_103 : memref<640x128xf32, #tpu.memory_space<vmem_shared>>) target(%dma_start3A_101 : memref<640x128xf32, #tpu.memory_space<hbm>>) target_semaphore(%run_scoped3A : memref<!tpu.dma_semaphore, #tpu.memory_space<semaphore_mem>>)
      %dma_wait3A = arith.constant 0 : i32
      %dma_wait3A_104 = arith.constant 0 : i32
      %dma_wait3A_105 = tpu.memref_slice %arg5[%arg0, %dma_wait3A, %dma_wait3A_104] : memref<2x10240x128xf32, #tpu.memory_space<hbm>> -> memref<1x10240x128xf32, #tpu.memory_space<hbm>>
      %dma_wait3A_106 = tpu.memref_squeeze %dma_wait3A_105 : memref<1x10240x128xf32, #tpu.memory_space<hbm>> -> memref<10240x128xf32, #tpu.memory_space<hbm>>
      %dma_wait3A_107 = arith.constant 0 : i32
      %dma_wait3A_108 = tpu.memref_slice %dma_wait3A_106[%mul3A_96, %dma_wait3A_107] : memref<10240x128xf32, #tpu.memory_space<hbm>> -> memref<640x128xf32, #tpu.memory_space<hbm>>
      %dma_wait3A_109 = arith.constant 0 : i32
      %dma_wait3A_110 = tpu.memref_slice %arg10[%mul3A_96, %dma_wait3A_109] : memref<10240x128xf32, #tpu.memory_space<vmem_shared>> -> memref<640x128xf32, #tpu.memory_space<vmem_shared>>
      tpu.wait_dma2 semaphore(%run_scoped3A : memref<!tpu.dma_semaphore, #tpu.memory_space<semaphore_mem>>) src(%dma_wait3A_110 : memref<640x128xf32, #tpu.memory_space<vmem_shared>>) dst(%dma_wait3A_108 : memref<640x128xf32, #tpu.memory_space<hbm>>)
      tpu.yield
    }) : () -> ()
    return
  }
}

#map = affine_map<(d0, d1) -> (0, 0, 0)>
module attributes {stable_mosaic.version = 14 : i64} {
  func.func @_deg_kernel(%arg0: i32, %arg1: i32, %arg2: memref<32x79x128xi32, #tpu.memory_space<hbm>>, %arg3: memref<2x10240x128xf32, #tpu.memory_space<hbm>>, %arg4: memref<79x128xi32, #tpu.memory_space<vmem>>, %arg5: memref<128x128xf32, #tpu.memory_space<vmem>>, %arg6: memref<32x128xf32, #tpu.memory_space<vmem>>, %arg7: memref<10240x128xf32, #tpu.memory_space<vmem_shared>>, %arg8: memref<!tpu.dma_semaphore, #tpu.memory_space<semaphore_mem>>) attributes {dimension_semantics = [#tpu.dimension_semantics<core_parallel>, #tpu.dimension_semantics<subcore_parallel>], iteration_bounds = array<i64: 2, 16>, scalar_prefetch = 0 : i64, scratch_operands = 5 : i64, tpu.core_type = #tpu.core_type<sc_vector_subcore>, window_params = [{transform_indices = #map}, {transform_indices = #map}]} {
    %mul3A = arith.constant 2 : i32
    %mul3A_0 = arith.muli %arg1, %mul3A : i32
    %add3A = arith.addi %mul3A_0, %arg0 : i32
    %scan3A = arith.constant 0 : i32
    %scan3A_1 = arith.constant 0 : i32
    %scan3A_2 = arith.constant 128 : i32
    %scan3A_3 = arith.addi %scan3A_1, %scan3A_2 : i32
    %scan3A_4 = arith.constant 1 : i32
    %scan3A_5 = scf.for %scan3A_104 = %scan3A_1 to %scan3A_3 step %scan3A_4 iter_args(%scan3A_105 = %scan3A) -> (i32)  : i32 {
      %broadcast_in_dim3A = arith.constant 1.000000e+00 : f32
      %broadcast_in_dim3A_106 = vector.broadcast %broadcast_in_dim3A : f32 to vector<16xf32>
      %swap3A = arith.index_cast %scan3A_104 : i32 to index
      %swap3A_107 = arith.constant 0 : index
      %swap3A_108 = tpu.vector_load %arg5[%swap3A, %swap3A_107] {strides = array<i32>} : memref<128x128xf32, #tpu.memory_space<vmem>>, vector<1x16xf32>,
      %swap3A_109 = vector.shape_cast %swap3A_108 : vector<1x16xf32> to vector<16xf32>
      %swap3A_110 = vector.shape_cast %broadcast_in_dim3A_106 : vector<16xf32> to vector<1x16xf32>
      tpu.vector_store %arg5[%swap3A, %swap3A_107], %swap3A_110 {strides = array<i32>} : memref<128x128xf32, #tpu.memory_space<vmem>>, vector<1x16xf32>,
      %broadcast_in_dim3A_111 = arith.constant 1.000000e+00 : f32
      %broadcast_in_dim3A_112 = vector.broadcast %broadcast_in_dim3A_111 : f32 to vector<16xf32>
      %swap3A_113 = arith.index_cast %scan3A_104 : i32 to index
      %swap3A_114 = arith.constant 16 : index
      %swap3A_115 = tpu.vector_load %arg5[%swap3A_113, %swap3A_114] {strides = array<i32>} : memref<128x128xf32, #tpu.memory_space<vmem>>, vector<1x16xf32>,
      %swap3A_116 = vector.shape_cast %swap3A_115 : vector<1x16xf32> to vector<16xf32>
      %swap3A_117 = vector.shape_cast %broadcast_in_dim3A_112 : vector<16xf32> to vector<1x16xf32>
      tpu.vector_store %arg5[%swap3A_113, %swap3A_114], %swap3A_117 {strides = array<i32>} : memref<128x128xf32, #tpu.memory_space<vmem>>, vector<1x16xf32>,
      %broadcast_in_dim3A_118 = arith.constant 1.000000e+00 : f32
      %broadcast_in_dim3A_119 = vector.broadcast %broadcast_in_dim3A_118 : f32 to vector<16xf32>
      %swap3A_120 = arith.index_cast %scan3A_104 : i32 to index
      %swap3A_121 = arith.constant 32 : index
      %swap3A_122 = tpu.vector_load %arg5[%swap3A_120, %swap3A_121] {strides = array<i32>} : memref<128x128xf32, #tpu.memory_space<vmem>>, vector<1x16xf32>,
      %swap3A_123 = vector.shape_cast %swap3A_122 : vector<1x16xf32> to vector<16xf32>
      %swap3A_124 = vector.shape_cast %broadcast_in_dim3A_119 : vector<16xf32> to vector<1x16xf32>
      tpu.vector_store %arg5[%swap3A_120, %swap3A_121], %swap3A_124 {strides = array<i32>} : memref<128x128xf32, #tpu.memory_space<vmem>>, vector<1x16xf32>,
      %broadcast_in_dim3A_125 = arith.constant 1.000000e+00 : f32
      %broadcast_in_dim3A_126 = vector.broadcast %broadcast_in_dim3A_125 : f32 to vector<16xf32>
      %swap3A_127 = arith.index_cast %scan3A_104 : i32 to index
      %swap3A_128 = arith.constant 48 : index
      %swap3A_129 = tpu.vector_load %arg5[%swap3A_127, %swap3A_128] {strides = array<i32>} : memref<128x128xf32, #tpu.memory_space<vmem>>, vector<1x16xf32>,
      %swap3A_130 = vector.shape_cast %swap3A_129 : vector<1x16xf32> to vector<16xf32>
      %swap3A_131 = vector.shape_cast %broadcast_in_dim3A_126 : vector<16xf32> to vector<1x16xf32>
      tpu.vector_store %arg5[%swap3A_127, %swap3A_128], %swap3A_131 {strides = array<i32>} : memref<128x128xf32, #tpu.memory_space<vmem>>, vector<1x16xf32>,
      %broadcast_in_dim3A_132 = arith.constant 1.000000e+00 : f32
      %broadcast_in_dim3A_133 = vector.broadcast %broadcast_in_dim3A_132 : f32 to vector<16xf32>
      %swap3A_134 = arith.index_cast %scan3A_104 : i32 to index
      %swap3A_135 = arith.constant 64 : index
      %swap3A_136 = tpu.vector_load %arg5[%swap3A_134, %swap3A_135] {strides = array<i32>} : memref<128x128xf32, #tpu.memory_space<vmem>>, vector<1x16xf32>,
      %swap3A_137 = vector.shape_cast %swap3A_136 : vector<1x16xf32> to vector<16xf32>
      %swap3A_138 = vector.shape_cast %broadcast_in_dim3A_133 : vector<16xf32> to vector<1x16xf32>
      tpu.vector_store %arg5[%swap3A_134, %swap3A_135], %swap3A_138 {strides = array<i32>} : memref<128x128xf32, #tpu.memory_space<vmem>>, vector<1x16xf32>,
      %broadcast_in_dim3A_139 = arith.constant 1.000000e+00 : f32
      %broadcast_in_dim3A_140 = vector.broadcast %broadcast_in_dim3A_139 : f32 to vector<16xf32>
      %swap3A_141 = arith.index_cast %scan3A_104 : i32 to index
      %swap3A_142 = arith.constant 80 : index
      %swap3A_143 = tpu.vector_load %arg5[%swap3A_141, %swap3A_142] {strides = array<i32>} : memref<128x128xf32, #tpu.memory_space<vmem>>, vector<1x16xf32>,
      %swap3A_144 = vector.shape_cast %swap3A_143 : vector<1x16xf32> to vector<16xf32>
      %swap3A_145 = vector.shape_cast %broadcast_in_dim3A_140 : vector<16xf32> to vector<1x16xf32>
      tpu.vector_store %arg5[%swap3A_141, %swap3A_142], %swap3A_145 {strides = array<i32>} : memref<128x128xf32, #tpu.memory_space<vmem>>, vector<1x16xf32>,
      %broadcast_in_dim3A_146 = arith.constant 1.000000e+00 : f32
      %broadcast_in_dim3A_147 = vector.broadcast %broadcast_in_dim3A_146 : f32 to vector<16xf32>
      %swap3A_148 = arith.index_cast %scan3A_104 : i32 to index
      %swap3A_149 = arith.constant 96 : index
      %swap3A_150 = tpu.vector_load %arg5[%swap3A_148, %swap3A_149] {strides = array<i32>} : memref<128x128xf32, #tpu.memory_space<vmem>>, vector<1x16xf32>,
      %swap3A_151 = vector.shape_cast %swap3A_150 : vector<1x16xf32> to vector<16xf32>
      %swap3A_152 = vector.shape_cast %broadcast_in_dim3A_147 : vector<16xf32> to vector<1x16xf32>
      tpu.vector_store %arg5[%swap3A_148, %swap3A_149], %swap3A_152 {strides = array<i32>} : memref<128x128xf32, #tpu.memory_space<vmem>>, vector<1x16xf32>,
      %broadcast_in_dim3A_153 = arith.constant 1.000000e+00 : f32
      %broadcast_in_dim3A_154 = vector.broadcast %broadcast_in_dim3A_153 : f32 to vector<16xf32>
      %swap3A_155 = arith.index_cast %scan3A_104 : i32 to index
      %swap3A_156 = arith.constant 112 : index
      %swap3A_157 = tpu.vector_load %arg5[%swap3A_155, %swap3A_156] {strides = array<i32>} : memref<128x128xf32, #tpu.memory_space<vmem>>, vector<1x16xf32>,
      %swap3A_158 = vector.shape_cast %swap3A_157 : vector<1x16xf32> to vector<16xf32>
      %swap3A_159 = vector.shape_cast %broadcast_in_dim3A_154 : vector<16xf32> to vector<1x16xf32>
      tpu.vector_store %arg5[%swap3A_155, %swap3A_156], %swap3A_159 {strides = array<i32>} : memref<128x128xf32, #tpu.memory_space<vmem>>, vector<1x16xf32>,
      %scan3A_160 = arith.constant 0 : i32
      scf.yield %scan3A_160 : i32
    }
    %scan3A_6 = arith.constant 128 : i32
    %scan3A_7 = arith.constant 0 : i32
    %scan3A_8 = arith.constant 0 : i32
    %scan3A_9 = arith.constant 32 : i32
    %scan3A_10 = arith.addi %scan3A_8, %scan3A_9 : i32
    %scan3A_11 = arith.constant 1 : i32
    %scan3A_12 = scf.for %scan3A_104 = %scan3A_8 to %scan3A_10 step %scan3A_11 iter_args(%scan3A_105 = %scan3A_7) -> (i32)  : i32 {
      %broadcast_in_dim3A = arith.constant 0.000000e+00 : f32
      %broadcast_in_dim3A_106 = vector.broadcast %broadcast_in_dim3A : f32 to vector<16xf32>
      %swap3A = arith.index_cast %scan3A_104 : i32 to index
      %swap3A_107 = arith.constant 0 : index
      %swap3A_108 = tpu.vector_load %arg6[%swap3A, %swap3A_107] {strides = array<i32>} : memref<32x128xf32, #tpu.memory_space<vmem>>, vector<1x16xf32>,
      %swap3A_109 = vector.shape_cast %swap3A_108 : vector<1x16xf32> to vector<16xf32>
      %swap3A_110 = vector.shape_cast %broadcast_in_dim3A_106 : vector<16xf32> to vector<1x16xf32>
      tpu.vector_store %arg6[%swap3A, %swap3A_107], %swap3A_110 {strides = array<i32>} : memref<32x128xf32, #tpu.memory_space<vmem>>, vector<1x16xf32>,
      %broadcast_in_dim3A_111 = arith.constant 0.000000e+00 : f32
      %broadcast_in_dim3A_112 = vector.broadcast %broadcast_in_dim3A_111 : f32 to vector<16xf32>
      %swap3A_113 = arith.index_cast %scan3A_104 : i32 to index
      %swap3A_114 = arith.constant 16 : index
      %swap3A_115 = tpu.vector_load %arg6[%swap3A_113, %swap3A_114] {strides = array<i32>} : memref<32x128xf32, #tpu.memory_space<vmem>>, vector<1x16xf32>,
      %swap3A_116 = vector.shape_cast %swap3A_115 : vector<1x16xf32> to vector<16xf32>
      %swap3A_117 = vector.shape_cast %broadcast_in_dim3A_112 : vector<16xf32> to vector<1x16xf32>
      tpu.vector_store %arg6[%swap3A_113, %swap3A_114], %swap3A_117 {strides = array<i32>} : memref<32x128xf32, #tpu.memory_space<vmem>>, vector<1x16xf32>,
      %broadcast_in_dim3A_118 = arith.constant 0.000000e+00 : f32
      %broadcast_in_dim3A_119 = vector.broadcast %broadcast_in_dim3A_118 : f32 to vector<16xf32>
      %swap3A_120 = arith.index_cast %scan3A_104 : i32 to index
      %swap3A_121 = arith.constant 32 : index
      %swap3A_122 = tpu.vector_load %arg6[%swap3A_120, %swap3A_121] {strides = array<i32>} : memref<32x128xf32, #tpu.memory_space<vmem>>, vector<1x16xf32>,
      %swap3A_123 = vector.shape_cast %swap3A_122 : vector<1x16xf32> to vector<16xf32>
      %swap3A_124 = vector.shape_cast %broadcast_in_dim3A_119 : vector<16xf32> to vector<1x16xf32>
      tpu.vector_store %arg6[%swap3A_120, %swap3A_121], %swap3A_124 {strides = array<i32>} : memref<32x128xf32, #tpu.memory_space<vmem>>, vector<1x16xf32>,
      %broadcast_in_dim3A_125 = arith.constant 0.000000e+00 : f32
      %broadcast_in_dim3A_126 = vector.broadcast %broadcast_in_dim3A_125 : f32 to vector<16xf32>
      %swap3A_127 = arith.index_cast %scan3A_104 : i32 to index
      %swap3A_128 = arith.constant 48 : index
      %swap3A_129 = tpu.vector_load %arg6[%swap3A_127, %swap3A_128] {strides = array<i32>} : memref<32x128xf32, #tpu.memory_space<vmem>>, vector<1x16xf32>,
      %swap3A_130 = vector.shape_cast %swap3A_129 : vector<1x16xf32> to vector<16xf32>
      %swap3A_131 = vector.shape_cast %broadcast_in_dim3A_126 : vector<16xf32> to vector<1x16xf32>
      tpu.vector_store %arg6[%swap3A_127, %swap3A_128], %swap3A_131 {strides = array<i32>} : memref<32x128xf32, #tpu.memory_space<vmem>>, vector<1x16xf32>,
      %broadcast_in_dim3A_132 = arith.constant 0.000000e+00 : f32
      %broadcast_in_dim3A_133 = vector.broadcast %broadcast_in_dim3A_132 : f32 to vector<16xf32>
      %swap3A_134 = arith.index_cast %scan3A_104 : i32 to index
      %swap3A_135 = arith.constant 64 : index
      %swap3A_136 = tpu.vector_load %arg6[%swap3A_134, %swap3A_135] {strides = array<i32>} : memref<32x128xf32, #tpu.memory_space<vmem>>, vector<1x16xf32>,
      %swap3A_137 = vector.shape_cast %swap3A_136 : vector<1x16xf32> to vector<16xf32>
      %swap3A_138 = vector.shape_cast %broadcast_in_dim3A_133 : vector<16xf32> to vector<1x16xf32>
      tpu.vector_store %arg6[%swap3A_134, %swap3A_135], %swap3A_138 {strides = array<i32>} : memref<32x128xf32, #tpu.memory_space<vmem>>, vector<1x16xf32>,
      %broadcast_in_dim3A_139 = arith.constant 0.000000e+00 : f32
      %broadcast_in_dim3A_140 = vector.broadcast %broadcast_in_dim3A_139 : f32 to vector<16xf32>
      %swap3A_141 = arith.index_cast %scan3A_104 : i32 to index
      %swap3A_142 = arith.constant 80 : index
      %swap3A_143 = tpu.vector_load %arg6[%swap3A_141, %swap3A_142] {strides = array<i32>} : memref<32x128xf32, #tpu.memory_space<vmem>>, vector<1x16xf32>,
      %swap3A_144 = vector.shape_cast %swap3A_143 : vector<1x16xf32> to vector<16xf32>
      %swap3A_145 = vector.shape_cast %broadcast_in_dim3A_140 : vector<16xf32> to vector<1x16xf32>
      tpu.vector_store %arg6[%swap3A_141, %swap3A_142], %swap3A_145 {strides = array<i32>} : memref<32x128xf32, #tpu.memory_space<vmem>>, vector<1x16xf32>,
      %broadcast_in_dim3A_146 = arith.constant 0.000000e+00 : f32
      %broadcast_in_dim3A_147 = vector.broadcast %broadcast_in_dim3A_146 : f32 to vector<16xf32>
      %swap3A_148 = arith.index_cast %scan3A_104 : i32 to index
      %swap3A_149 = arith.constant 96 : index
      %swap3A_150 = tpu.vector_load %arg6[%swap3A_148, %swap3A_149] {strides = array<i32>} : memref<32x128xf32, #tpu.memory_space<vmem>>, vector<1x16xf32>,
      %swap3A_151 = vector.shape_cast %swap3A_150 : vector<1x16xf32> to vector<16xf32>
      %swap3A_152 = vector.shape_cast %broadcast_in_dim3A_147 : vector<16xf32> to vector<1x16xf32>
      tpu.vector_store %arg6[%swap3A_148, %swap3A_149], %swap3A_152 {strides = array<i32>} : memref<32x128xf32, #tpu.memory_space<vmem>>, vector<1x16xf32>,
      %broadcast_in_dim3A_153 = arith.constant 0.000000e+00 : f32
      %broadcast_in_dim3A_154 = vector.broadcast %broadcast_in_dim3A_153 : f32 to vector<16xf32>
      %swap3A_155 = arith.index_cast %scan3A_104 : i32 to index
      %swap3A_156 = arith.constant 112 : index
      %swap3A_157 = tpu.vector_load %arg6[%swap3A_155, %swap3A_156] {strides = array<i32>} : memref<32x128xf32, #tpu.memory_space<vmem>>, vector<1x16xf32>,
      %swap3A_158 = vector.shape_cast %swap3A_157 : vector<1x16xf32> to vector<16xf32>
      %swap3A_159 = vector.shape_cast %broadcast_in_dim3A_154 : vector<16xf32> to vector<1x16xf32>
      tpu.vector_store %arg6[%swap3A_155, %swap3A_156], %swap3A_159 {strides = array<i32>} : memref<32x128xf32, #tpu.memory_space<vmem>>, vector<1x16xf32>,
      %scan3A_160 = arith.constant 0 : i32
      scf.yield %scan3A_160 : i32
    }
    %scan3A_13 = arith.constant 32 : i32
    %mul3A_14 = arith.constant 640 : i32
    %mul3A_15 = arith.muli %arg1, %mul3A_14 : i32
    %add3A_16 = arith.constant 0 : i32
    %add3A_17 = arith.addi %mul3A_15, %add3A_16 : i32
    "tpu.region"() ({
      %run_scoped3A = tpu.sem_alloc : memref<!tpu.dma_semaphore, #tpu.memory_space<semaphore_mem>>
      %dma_start3A = arith.constant 0 : i32
      %dma_start3A_104 = tpu.memref_slice %arg7[%add3A_17, %dma_start3A] : memref<10240x128xf32, #tpu.memory_space<vmem_shared>> -> memref<32x128xf32, #tpu.memory_space<vmem_shared>>
      %dma_start3A_105 = arith.constant 0 : i32
      %dma_start3A_106 = tpu.memref_slice %arg7[%add3A_17, %dma_start3A_105] : memref<10240x128xf32, #tpu.memory_space<vmem_shared>> -> memref<32x128xf32, #tpu.memory_space<vmem_shared>>
      tpu.enqueue_dma source(%arg6 : memref<32x128xf32, #tpu.memory_space<vmem>>) target(%dma_start3A_106 : memref<32x128xf32, #tpu.memory_space<vmem_shared>>) target_semaphore(%run_scoped3A : memref<!tpu.dma_semaphore, #tpu.memory_space<semaphore_mem>>)
      %dma_wait3A = arith.constant 0 : i32
      %dma_wait3A_107 = tpu.memref_slice %arg7[%add3A_17, %dma_wait3A] : memref<10240x128xf32, #tpu.memory_space<vmem_shared>> -> memref<32x128xf32, #tpu.memory_space<vmem_shared>>
      %dma_wait3A_108 = arith.constant 0 : i32
      %dma_wait3A_109 = tpu.memref_slice %arg7[%add3A_17, %dma_wait3A_108] : memref<10240x128xf32, #tpu.memory_space<vmem_shared>> -> memref<32x128xf32, #tpu.memory_space<vmem_shared>>
      tpu.wait_dma2 semaphore(%run_scoped3A : memref<!tpu.dma_semaphore, #tpu.memory_space<semaphore_mem>>) src(%arg6 : memref<32x128xf32, #tpu.memory_space<vmem>>) dst(%dma_wait3A_109 : memref<32x128xf32, #tpu.memory_space<vmem_shared>>)
      tpu.yield
    }) : () -> ()
    %mul3A_18 = arith.constant 640 : i32
    %mul3A_19 = arith.muli %arg1, %mul3A_18 : i32
    %add3A_20 = arith.constant 32 : i32
    %add3A_21 = arith.addi %mul3A_19, %add3A_20 : i32
    "tpu.region"() ({
      %run_scoped3A = tpu.sem_alloc : memref<!tpu.dma_semaphore, #tpu.memory_space<semaphore_mem>>
      %dma_start3A = arith.constant 0 : i32
      %dma_start3A_104 = tpu.memref_slice %arg7[%add3A_21, %dma_start3A] : memref<10240x128xf32, #tpu.memory_space<vmem_shared>> -> memref<32x128xf32, #tpu.memory_space<vmem_shared>>
      %dma_start3A_105 = arith.constant 0 : i32
      %dma_start3A_106 = tpu.memref_slice %arg7[%add3A_21, %dma_start3A_105] : memref<10240x128xf32, #tpu.memory_space<vmem_shared>> -> memref<32x128xf32, #tpu.memory_space<vmem_shared>>
      tpu.enqueue_dma source(%arg6 : memref<32x128xf32, #tpu.memory_space<vmem>>) target(%dma_start3A_106 : memref<32x128xf32, #tpu.memory_space<vmem_shared>>) target_semaphore(%run_scoped3A : memref<!tpu.dma_semaphore, #tpu.memory_space<semaphore_mem>>)
      %dma_wait3A = arith.constant 0 : i32
      %dma_wait3A_107 = tpu.memref_slice %arg7[%add3A_21, %dma_wait3A] : memref<10240x128xf32, #tpu.memory_space<vmem_shared>> -> memref<32x128xf32, #tpu.memory_space<vmem_shared>>
      %dma_wait3A_108 = arith.constant 0 : i32
      %dma_wait3A_109 = tpu.memref_slice %arg7[%add3A_21, %dma_wait3A_108] : memref<10240x128xf32, #tpu.memory_space<vmem_shared>> -> memref<32x128xf32, #tpu.memory_space<vmem_shared>>
      tpu.wait_dma2 semaphore(%run_scoped3A : memref<!tpu.dma_semaphore, #tpu.memory_space<semaphore_mem>>) src(%arg6 : memref<32x128xf32, #tpu.memory_space<vmem>>) dst(%dma_wait3A_109 : memref<32x128xf32, #tpu.memory_space<vmem_shared>>)
      tpu.yield
    }) : () -> ()
    %mul3A_22 = arith.constant 640 : i32
    %mul3A_23 = arith.muli %arg1, %mul3A_22 : i32
    %add3A_24 = arith.constant 64 : i32
    %add3A_25 = arith.addi %mul3A_23, %add3A_24 : i32
    "tpu.region"() ({
      %run_scoped3A = tpu.sem_alloc : memref<!tpu.dma_semaphore, #tpu.memory_space<semaphore_mem>>
      %dma_start3A = arith.constant 0 : i32
      %dma_start3A_104 = tpu.memref_slice %arg7[%add3A_25, %dma_start3A] : memref<10240x128xf32, #tpu.memory_space<vmem_shared>> -> memref<32x128xf32, #tpu.memory_space<vmem_shared>>
      %dma_start3A_105 = arith.constant 0 : i32
      %dma_start3A_106 = tpu.memref_slice %arg7[%add3A_25, %dma_start3A_105] : memref<10240x128xf32, #tpu.memory_space<vmem_shared>> -> memref<32x128xf32, #tpu.memory_space<vmem_shared>>
      tpu.enqueue_dma source(%arg6 : memref<32x128xf32, #tpu.memory_space<vmem>>) target(%dma_start3A_106 : memref<32x128xf32, #tpu.memory_space<vmem_shared>>) target_semaphore(%run_scoped3A : memref<!tpu.dma_semaphore, #tpu.memory_space<semaphore_mem>>)
      %dma_wait3A = arith.constant 0 : i32
      %dma_wait3A_107 = tpu.memref_slice %arg7[%add3A_25, %dma_wait3A] : memref<10240x128xf32, #tpu.memory_space<vmem_shared>> -> memref<32x128xf32, #tpu.memory_space<vmem_shared>>
      %dma_wait3A_108 = arith.constant 0 : i32
      %dma_wait3A_109 = tpu.memref_slice %arg7[%add3A_25, %dma_wait3A_108] : memref<10240x128xf32, #tpu.memory_space<vmem_shared>> -> memref<32x128xf32, #tpu.memory_space<vmem_shared>>
      tpu.wait_dma2 semaphore(%run_scoped3A : memref<!tpu.dma_semaphore, #tpu.memory_space<semaphore_mem>>) src(%arg6 : memref<32x128xf32, #tpu.memory_space<vmem>>) dst(%dma_wait3A_109 : memref<32x128xf32, #tpu.memory_space<vmem_shared>>)
      tpu.yield
    }) : () -> ()
    %mul3A_26 = arith.constant 640 : i32
    %mul3A_27 = arith.muli %arg1, %mul3A_26 : i32
    %add3A_28 = arith.constant 96 : i32
    %add3A_29 = arith.addi %mul3A_27, %add3A_28 : i32
    "tpu.region"() ({
      %run_scoped3A = tpu.sem_alloc : memref<!tpu.dma_semaphore, #tpu.memory_space<semaphore_mem>>
      %dma_start3A = arith.constant 0 : i32
      %dma_start3A_104 = tpu.memref_slice %arg7[%add3A_29, %dma_start3A] : memref<10240x128xf32, #tpu.memory_space<vmem_shared>> -> memref<32x128xf32, #tpu.memory_space<vmem_shared>>
      %dma_start3A_105 = arith.constant 0 : i32
      %dma_start3A_106 = tpu.memref_slice %arg7[%add3A_29, %dma_start3A_105] : memref<10240x128xf32, #tpu.memory_space<vmem_shared>> -> memref<32x128xf32, #tpu.memory_space<vmem_shared>>
      tpu.enqueue_dma source(%arg6 : memref<32x128xf32, #tpu.memory_space<vmem>>) target(%dma_start3A_106 : memref<32x128xf32, #tpu.memory_space<vmem_shared>>) target_semaphore(%run_scoped3A : memref<!tpu.dma_semaphore, #tpu.memory_space<semaphore_mem>>)
      %dma_wait3A = arith.constant 0 : i32
      %dma_wait3A_107 = tpu.memref_slice %arg7[%add3A_29, %dma_wait3A] : memref<10240x128xf32, #tpu.memory_space<vmem_shared>> -> memref<32x128xf32, #tpu.memory_space<vmem_shared>>
      %dma_wait3A_108 = arith.constant 0 : i32
      %dma_wait3A_109 = tpu.memref_slice %arg7[%add3A_29, %dma_wait3A_108] : memref<10240x128xf32, #tpu.memory_space<vmem_shared>> -> memref<32x128xf32, #tpu.memory_space<vmem_shared>>
      tpu.wait_dma2 semaphore(%run_scoped3A : memref<!tpu.dma_semaphore, #tpu.memory_space<semaphore_mem>>) src(%arg6 : memref<32x128xf32, #tpu.memory_space<vmem>>) dst(%dma_wait3A_109 : memref<32x128xf32, #tpu.memory_space<vmem_shared>>)
      tpu.yield
    }) : () -> ()
    %mul3A_30 = arith.constant 640 : i32
    %mul3A_31 = arith.muli %arg1, %mul3A_30 : i32
    %add3A_32 = arith.constant 128 : i32
    %add3A_33 = arith.addi %mul3A_31, %add3A_32 : i32
    "tpu.region"() ({
      %run_scoped3A = tpu.sem_alloc : memref<!tpu.dma_semaphore, #tpu.memory_space<semaphore_mem>>
      %dma_start3A = arith.constant 0 : i32
      %dma_start3A_104 = tpu.memref_slice %arg7[%add3A_33, %dma_start3A] : memref<10240x128xf32, #tpu.memory_space<vmem_shared>> -> memref<32x128xf32, #tpu.memory_space<vmem_shared>>
      %dma_start3A_105 = arith.constant 0 : i32
      %dma_start3A_106 = tpu.memref_slice %arg7[%add3A_33, %dma_start3A_105] : memref<10240x128xf32, #tpu.memory_space<vmem_shared>> -> memref<32x128xf32, #tpu.memory_space<vmem_shared>>
      tpu.enqueue_dma source(%arg6 : memref<32x128xf32, #tpu.memory_space<vmem>>) target(%dma_start3A_106 : memref<32x128xf32, #tpu.memory_space<vmem_shared>>) target_semaphore(%run_scoped3A : memref<!tpu.dma_semaphore, #tpu.memory_space<semaphore_mem>>)
      %dma_wait3A = arith.constant 0 : i32
      %dma_wait3A_107 = tpu.memref_slice %arg7[%add3A_33, %dma_wait3A] : memref<10240x128xf32, #tpu.memory_space<vmem_shared>> -> memref<32x128xf32, #tpu.memory_space<vmem_shared>>
      %dma_wait3A_108 = arith.constant 0 : i32
      %dma_wait3A_109 = tpu.memref_slice %arg7[%add3A_33, %dma_wait3A_108] : memref<10240x128xf32, #tpu.memory_space<vmem_shared>> -> memref<32x128xf32, #tpu.memory_space<vmem_shared>>
      tpu.wait_dma2 semaphore(%run_scoped3A : memref<!tpu.dma_semaphore, #tpu.memory_space<semaphore_mem>>) src(%arg6 : memref<32x128xf32, #tpu.memory_space<vmem>>) dst(%dma_wait3A_109 : memref<32x128xf32, #tpu.memory_space<vmem_shared>>)
      tpu.yield
    }) : () -> ()
    %mul3A_34 = arith.constant 640 : i32
    %mul3A_35 = arith.muli %arg1, %mul3A_34 : i32
    %add3A_36 = arith.constant 160 : i32
    %add3A_37 = arith.addi %mul3A_35, %add3A_36 : i32
    "tpu.region"() ({
      %run_scoped3A = tpu.sem_alloc : memref<!tpu.dma_semaphore, #tpu.memory_space<semaphore_mem>>
      %dma_start3A = arith.constant 0 : i32
      %dma_start3A_104 = tpu.memref_slice %arg7[%add3A_37, %dma_start3A] : memref<10240x128xf32, #tpu.memory_space<vmem_shared>> -> memref<32x128xf32, #tpu.memory_space<vmem_shared>>
      %dma_start3A_105 = arith.constant 0 : i32
      %dma_start3A_106 = tpu.memref_slice %arg7[%add3A_37, %dma_start3A_105] : memref<10240x128xf32, #tpu.memory_space<vmem_shared>> -> memref<32x128xf32, #tpu.memory_space<vmem_shared>>
      tpu.enqueue_dma source(%arg6 : memref<32x128xf32, #tpu.memory_space<vmem>>) target(%dma_start3A_106 : memref<32x128xf32, #tpu.memory_space<vmem_shared>>) target_semaphore(%run_scoped3A : memref<!tpu.dma_semaphore, #tpu.memory_space<semaphore_mem>>)
      %dma_wait3A = arith.constant 0 : i32
      %dma_wait3A_107 = tpu.memref_slice %arg7[%add3A_37, %dma_wait3A] : memref<10240x128xf32, #tpu.memory_space<vmem_shared>> -> memref<32x128xf32, #tpu.memory_space<vmem_shared>>
      %dma_wait3A_108 = arith.constant 0 : i32
      %dma_wait3A_109 = tpu.memref_slice %arg7[%add3A_37, %dma_wait3A_108] : memref<10240x128xf32, #tpu.memory_space<vmem_shared>> -> memref<32x128xf32, #tpu.memory_space<vmem_shared>>
      tpu.wait_dma2 semaphore(%run_scoped3A : memref<!tpu.dma_semaphore, #tpu.memory_space<semaphore_mem>>) src(%arg6 : memref<32x128xf32, #tpu.memory_space<vmem>>) dst(%dma_wait3A_109 : memref<32x128xf32, #tpu.memory_space<vmem_shared>>)
      tpu.yield
    }) : () -> ()
    %mul3A_38 = arith.constant 640 : i32
    %mul3A_39 = arith.muli %arg1, %mul3A_38 : i32
    %add3A_40 = arith.constant 192 : i32
    %add3A_41 = arith.addi %mul3A_39, %add3A_40 : i32
    "tpu.region"() ({
      %run_scoped3A = tpu.sem_alloc : memref<!tpu.dma_semaphore, #tpu.memory_space<semaphore_mem>>
      %dma_start3A = arith.constant 0 : i32
      %dma_start3A_104 = tpu.memref_slice %arg7[%add3A_41, %dma_start3A] : memref<10240x128xf32, #tpu.memory_space<vmem_shared>> -> memref<32x128xf32, #tpu.memory_space<vmem_shared>>
      %dma_start3A_105 = arith.constant 0 : i32
      %dma_start3A_106 = tpu.memref_slice %arg7[%add3A_41, %dma_start3A_105] : memref<10240x128xf32, #tpu.memory_space<vmem_shared>> -> memref<32x128xf32, #tpu.memory_space<vmem_shared>>
      tpu.enqueue_dma source(%arg6 : memref<32x128xf32, #tpu.memory_space<vmem>>) target(%dma_start3A_106 : memref<32x128xf32, #tpu.memory_space<vmem_shared>>) target_semaphore(%run_scoped3A : memref<!tpu.dma_semaphore, #tpu.memory_space<semaphore_mem>>)
      %dma_wait3A = arith.constant 0 : i32
      %dma_wait3A_107 = tpu.memref_slice %arg7[%add3A_41, %dma_wait3A] : memref<10240x128xf32, #tpu.memory_space<vmem_shared>> -> memref<32x128xf32, #tpu.memory_space<vmem_shared>>
      %dma_wait3A_108 = arith.constant 0 : i32
      %dma_wait3A_109 = tpu.memref_slice %arg7[%add3A_41, %dma_wait3A_108] : memref<10240x128xf32, #tpu.memory_space<vmem_shared>> -> memref<32x128xf32, #tpu.memory_space<vmem_shared>>
      tpu.wait_dma2 semaphore(%run_scoped3A : memref<!tpu.dma_semaphore, #tpu.memory_space<semaphore_mem>>) src(%arg6 : memref<32x128xf32, #tpu.memory_space<vmem>>) dst(%dma_wait3A_109 : memref<32x128xf32, #tpu.memory_space<vmem_shared>>)
      tpu.yield
    }) : () -> ()
    %mul3A_42 = arith.constant 640 : i32
    %mul3A_43 = arith.muli %arg1, %mul3A_42 : i32
    %add3A_44 = arith.constant 224 : i32
    %add3A_45 = arith.addi %mul3A_43, %add3A_44 : i32
    "tpu.region"() ({
      %run_scoped3A = tpu.sem_alloc : memref<!tpu.dma_semaphore, #tpu.memory_space<semaphore_mem>>
      %dma_start3A = arith.constant 0 : i32
      %dma_start3A_104 = tpu.memref_slice %arg7[%add3A_45, %dma_start3A] : memref<10240x128xf32, #tpu.memory_space<vmem_shared>> -> memref<32x128xf32, #tpu.memory_space<vmem_shared>>
      %dma_start3A_105 = arith.constant 0 : i32
      %dma_start3A_106 = tpu.memref_slice %arg7[%add3A_45, %dma_start3A_105] : memref<10240x128xf32, #tpu.memory_space<vmem_shared>> -> memref<32x128xf32, #tpu.memory_space<vmem_shared>>
      tpu.enqueue_dma source(%arg6 : memref<32x128xf32, #tpu.memory_space<vmem>>) target(%dma_start3A_106 : memref<32x128xf32, #tpu.memory_space<vmem_shared>>) target_semaphore(%run_scoped3A : memref<!tpu.dma_semaphore, #tpu.memory_space<semaphore_mem>>)
      %dma_wait3A = arith.constant 0 : i32
      %dma_wait3A_107 = tpu.memref_slice %arg7[%add3A_45, %dma_wait3A] : memref<10240x128xf32, #tpu.memory_space<vmem_shared>> -> memref<32x128xf32, #tpu.memory_space<vmem_shared>>
      %dma_wait3A_108 = arith.constant 0 : i32
      %dma_wait3A_109 = tpu.memref_slice %arg7[%add3A_45, %dma_wait3A_108] : memref<10240x128xf32, #tpu.memory_space<vmem_shared>> -> memref<32x128xf32, #tpu.memory_space<vmem_shared>>
      tpu.wait_dma2 semaphore(%run_scoped3A : memref<!tpu.dma_semaphore, #tpu.memory_space<semaphore_mem>>) src(%arg6 : memref<32x128xf32, #tpu.memory_space<vmem>>) dst(%dma_wait3A_109 : memref<32x128xf32, #tpu.memory_space<vmem_shared>>)
      tpu.yield
    }) : () -> ()
    %mul3A_46 = arith.constant 640 : i32
    %mul3A_47 = arith.muli %arg1, %mul3A_46 : i32
    %add3A_48 = arith.constant 256 : i32
    %add3A_49 = arith.addi %mul3A_47, %add3A_48 : i32
    "tpu.region"() ({
      %run_scoped3A = tpu.sem_alloc : memref<!tpu.dma_semaphore, #tpu.memory_space<semaphore_mem>>
      %dma_start3A = arith.constant 0 : i32
      %dma_start3A_104 = tpu.memref_slice %arg7[%add3A_49, %dma_start3A] : memref<10240x128xf32, #tpu.memory_space<vmem_shared>> -> memref<32x128xf32, #tpu.memory_space<vmem_shared>>
      %dma_start3A_105 = arith.constant 0 : i32
      %dma_start3A_106 = tpu.memref_slice %arg7[%add3A_49, %dma_start3A_105] : memref<10240x128xf32, #tpu.memory_space<vmem_shared>> -> memref<32x128xf32, #tpu.memory_space<vmem_shared>>
      tpu.enqueue_dma source(%arg6 : memref<32x128xf32, #tpu.memory_space<vmem>>) target(%dma_start3A_106 : memref<32x128xf32, #tpu.memory_space<vmem_shared>>) target_semaphore(%run_scoped3A : memref<!tpu.dma_semaphore, #tpu.memory_space<semaphore_mem>>)
      %dma_wait3A = arith.constant 0 : i32
      %dma_wait3A_107 = tpu.memref_slice %arg7[%add3A_49, %dma_wait3A] : memref<10240x128xf32, #tpu.memory_space<vmem_shared>> -> memref<32x128xf32, #tpu.memory_space<vmem_shared>>
      %dma_wait3A_108 = arith.constant 0 : i32
      %dma_wait3A_109 = tpu.memref_slice %arg7[%add3A_49, %dma_wait3A_108] : memref<10240x128xf32, #tpu.memory_space<vmem_shared>> -> memref<32x128xf32, #tpu.memory_space<vmem_shared>>
      tpu.wait_dma2 semaphore(%run_scoped3A : memref<!tpu.dma_semaphore, #tpu.memory_space<semaphore_mem>>) src(%arg6 : memref<32x128xf32, #tpu.memory_space<vmem>>) dst(%dma_wait3A_109 : memref<32x128xf32, #tpu.memory_space<vmem_shared>>)
      tpu.yield
    }) : () -> ()
    %mul3A_50 = arith.constant 640 : i32
    %mul3A_51 = arith.muli %arg1, %mul3A_50 : i32
    %add3A_52 = arith.constant 288 : i32
    %add3A_53 = arith.addi %mul3A_51, %add3A_52 : i32
    "tpu.region"() ({
      %run_scoped3A = tpu.sem_alloc : memref<!tpu.dma_semaphore, #tpu.memory_space<semaphore_mem>>
      %dma_start3A = arith.constant 0 : i32
      %dma_start3A_104 = tpu.memref_slice %arg7[%add3A_53, %dma_start3A] : memref<10240x128xf32, #tpu.memory_space<vmem_shared>> -> memref<32x128xf32, #tpu.memory_space<vmem_shared>>
      %dma_start3A_105 = arith.constant 0 : i32
      %dma_start3A_106 = tpu.memref_slice %arg7[%add3A_53, %dma_start3A_105] : memref<10240x128xf32, #tpu.memory_space<vmem_shared>> -> memref<32x128xf32, #tpu.memory_space<vmem_shared>>
      tpu.enqueue_dma source(%arg6 : memref<32x128xf32, #tpu.memory_space<vmem>>) target(%dma_start3A_106 : memref<32x128xf32, #tpu.memory_space<vmem_shared>>) target_semaphore(%run_scoped3A : memref<!tpu.dma_semaphore, #tpu.memory_space<semaphore_mem>>)
      %dma_wait3A = arith.constant 0 : i32
      %dma_wait3A_107 = tpu.memref_slice %arg7[%add3A_53, %dma_wait3A] : memref<10240x128xf32, #tpu.memory_space<vmem_shared>> -> memref<32x128xf32, #tpu.memory_space<vmem_shared>>
      %dma_wait3A_108 = arith.constant 0 : i32
      %dma_wait3A_109 = tpu.memref_slice %arg7[%add3A_53, %dma_wait3A_108] : memref<10240x128xf32, #tpu.memory_space<vmem_shared>> -> memref<32x128xf32, #tpu.memory_space<vmem_shared>>
      tpu.wait_dma2 semaphore(%run_scoped3A : memref<!tpu.dma_semaphore, #tpu.memory_space<semaphore_mem>>) src(%arg6 : memref<32x128xf32, #tpu.memory_space<vmem>>) dst(%dma_wait3A_109 : memref<32x128xf32, #tpu.memory_space<vmem_shared>>)
      tpu.yield
    }) : () -> ()
    %mul3A_54 = arith.constant 640 : i32
    %mul3A_55 = arith.muli %arg1, %mul3A_54 : i32
    %add3A_56 = arith.constant 320 : i32
    %add3A_57 = arith.addi %mul3A_55, %add3A_56 : i32
    "tpu.region"() ({
      %run_scoped3A = tpu.sem_alloc : memref<!tpu.dma_semaphore, #tpu.memory_space<semaphore_mem>>
      %dma_start3A = arith.constant 0 : i32
      %dma_start3A_104 = tpu.memref_slice %arg7[%add3A_57, %dma_start3A] : memref<10240x128xf32, #tpu.memory_space<vmem_shared>> -> memref<32x128xf32, #tpu.memory_space<vmem_shared>>
      %dma_start3A_105 = arith.constant 0 : i32
      %dma_start3A_106 = tpu.memref_slice %arg7[%add3A_57, %dma_start3A_105] : memref<10240x128xf32, #tpu.memory_space<vmem_shared>> -> memref<32x128xf32, #tpu.memory_space<vmem_shared>>
      tpu.enqueue_dma source(%arg6 : memref<32x128xf32, #tpu.memory_space<vmem>>) target(%dma_start3A_106 : memref<32x128xf32, #tpu.memory_space<vmem_shared>>) target_semaphore(%run_scoped3A : memref<!tpu.dma_semaphore, #tpu.memory_space<semaphore_mem>>)
      %dma_wait3A = arith.constant 0 : i32
      %dma_wait3A_107 = tpu.memref_slice %arg7[%add3A_57, %dma_wait3A] : memref<10240x128xf32, #tpu.memory_space<vmem_shared>> -> memref<32x128xf32, #tpu.memory_space<vmem_shared>>
      %dma_wait3A_108 = arith.constant 0 : i32
      %dma_wait3A_109 = tpu.memref_slice %arg7[%add3A_57, %dma_wait3A_108] : memref<10240x128xf32, #tpu.memory_space<vmem_shared>> -> memref<32x128xf32, #tpu.memory_space<vmem_shared>>
      tpu.wait_dma2 semaphore(%run_scoped3A : memref<!tpu.dma_semaphore, #tpu.memory_space<semaphore_mem>>) src(%arg6 : memref<32x128xf32, #tpu.memory_space<vmem>>) dst(%dma_wait3A_109 : memref<32x128xf32, #tpu.memory_space<vmem_shared>>)
      tpu.yield
    }) : () -> ()
    %mul3A_58 = arith.constant 640 : i32
    %mul3A_59 = arith.muli %arg1, %mul3A_58 : i32
    %add3A_60 = arith.constant 352 : i32
    %add3A_61 = arith.addi %mul3A_59, %add3A_60 : i32
    "tpu.region"() ({
      %run_scoped3A = tpu.sem_alloc : memref<!tpu.dma_semaphore, #tpu.memory_space<semaphore_mem>>
      %dma_start3A = arith.constant 0 : i32
      %dma_start3A_104 = tpu.memref_slice %arg7[%add3A_61, %dma_start3A] : memref<10240x128xf32, #tpu.memory_space<vmem_shared>> -> memref<32x128xf32, #tpu.memory_space<vmem_shared>>
      %dma_start3A_105 = arith.constant 0 : i32
      %dma_start3A_106 = tpu.memref_slice %arg7[%add3A_61, %dma_start3A_105] : memref<10240x128xf32, #tpu.memory_space<vmem_shared>> -> memref<32x128xf32, #tpu.memory_space<vmem_shared>>
      tpu.enqueue_dma source(%arg6 : memref<32x128xf32, #tpu.memory_space<vmem>>) target(%dma_start3A_106 : memref<32x128xf32, #tpu.memory_space<vmem_shared>>) target_semaphore(%run_scoped3A : memref<!tpu.dma_semaphore, #tpu.memory_space<semaphore_mem>>)
      %dma_wait3A = arith.constant 0 : i32
      %dma_wait3A_107 = tpu.memref_slice %arg7[%add3A_61, %dma_wait3A] : memref<10240x128xf32, #tpu.memory_space<vmem_shared>> -> memref<32x128xf32, #tpu.memory_space<vmem_shared>>
      %dma_wait3A_108 = arith.constant 0 : i32
      %dma_wait3A_109 = tpu.memref_slice %arg7[%add3A_61, %dma_wait3A_108] : memref<10240x128xf32, #tpu.memory_space<vmem_shared>> -> memref<32x128xf32, #tpu.memory_space<vmem_shared>>
      tpu.wait_dma2 semaphore(%run_scoped3A : memref<!tpu.dma_semaphore, #tpu.memory_space<semaphore_mem>>) src(%arg6 : memref<32x128xf32, #tpu.memory_space<vmem>>) dst(%dma_wait3A_109 : memref<32x128xf32, #tpu.memory_space<vmem_shared>>)
      tpu.yield
    }) : () -> ()
    %mul3A_62 = arith.constant 640 : i32
    %mul3A_63 = arith.muli %arg1, %mul3A_62 : i32
    %add3A_64 = arith.constant 384 : i32
    %add3A_65 = arith.addi %mul3A_63, %add3A_64 : i32
    "tpu.region"() ({
      %run_scoped3A = tpu.sem_alloc : memref<!tpu.dma_semaphore, #tpu.memory_space<semaphore_mem>>
      %dma_start3A = arith.constant 0 : i32
      %dma_start3A_104 = tpu.memref_slice %arg7[%add3A_65, %dma_start3A] : memref<10240x128xf32, #tpu.memory_space<vmem_shared>> -> memref<32x128xf32, #tpu.memory_space<vmem_shared>>
      %dma_start3A_105 = arith.constant 0 : i32
      %dma_start3A_106 = tpu.memref_slice %arg7[%add3A_65, %dma_start3A_105] : memref<10240x128xf32, #tpu.memory_space<vmem_shared>> -> memref<32x128xf32, #tpu.memory_space<vmem_shared>>
      tpu.enqueue_dma source(%arg6 : memref<32x128xf32, #tpu.memory_space<vmem>>) target(%dma_start3A_106 : memref<32x128xf32, #tpu.memory_space<vmem_shared>>) target_semaphore(%run_scoped3A : memref<!tpu.dma_semaphore, #tpu.memory_space<semaphore_mem>>)
      %dma_wait3A = arith.constant 0 : i32
      %dma_wait3A_107 = tpu.memref_slice %arg7[%add3A_65, %dma_wait3A] : memref<10240x128xf32, #tpu.memory_space<vmem_shared>> -> memref<32x128xf32, #tpu.memory_space<vmem_shared>>
      %dma_wait3A_108 = arith.constant 0 : i32
      %dma_wait3A_109 = tpu.memref_slice %arg7[%add3A_65, %dma_wait3A_108] : memref<10240x128xf32, #tpu.memory_space<vmem_shared>> -> memref<32x128xf32, #tpu.memory_space<vmem_shared>>
      tpu.wait_dma2 semaphore(%run_scoped3A : memref<!tpu.dma_semaphore, #tpu.memory_space<semaphore_mem>>) src(%arg6 : memref<32x128xf32, #tpu.memory_space<vmem>>) dst(%dma_wait3A_109 : memref<32x128xf32, #tpu.memory_space<vmem_shared>>)
      tpu.yield
    }) : () -> ()
    %mul3A_66 = arith.constant 640 : i32
    %mul3A_67 = arith.muli %arg1, %mul3A_66 : i32
    %add3A_68 = arith.constant 416 : i32
    %add3A_69 = arith.addi %mul3A_67, %add3A_68 : i32
    "tpu.region"() ({
      %run_scoped3A = tpu.sem_alloc : memref<!tpu.dma_semaphore, #tpu.memory_space<semaphore_mem>>
      %dma_start3A = arith.constant 0 : i32
      %dma_start3A_104 = tpu.memref_slice %arg7[%add3A_69, %dma_start3A] : memref<10240x128xf32, #tpu.memory_space<vmem_shared>> -> memref<32x128xf32, #tpu.memory_space<vmem_shared>>
      %dma_start3A_105 = arith.constant 0 : i32
      %dma_start3A_106 = tpu.memref_slice %arg7[%add3A_69, %dma_start3A_105] : memref<10240x128xf32, #tpu.memory_space<vmem_shared>> -> memref<32x128xf32, #tpu.memory_space<vmem_shared>>
      tpu.enqueue_dma source(%arg6 : memref<32x128xf32, #tpu.memory_space<vmem>>) target(%dma_start3A_106 : memref<32x128xf32, #tpu.memory_space<vmem_shared>>) target_semaphore(%run_scoped3A : memref<!tpu.dma_semaphore, #tpu.memory_space<semaphore_mem>>)
      %dma_wait3A = arith.constant 0 : i32
      %dma_wait3A_107 = tpu.memref_slice %arg7[%add3A_69, %dma_wait3A] : memref<10240x128xf32, #tpu.memory_space<vmem_shared>> -> memref<32x128xf32, #tpu.memory_space<vmem_shared>>
      %dma_wait3A_108 = arith.constant 0 : i32
      %dma_wait3A_109 = tpu.memref_slice %arg7[%add3A_69, %dma_wait3A_108] : memref<10240x128xf32, #tpu.memory_space<vmem_shared>> -> memref<32x128xf32, #tpu.memory_space<vmem_shared>>
      tpu.wait_dma2 semaphore(%run_scoped3A : memref<!tpu.dma_semaphore, #tpu.memory_space<semaphore_mem>>) src(%arg6 : memref<32x128xf32, #tpu.memory_space<vmem>>) dst(%dma_wait3A_109 : memref<32x128xf32, #tpu.memory_space<vmem_shared>>)
      tpu.yield
    }) : () -> ()
    %mul3A_70 = arith.constant 640 : i32
    %mul3A_71 = arith.muli %arg1, %mul3A_70 : i32
    %add3A_72 = arith.constant 448 : i32
    %add3A_73 = arith.addi %mul3A_71, %add3A_72 : i32
    "tpu.region"() ({
      %run_scoped3A = tpu.sem_alloc : memref<!tpu.dma_semaphore, #tpu.memory_space<semaphore_mem>>
      %dma_start3A = arith.constant 0 : i32
      %dma_start3A_104 = tpu.memref_slice %arg7[%add3A_73, %dma_start3A] : memref<10240x128xf32, #tpu.memory_space<vmem_shared>> -> memref<32x128xf32, #tpu.memory_space<vmem_shared>>
      %dma_start3A_105 = arith.constant 0 : i32
      %dma_start3A_106 = tpu.memref_slice %arg7[%add3A_73, %dma_start3A_105] : memref<10240x128xf32, #tpu.memory_space<vmem_shared>> -> memref<32x128xf32, #tpu.memory_space<vmem_shared>>
      tpu.enqueue_dma source(%arg6 : memref<32x128xf32, #tpu.memory_space<vmem>>) target(%dma_start3A_106 : memref<32x128xf32, #tpu.memory_space<vmem_shared>>) target_semaphore(%run_scoped3A : memref<!tpu.dma_semaphore, #tpu.memory_space<semaphore_mem>>)
      %dma_wait3A = arith.constant 0 : i32
      %dma_wait3A_107 = tpu.memref_slice %arg7[%add3A_73, %dma_wait3A] : memref<10240x128xf32, #tpu.memory_space<vmem_shared>> -> memref<32x128xf32, #tpu.memory_space<vmem_shared>>
      %dma_wait3A_108 = arith.constant 0 : i32
      %dma_wait3A_109 = tpu.memref_slice %arg7[%add3A_73, %dma_wait3A_108] : memref<10240x128xf32, #tpu.memory_space<vmem_shared>> -> memref<32x128xf32, #tpu.memory_space<vmem_shared>>
      tpu.wait_dma2 semaphore(%run_scoped3A : memref<!tpu.dma_semaphore, #tpu.memory_space<semaphore_mem>>) src(%arg6 : memref<32x128xf32, #tpu.memory_space<vmem>>) dst(%dma_wait3A_109 : memref<32x128xf32, #tpu.memory_space<vmem_shared>>)
      tpu.yield
    }) : () -> ()
    %mul3A_74 = arith.constant 640 : i32
    %mul3A_75 = arith.muli %arg1, %mul3A_74 : i32
    %add3A_76 = arith.constant 480 : i32
    %add3A_77 = arith.addi %mul3A_75, %add3A_76 : i32
    "tpu.region"() ({
      %run_scoped3A = tpu.sem_alloc : memref<!tpu.dma_semaphore, #tpu.memory_space<semaphore_mem>>
      %dma_start3A = arith.constant 0 : i32
      %dma_start3A_104 = tpu.memref_slice %arg7[%add3A_77, %dma_start3A] : memref<10240x128xf32, #tpu.memory_space<vmem_shared>> -> memref<32x128xf32, #tpu.memory_space<vmem_shared>>
      %dma_start3A_105 = arith.constant 0 : i32
      %dma_start3A_106 = tpu.memref_slice %arg7[%add3A_77, %dma_start3A_105] : memref<10240x128xf32, #tpu.memory_space<vmem_shared>> -> memref<32x128xf32, #tpu.memory_space<vmem_shared>>
      tpu.enqueue_dma source(%arg6 : memref<32x128xf32, #tpu.memory_space<vmem>>) target(%dma_start3A_106 : memref<32x128xf32, #tpu.memory_space<vmem_shared>>) target_semaphore(%run_scoped3A : memref<!tpu.dma_semaphore, #tpu.memory_space<semaphore_mem>>)
      %dma_wait3A = arith.constant 0 : i32
      %dma_wait3A_107 = tpu.memref_slice %arg7[%add3A_77, %dma_wait3A] : memref<10240x128xf32, #tpu.memory_space<vmem_shared>> -> memref<32x128xf32, #tpu.memory_space<vmem_shared>>
      %dma_wait3A_108 = arith.constant 0 : i32
      %dma_wait3A_109 = tpu.memref_slice %arg7[%add3A_77, %dma_wait3A_108] : memref<10240x128xf32, #tpu.memory_space<vmem_shared>> -> memref<32x128xf32, #tpu.memory_space<vmem_shared>>
      tpu.wait_dma2 semaphore(%run_scoped3A : memref<!tpu.dma_semaphore, #tpu.memory_space<semaphore_mem>>) src(%arg6 : memref<32x128xf32, #tpu.memory_space<vmem>>) dst(%dma_wait3A_109 : memref<32x128xf32, #tpu.memory_space<vmem_shared>>)
      tpu.yield
    }) : () -> ()
    %mul3A_78 = arith.constant 640 : i32
    %mul3A_79 = arith.muli %arg1, %mul3A_78 : i32
    %add3A_80 = arith.constant 512 : i32
    %add3A_81 = arith.addi %mul3A_79, %add3A_80 : i32
    "tpu.region"() ({
      %run_scoped3A = tpu.sem_alloc : memref<!tpu.dma_semaphore, #tpu.memory_space<semaphore_mem>>
      %dma_start3A = arith.constant 0 : i32
      %dma_start3A_104 = tpu.memref_slice %arg7[%add3A_81, %dma_start3A] : memref<10240x128xf32, #tpu.memory_space<vmem_shared>> -> memref<32x128xf32, #tpu.memory_space<vmem_shared>>
      %dma_start3A_105 = arith.constant 0 : i32
      %dma_start3A_106 = tpu.memref_slice %arg7[%add3A_81, %dma_start3A_105] : memref<10240x128xf32, #tpu.memory_space<vmem_shared>> -> memref<32x128xf32, #tpu.memory_space<vmem_shared>>
      tpu.enqueue_dma source(%arg6 : memref<32x128xf32, #tpu.memory_space<vmem>>) target(%dma_start3A_106 : memref<32x128xf32, #tpu.memory_space<vmem_shared>>) target_semaphore(%run_scoped3A : memref<!tpu.dma_semaphore, #tpu.memory_space<semaphore_mem>>)
      %dma_wait3A = arith.constant 0 : i32
      %dma_wait3A_107 = tpu.memref_slice %arg7[%add3A_81, %dma_wait3A] : memref<10240x128xf32, #tpu.memory_space<vmem_shared>> -> memref<32x128xf32, #tpu.memory_space<vmem_shared>>
      %dma_wait3A_108 = arith.constant 0 : i32
      %dma_wait3A_109 = tpu.memref_slice %arg7[%add3A_81, %dma_wait3A_108] : memref<10240x128xf32, #tpu.memory_space<vmem_shared>> -> memref<32x128xf32, #tpu.memory_space<vmem_shared>>
      tpu.wait_dma2 semaphore(%run_scoped3A : memref<!tpu.dma_semaphore, #tpu.memory_space<semaphore_mem>>) src(%arg6 : memref<32x128xf32, #tpu.memory_space<vmem>>) dst(%dma_wait3A_109 : memref<32x128xf32, #tpu.memory_space<vmem_shared>>)
      tpu.yield
    }) : () -> ()
    %mul3A_82 = arith.constant 640 : i32
    %mul3A_83 = arith.muli %arg1, %mul3A_82 : i32
    %add3A_84 = arith.constant 544 : i32
    %add3A_85 = arith.addi %mul3A_83, %add3A_84 : i32
    "tpu.region"() ({
      %run_scoped3A = tpu.sem_alloc : memref<!tpu.dma_semaphore, #tpu.memory_space<semaphore_mem>>
      %dma_start3A = arith.constant 0 : i32
      %dma_start3A_104 = tpu.memref_slice %arg7[%add3A_85, %dma_start3A] : memref<10240x128xf32, #tpu.memory_space<vmem_shared>> -> memref<32x128xf32, #tpu.memory_space<vmem_shared>>
      %dma_start3A_105 = arith.constant 0 : i32
      %dma_start3A_106 = tpu.memref_slice %arg7[%add3A_85, %dma_start3A_105] : memref<10240x128xf32, #tpu.memory_space<vmem_shared>> -> memref<32x128xf32, #tpu.memory_space<vmem_shared>>
      tpu.enqueue_dma source(%arg6 : memref<32x128xf32, #tpu.memory_space<vmem>>) target(%dma_start3A_106 : memref<32x128xf32, #tpu.memory_space<vmem_shared>>) target_semaphore(%run_scoped3A : memref<!tpu.dma_semaphore, #tpu.memory_space<semaphore_mem>>)
      %dma_wait3A = arith.constant 0 : i32
      %dma_wait3A_107 = tpu.memref_slice %arg7[%add3A_85, %dma_wait3A] : memref<10240x128xf32, #tpu.memory_space<vmem_shared>> -> memref<32x128xf32, #tpu.memory_space<vmem_shared>>
      %dma_wait3A_108 = arith.constant 0 : i32
      %dma_wait3A_109 = tpu.memref_slice %arg7[%add3A_85, %dma_wait3A_108] : memref<10240x128xf32, #tpu.memory_space<vmem_shared>> -> memref<32x128xf32, #tpu.memory_space<vmem_shared>>
      tpu.wait_dma2 semaphore(%run_scoped3A : memref<!tpu.dma_semaphore, #tpu.memory_space<semaphore_mem>>) src(%arg6 : memref<32x128xf32, #tpu.memory_space<vmem>>) dst(%dma_wait3A_109 : memref<32x128xf32, #tpu.memory_space<vmem_shared>>)
      tpu.yield
    }) : () -> ()
    %mul3A_86 = arith.constant 640 : i32
    %mul3A_87 = arith.muli %arg1, %mul3A_86 : i32
    %add3A_88 = arith.constant 576 : i32
    %add3A_89 = arith.addi %mul3A_87, %add3A_88 : i32
    "tpu.region"() ({
      %run_scoped3A = tpu.sem_alloc : memref<!tpu.dma_semaphore, #tpu.memory_space<semaphore_mem>>
      %dma_start3A = arith.constant 0 : i32
      %dma_start3A_104 = tpu.memref_slice %arg7[%add3A_89, %dma_start3A] : memref<10240x128xf32, #tpu.memory_space<vmem_shared>> -> memref<32x128xf32, #tpu.memory_space<vmem_shared>>
      %dma_start3A_105 = arith.constant 0 : i32
      %dma_start3A_106 = tpu.memref_slice %arg7[%add3A_89, %dma_start3A_105] : memref<10240x128xf32, #tpu.memory_space<vmem_shared>> -> memref<32x128xf32, #tpu.memory_space<vmem_shared>>
      tpu.enqueue_dma source(%arg6 : memref<32x128xf32, #tpu.memory_space<vmem>>) target(%dma_start3A_106 : memref<32x128xf32, #tpu.memory_space<vmem_shared>>) target_semaphore(%run_scoped3A : memref<!tpu.dma_semaphore, #tpu.memory_space<semaphore_mem>>)
      %dma_wait3A = arith.constant 0 : i32
      %dma_wait3A_107 = tpu.memref_slice %arg7[%add3A_89, %dma_wait3A] : memref<10240x128xf32, #tpu.memory_space<vmem_shared>> -> memref<32x128xf32, #tpu.memory_space<vmem_shared>>
      %dma_wait3A_108 = arith.constant 0 : i32
      %dma_wait3A_109 = tpu.memref_slice %arg7[%add3A_89, %dma_wait3A_108] : memref<10240x128xf32, #tpu.memory_space<vmem_shared>> -> memref<32x128xf32, #tpu.memory_space<vmem_shared>>
      tpu.wait_dma2 semaphore(%run_scoped3A : memref<!tpu.dma_semaphore, #tpu.memory_space<semaphore_mem>>) src(%arg6 : memref<32x128xf32, #tpu.memory_space<vmem>>) dst(%dma_wait3A_109 : memref<32x128xf32, #tpu.memory_space<vmem_shared>>)
      tpu.yield
    }) : () -> ()
    %mul3A_90 = arith.constant 640 : i32
    %mul3A_91 = arith.muli %arg1, %mul3A_90 : i32
    %add3A_92 = arith.constant 608 : i32
    %add3A_93 = arith.addi %mul3A_91, %add3A_92 : i32
    "tpu.region"() ({
      %run_scoped3A = tpu.sem_alloc : memref<!tpu.dma_semaphore, #tpu.memory_space<semaphore_mem>>
      %dma_start3A = arith.constant 0 : i32
      %dma_start3A_104 = tpu.memref_slice %arg7[%add3A_93, %dma_start3A] : memref<10240x128xf32, #tpu.memory_space<vmem_shared>> -> memref<32x128xf32, #tpu.memory_space<vmem_shared>>
      %dma_start3A_105 = arith.constant 0 : i32
      %dma_start3A_106 = tpu.memref_slice %arg7[%add3A_93, %dma_start3A_105] : memref<10240x128xf32, #tpu.memory_space<vmem_shared>> -> memref<32x128xf32, #tpu.memory_space<vmem_shared>>
      tpu.enqueue_dma source(%arg6 : memref<32x128xf32, #tpu.memory_space<vmem>>) target(%dma_start3A_106 : memref<32x128xf32, #tpu.memory_space<vmem_shared>>) target_semaphore(%run_scoped3A : memref<!tpu.dma_semaphore, #tpu.memory_space<semaphore_mem>>)
      %dma_wait3A = arith.constant 0 : i32
      %dma_wait3A_107 = tpu.memref_slice %arg7[%add3A_93, %dma_wait3A] : memref<10240x128xf32, #tpu.memory_space<vmem_shared>> -> memref<32x128xf32, #tpu.memory_space<vmem_shared>>
      %dma_wait3A_108 = arith.constant 0 : i32
      %dma_wait3A_109 = tpu.memref_slice %arg7[%add3A_93, %dma_wait3A_108] : memref<10240x128xf32, #tpu.memory_space<vmem_shared>> -> memref<32x128xf32, #tpu.memory_space<vmem_shared>>
      tpu.wait_dma2 semaphore(%run_scoped3A : memref<!tpu.dma_semaphore, #tpu.memory_space<semaphore_mem>>) src(%arg6 : memref<32x128xf32, #tpu.memory_space<vmem>>) dst(%dma_wait3A_109 : memref<32x128xf32, #tpu.memory_space<vmem_shared>>)
      tpu.yield
    }) : () -> ()
    "tpu.region"() ({
      %run_scoped3A = tpu.sem_alloc : memref<!tpu.dma_semaphore, #tpu.memory_space<semaphore_mem>>
      %dma_start3A = arith.constant 0 : i32
      %dma_start3A_104 = arith.constant 0 : i32
      %dma_start3A_105 = tpu.memref_slice %arg2[%add3A, %dma_start3A, %dma_start3A_104] : memref<32x79x128xi32, #tpu.memory_space<hbm>> -> memref<1x79x128xi32, #tpu.memory_space<hbm>>
      %dma_start3A_106 = tpu.memref_squeeze %dma_start3A_105 : memref<1x79x128xi32, #tpu.memory_space<hbm>> -> memref<79x128xi32, #tpu.memory_space<hbm>>
      %dma_start3A_107 = arith.constant 0 : i32
      %dma_start3A_108 = arith.constant 0 : i32
      %dma_start3A_109 = tpu.memref_slice %arg2[%add3A, %dma_start3A_107, %dma_start3A_108] : memref<32x79x128xi32, #tpu.memory_space<hbm>> -> memref<1x79x128xi32, #tpu.memory_space<hbm>>
      %dma_start3A_110 = tpu.memref_squeeze %dma_start3A_109 : memref<1x79x128xi32, #tpu.memory_space<hbm>> -> memref<79x128xi32, #tpu.memory_space<hbm>>
      tpu.enqueue_dma source(%dma_start3A_110 : memref<79x128xi32, #tpu.memory_space<hbm>>) target(%arg4 : memref<79x128xi32, #tpu.memory_space<vmem>>) target_semaphore(%run_scoped3A : memref<!tpu.dma_semaphore, #tpu.memory_space<semaphore_mem>>)
      %dma_wait3A = arith.constant 0 : i32
      %dma_wait3A_111 = arith.constant 0 : i32
      %dma_wait3A_112 = tpu.memref_slice %arg2[%add3A, %dma_wait3A, %dma_wait3A_111] : memref<32x79x128xi32, #tpu.memory_space<hbm>> -> memref<1x79x128xi32, #tpu.memory_space<hbm>>
      %dma_wait3A_113 = tpu.memref_squeeze %dma_wait3A_112 : memref<1x79x128xi32, #tpu.memory_space<hbm>> -> memref<79x128xi32, #tpu.memory_space<hbm>>
      %dma_wait3A_114 = arith.constant 0 : i32
      %dma_wait3A_115 = arith.constant 0 : i32
      %dma_wait3A_116 = tpu.memref_slice %arg2[%add3A, %dma_wait3A_114, %dma_wait3A_115] : memref<32x79x128xi32, #tpu.memory_space<hbm>> -> memref<1x79x128xi32, #tpu.memory_space<hbm>>
      %dma_wait3A_117 = tpu.memref_squeeze %dma_wait3A_116 : memref<1x79x128xi32, #tpu.memory_space<hbm>> -> memref<79x128xi32, #tpu.memory_space<hbm>>
      tpu.wait_dma2 semaphore(%run_scoped3A : memref<!tpu.dma_semaphore, #tpu.memory_space<semaphore_mem>>) src(%dma_wait3A_117 : memref<79x128xi32, #tpu.memory_space<hbm>>) dst(%arg4 : memref<79x128xi32, #tpu.memory_space<vmem>>)
      tpu.yield
    }) : () -> ()
    %barrier3A = arith.constant 0 : index
    tpu.barrier barrier_id(%barrier3A)
    %scan3A_94 = arith.constant 0 : i32
    %scan3A_95 = arith.constant 0 : i32
    %scan3A_96 = arith.constant 79 : i32
    %scan3A_97 = arith.addi %scan3A_95, %scan3A_96 : i32
    %scan3A_98 = arith.constant 1 : i32
    %scan3A_99 = scf.for %scan3A_104 = %scan3A_95 to %scan3A_97 step %scan3A_98 iter_args(%scan3A_105 = %scan3A_94) -> (i32)  : i32 {
      "tpu.region"() ({
        %run_scoped3A = tpu.sem_alloc : memref<!tpu.dma_semaphore, #tpu.memory_space<semaphore_mem>>
        %dma_start3A = arith.constant 0 : i32
        %dma_start3A_107 = tpu.memref_slice %arg4[%scan3A_104, %dma_start3A] : memref<79x128xi32, #tpu.memory_space<vmem>> -> memref<1x128xi32, #tpu.memory_space<vmem>>
        %dma_start3A_108 = tpu.memref_squeeze %dma_start3A_107 : memref<1x128xi32, #tpu.memory_space<vmem>> -> memref<128xi32, #tpu.memory_space<vmem>>
        %dma_start3A_109 = arith.constant 0 : i32
        %dma_start3A_110 = arith.constant 0 : i32
        %dma_start3A_111 = tpu.memref_slice %arg7[%dma_start3A_109, %dma_start3A_110] : memref<10240x128xf32, #tpu.memory_space<vmem_shared>> -> memref<10240x128xf32, #tpu.memory_space<vmem_shared>>
        tpu.enqueue_indirect_dma source(%arg5 : memref<128x128xf32, #tpu.memory_space<vmem>>) target(%dma_start3A_111 : memref<10240x128xf32, #tpu.memory_space<vmem_shared>>) offsets(%dma_start3A_108 : memref<128xi32, #tpu.memory_space<vmem>>) semaphore(%run_scoped3A : memref<!tpu.dma_semaphore, #tpu.memory_space<semaphore_mem>>) {add = true}
        %dma_wait3A = arith.constant 0 : i32
        %dma_wait3A_112 = tpu.memref_slice %arg4[%scan3A_104, %dma_wait3A] : memref<79x128xi32, #tpu.memory_space<vmem>> -> memref<1x128xi32, #tpu.memory_space<vmem>>
        %dma_wait3A_113 = tpu.memref_squeeze %dma_wait3A_112 : memref<1x128xi32, #tpu.memory_space<vmem>> -> memref<128xi32, #tpu.memory_space<vmem>>
        %dma_wait3A_114 = arith.constant 0 : i32
        %dma_wait3A_115 = arith.constant 0 : i32
        %dma_wait3A_116 = tpu.memref_slice %arg7[%dma_wait3A_114, %dma_wait3A_115] : memref<10240x128xf32, #tpu.memory_space<vmem_shared>> -> memref<10240x128xf32, #tpu.memory_space<vmem_shared>>
        tpu.wait_indirect_dma semaphore(%run_scoped3A : memref<!tpu.dma_semaphore, #tpu.memory_space<semaphore_mem>>) src(%arg5 : memref<128x128xf32, #tpu.memory_space<vmem>>) dst(%dma_wait3A_116 : memref<10240x128xf32, #tpu.memory_space<vmem_shared>>)
        tpu.yield
      }) : () -> ()
      %scan3A_106 = arith.constant 0 : i32
      scf.yield %scan3A_106 : i32
    }
    %scan3A_100 = arith.constant 79 : i32
    %barrier3A_101 = arith.constant 0 : index
    tpu.barrier barrier_id(%barrier3A_101)
    %mul3A_102 = arith.constant 640 : i32
    %mul3A_103 = arith.muli %arg1, %mul3A_102 : i32
    "tpu.region"() ({
      %run_scoped3A = tpu.sem_alloc : memref<!tpu.dma_semaphore, #tpu.memory_space<semaphore_mem>>
      %dma_start3A = arith.constant 0 : i32
      %dma_start3A_104 = arith.constant 0 : i32
      %dma_start3A_105 = tpu.memref_slice %arg3[%arg0, %dma_start3A, %dma_start3A_104] : memref<2x10240x128xf32, #tpu.memory_space<hbm>> -> memref<1x10240x128xf32, #tpu.memory_space<hbm>>
      %dma_start3A_106 = tpu.memref_squeeze %dma_start3A_105 : memref<1x10240x128xf32, #tpu.memory_space<hbm>> -> memref<10240x128xf32, #tpu.memory_space<hbm>>
      %dma_start3A_107 = arith.constant 0 : i32
      %dma_start3A_108 = tpu.memref_slice %dma_start3A_106[%mul3A_103, %dma_start3A_107] : memref<10240x128xf32, #tpu.memory_space<hbm>> -> memref<640x128xf32, #tpu.memory_space<hbm>>
      %dma_start3A_109 = arith.constant 0 : i32
      %dma_start3A_110 = tpu.memref_slice %arg7[%mul3A_103, %dma_start3A_109] : memref<10240x128xf32, #tpu.memory_space<vmem_shared>> -> memref<640x128xf32, #tpu.memory_space<vmem_shared>>
      tpu.enqueue_dma source(%dma_start3A_110 : memref<640x128xf32, #tpu.memory_space<vmem_shared>>) target(%dma_start3A_108 : memref<640x128xf32, #tpu.memory_space<hbm>>) target_semaphore(%run_scoped3A : memref<!tpu.dma_semaphore, #tpu.memory_space<semaphore_mem>>)
      %dma_wait3A = arith.constant 0 : i32
      %dma_wait3A_111 = arith.constant 0 : i32
      %dma_wait3A_112 = tpu.memref_slice %arg3[%arg0, %dma_wait3A, %dma_wait3A_111] : memref<2x10240x128xf32, #tpu.memory_space<hbm>> -> memref<1x10240x128xf32, #tpu.memory_space<hbm>>
      %dma_wait3A_113 = tpu.memref_squeeze %dma_wait3A_112 : memref<1x10240x128xf32, #tpu.memory_space<hbm>> -> memref<10240x128xf32, #tpu.memory_space<hbm>>
      %dma_wait3A_114 = arith.constant 0 : i32
      %dma_wait3A_115 = tpu.memref_slice %dma_wait3A_113[%mul3A_103, %dma_wait3A_114] : memref<10240x128xf32, #tpu.memory_space<hbm>> -> memref<640x128xf32, #tpu.memory_space<hbm>>
      %dma_wait3A_116 = arith.constant 0 : i32
      %dma_wait3A_117 = tpu.memref_slice %arg7[%mul3A_103, %dma_wait3A_116] : memref<10240x128xf32, #tpu.memory_space<vmem_shared>> -> memref<640x128xf32, #tpu.memory_space<vmem_shared>>
      tpu.wait_dma2 semaphore(%run_scoped3A : memref<!tpu.dma_semaphore, #tpu.memory_space<semaphore_mem>>) src(%dma_wait3A_117 : memref<640x128xf32, #tpu.memory_space<vmem_shared>>) dst(%dma_wait3A_115 : memref<640x128xf32, #tpu.memory_space<hbm>>)
      tpu.yield
    }) : () -> ()
    return
  }
}

#map = affine_map<(d0, d1) -> (0, 0, 0)>
#map1 = affine_map<(d0, d1) -> (0, 0)>
module attributes {stable_mosaic.version = 14 : i64} {
  func.func @_agg_kernel(%arg0: i32, %arg1: i32, %arg2: memref<32x79x128xi32, #tpu.memory_space<hbm>>, %arg3: memref<32x79x128xi32, #tpu.memory_space<hbm>>, %arg4: memref<10240x128xf32, #tpu.memory_space<hbm>>, %arg5: memref<2x10240x128xf32, #tpu.memory_space<hbm>>, %arg6: memref<79x128xi32, #tpu.memory_space<vmem>>, %arg7: memref<79x128xi32, #tpu.memory_space<vmem>>, %arg8: memref<128x128xf32, #tpu.memory_space<vmem>>, %arg9: memref<32x128xf32, #tpu.memory_space<vmem>>, %arg10: memref<10240x128xf32, #tpu.memory_space<vmem_shared>>, %arg11: memref<!tpu.dma_semaphore, #tpu.memory_space<semaphore_mem>>) attributes {dimension_semantics = [#tpu.dimension_semantics<core_parallel>, #tpu.dimension_semantics<subcore_parallel>], iteration_bounds = array<i64: 2, 16>, scalar_prefetch = 0 : i64, scratch_operands = 6 : i64, tpu.core_type = #tpu.core_type<sc_vector_subcore>, window_params = [{transform_indices = #map}, {transform_indices = #map}, {transform_indices = #map1}, {transform_indices = #map}]} {
    %mul3A = arith.constant 2 : i32
    %mul3A_0 = arith.muli %arg1, %mul3A : i32
    %add3A = arith.addi %mul3A_0, %arg0 : i32
    %scan3A = arith.constant 0 : i32
    %scan3A_1 = arith.constant 0 : i32
    %scan3A_2 = arith.constant 32 : i32
    %scan3A_3 = arith.addi %scan3A_1, %scan3A_2 : i32
    %scan3A_4 = arith.constant 1 : i32
    %scan3A_5 = scf.for %scan3A_97 = %scan3A_1 to %scan3A_3 step %scan3A_4 iter_args(%scan3A_98 = %scan3A) -> (i32)  : i32 {
      %broadcast_in_dim3A = arith.constant 0.000000e+00 : f32
      %broadcast_in_dim3A_99 = vector.broadcast %broadcast_in_dim3A : f32 to vector<16xf32>
      %swap3A = arith.index_cast %scan3A_97 : i32 to index
      %swap3A_100 = arith.constant 0 : index
      %swap3A_101 = tpu.vector_load %arg9[%swap3A, %swap3A_100] {strides = array<i32>} : memref<32x128xf32, #tpu.memory_space<vmem>>, vector<1x16xf32>,
      %swap3A_102 = vector.shape_cast %swap3A_101 : vector<1x16xf32> to vector<16xf32>
      %swap3A_103 = vector.shape_cast %broadcast_in_dim3A_99 : vector<16xf32> to vector<1x16xf32>
      tpu.vector_store %arg9[%swap3A, %swap3A_100], %swap3A_103 {strides = array<i32>} : memref<32x128xf32, #tpu.memory_space<vmem>>, vector<1x16xf32>,
      %broadcast_in_dim3A_104 = arith.constant 0.000000e+00 : f32
      %broadcast_in_dim3A_105 = vector.broadcast %broadcast_in_dim3A_104 : f32 to vector<16xf32>
      %swap3A_106 = arith.index_cast %scan3A_97 : i32 to index
      %swap3A_107 = arith.constant 16 : index
      %swap3A_108 = tpu.vector_load %arg9[%swap3A_106, %swap3A_107] {strides = array<i32>} : memref<32x128xf32, #tpu.memory_space<vmem>>, vector<1x16xf32>,
      %swap3A_109 = vector.shape_cast %swap3A_108 : vector<1x16xf32> to vector<16xf32>
      %swap3A_110 = vector.shape_cast %broadcast_in_dim3A_105 : vector<16xf32> to vector<1x16xf32>
      tpu.vector_store %arg9[%swap3A_106, %swap3A_107], %swap3A_110 {strides = array<i32>} : memref<32x128xf32, #tpu.memory_space<vmem>>, vector<1x16xf32>,
      %broadcast_in_dim3A_111 = arith.constant 0.000000e+00 : f32
      %broadcast_in_dim3A_112 = vector.broadcast %broadcast_in_dim3A_111 : f32 to vector<16xf32>
      %swap3A_113 = arith.index_cast %scan3A_97 : i32 to index
      %swap3A_114 = arith.constant 32 : index
      %swap3A_115 = tpu.vector_load %arg9[%swap3A_113, %swap3A_114] {strides = array<i32>} : memref<32x128xf32, #tpu.memory_space<vmem>>, vector<1x16xf32>,
      %swap3A_116 = vector.shape_cast %swap3A_115 : vector<1x16xf32> to vector<16xf32>
      %swap3A_117 = vector.shape_cast %broadcast_in_dim3A_112 : vector<16xf32> to vector<1x16xf32>
      tpu.vector_store %arg9[%swap3A_113, %swap3A_114], %swap3A_117 {strides = array<i32>} : memref<32x128xf32, #tpu.memory_space<vmem>>, vector<1x16xf32>,
      %broadcast_in_dim3A_118 = arith.constant 0.000000e+00 : f32
      %broadcast_in_dim3A_119 = vector.broadcast %broadcast_in_dim3A_118 : f32 to vector<16xf32>
      %swap3A_120 = arith.index_cast %scan3A_97 : i32 to index
      %swap3A_121 = arith.constant 48 : index
      %swap3A_122 = tpu.vector_load %arg9[%swap3A_120, %swap3A_121] {strides = array<i32>} : memref<32x128xf32, #tpu.memory_space<vmem>>, vector<1x16xf32>,
      %swap3A_123 = vector.shape_cast %swap3A_122 : vector<1x16xf32> to vector<16xf32>
      %swap3A_124 = vector.shape_cast %broadcast_in_dim3A_119 : vector<16xf32> to vector<1x16xf32>
      tpu.vector_store %arg9[%swap3A_120, %swap3A_121], %swap3A_124 {strides = array<i32>} : memref<32x128xf32, #tpu.memory_space<vmem>>, vector<1x16xf32>,
      %broadcast_in_dim3A_125 = arith.constant 0.000000e+00 : f32
      %broadcast_in_dim3A_126 = vector.broadcast %broadcast_in_dim3A_125 : f32 to vector<16xf32>
      %swap3A_127 = arith.index_cast %scan3A_97 : i32 to index
      %swap3A_128 = arith.constant 64 : index
      %swap3A_129 = tpu.vector_load %arg9[%swap3A_127, %swap3A_128] {strides = array<i32>} : memref<32x128xf32, #tpu.memory_space<vmem>>, vector<1x16xf32>,
      %swap3A_130 = vector.shape_cast %swap3A_129 : vector<1x16xf32> to vector<16xf32>
      %swap3A_131 = vector.shape_cast %broadcast_in_dim3A_126 : vector<16xf32> to vector<1x16xf32>
      tpu.vector_store %arg9[%swap3A_127, %swap3A_128], %swap3A_131 {strides = array<i32>} : memref<32x128xf32, #tpu.memory_space<vmem>>, vector<1x16xf32>,
      %broadcast_in_dim3A_132 = arith.constant 0.000000e+00 : f32
      %broadcast_in_dim3A_133 = vector.broadcast %broadcast_in_dim3A_132 : f32 to vector<16xf32>
      %swap3A_134 = arith.index_cast %scan3A_97 : i32 to index
      %swap3A_135 = arith.constant 80 : index
      %swap3A_136 = tpu.vector_load %arg9[%swap3A_134, %swap3A_135] {strides = array<i32>} : memref<32x128xf32, #tpu.memory_space<vmem>>, vector<1x16xf32>,
      %swap3A_137 = vector.shape_cast %swap3A_136 : vector<1x16xf32> to vector<16xf32>
      %swap3A_138 = vector.shape_cast %broadcast_in_dim3A_133 : vector<16xf32> to vector<1x16xf32>
      tpu.vector_store %arg9[%swap3A_134, %swap3A_135], %swap3A_138 {strides = array<i32>} : memref<32x128xf32, #tpu.memory_space<vmem>>, vector<1x16xf32>,
      %broadcast_in_dim3A_139 = arith.constant 0.000000e+00 : f32
      %broadcast_in_dim3A_140 = vector.broadcast %broadcast_in_dim3A_139 : f32 to vector<16xf32>
      %swap3A_141 = arith.index_cast %scan3A_97 : i32 to index
      %swap3A_142 = arith.constant 96 : index
      %swap3A_143 = tpu.vector_load %arg9[%swap3A_141, %swap3A_142] {strides = array<i32>} : memref<32x128xf32, #tpu.memory_space<vmem>>, vector<1x16xf32>,
      %swap3A_144 = vector.shape_cast %swap3A_143 : vector<1x16xf32> to vector<16xf32>
      %swap3A_145 = vector.shape_cast %broadcast_in_dim3A_140 : vector<16xf32> to vector<1x16xf32>
      tpu.vector_store %arg9[%swap3A_141, %swap3A_142], %swap3A_145 {strides = array<i32>} : memref<32x128xf32, #tpu.memory_space<vmem>>, vector<1x16xf32>,
      %broadcast_in_dim3A_146 = arith.constant 0.000000e+00 : f32
      %broadcast_in_dim3A_147 = vector.broadcast %broadcast_in_dim3A_146 : f32 to vector<16xf32>
      %swap3A_148 = arith.index_cast %scan3A_97 : i32 to index
      %swap3A_149 = arith.constant 112 : index
      %swap3A_150 = tpu.vector_load %arg9[%swap3A_148, %swap3A_149] {strides = array<i32>} : memref<32x128xf32, #tpu.memory_space<vmem>>, vector<1x16xf32>,
      %swap3A_151 = vector.shape_cast %swap3A_150 : vector<1x16xf32> to vector<16xf32>
      %swap3A_152 = vector.shape_cast %broadcast_in_dim3A_147 : vector<16xf32> to vector<1x16xf32>
      tpu.vector_store %arg9[%swap3A_148, %swap3A_149], %swap3A_152 {strides = array<i32>} : memref<32x128xf32, #tpu.memory_space<vmem>>, vector<1x16xf32>,
      %scan3A_153 = arith.constant 0 : i32
      scf.yield %scan3A_153 : i32
    }
    %scan3A_6 = arith.constant 32 : i32
    %mul3A_7 = arith.constant 640 : i32
    %mul3A_8 = arith.muli %arg1, %mul3A_7 : i32
    %add3A_9 = arith.constant 0 : i32
    %add3A_10 = arith.addi %mul3A_8, %add3A_9 : i32
    "tpu.region"() ({
      %run_scoped3A = tpu.sem_alloc : memref<!tpu.dma_semaphore, #tpu.memory_space<semaphore_mem>>
      %dma_start3A = arith.constant 0 : i32
      %dma_start3A_97 = tpu.memref_slice %arg10[%add3A_10, %dma_start3A] : memref<10240x128xf32, #tpu.memory_space<vmem_shared>> -> memref<32x128xf32, #tpu.memory_space<vmem_shared>>
      %dma_start3A_98 = arith.constant 0 : i32
      %dma_start3A_99 = tpu.memref_slice %arg10[%add3A_10, %dma_start3A_98] : memref<10240x128xf32, #tpu.memory_space<vmem_shared>> -> memref<32x128xf32, #tpu.memory_space<vmem_shared>>
      tpu.enqueue_dma source(%arg9 : memref<32x128xf32, #tpu.memory_space<vmem>>) target(%dma_start3A_99 : memref<32x128xf32, #tpu.memory_space<vmem_shared>>) target_semaphore(%run_scoped3A : memref<!tpu.dma_semaphore, #tpu.memory_space<semaphore_mem>>)
      %dma_wait3A = arith.constant 0 : i32
      %dma_wait3A_100 = tpu.memref_slice %arg10[%add3A_10, %dma_wait3A] : memref<10240x128xf32, #tpu.memory_space<vmem_shared>> -> memref<32x128xf32, #tpu.memory_space<vmem_shared>>
      %dma_wait3A_101 = arith.constant 0 : i32
      %dma_wait3A_102 = tpu.memref_slice %arg10[%add3A_10, %dma_wait3A_101] : memref<10240x128xf32, #tpu.memory_space<vmem_shared>> -> memref<32x128xf32, #tpu.memory_space<vmem_shared>>
      tpu.wait_dma2 semaphore(%run_scoped3A : memref<!tpu.dma_semaphore, #tpu.memory_space<semaphore_mem>>) src(%arg9 : memref<32x128xf32, #tpu.memory_space<vmem>>) dst(%dma_wait3A_102 : memref<32x128xf32, #tpu.memory_space<vmem_shared>>)
      tpu.yield
    }) : () -> ()
    %mul3A_11 = arith.constant 640 : i32
    %mul3A_12 = arith.muli %arg1, %mul3A_11 : i32
    %add3A_13 = arith.constant 32 : i32
    %add3A_14 = arith.addi %mul3A_12, %add3A_13 : i32
    "tpu.region"() ({
      %run_scoped3A = tpu.sem_alloc : memref<!tpu.dma_semaphore, #tpu.memory_space<semaphore_mem>>
      %dma_start3A = arith.constant 0 : i32
      %dma_start3A_97 = tpu.memref_slice %arg10[%add3A_14, %dma_start3A] : memref<10240x128xf32, #tpu.memory_space<vmem_shared>> -> memref<32x128xf32, #tpu.memory_space<vmem_shared>>
      %dma_start3A_98 = arith.constant 0 : i32
      %dma_start3A_99 = tpu.memref_slice %arg10[%add3A_14, %dma_start3A_98] : memref<10240x128xf32, #tpu.memory_space<vmem_shared>> -> memref<32x128xf32, #tpu.memory_space<vmem_shared>>
      tpu.enqueue_dma source(%arg9 : memref<32x128xf32, #tpu.memory_space<vmem>>) target(%dma_start3A_99 : memref<32x128xf32, #tpu.memory_space<vmem_shared>>) target_semaphore(%run_scoped3A : memref<!tpu.dma_semaphore, #tpu.memory_space<semaphore_mem>>)
      %dma_wait3A = arith.constant 0 : i32
      %dma_wait3A_100 = tpu.memref_slice %arg10[%add3A_14, %dma_wait3A] : memref<10240x128xf32, #tpu.memory_space<vmem_shared>> -> memref<32x128xf32, #tpu.memory_space<vmem_shared>>
      %dma_wait3A_101 = arith.constant 0 : i32
      %dma_wait3A_102 = tpu.memref_slice %arg10[%add3A_14, %dma_wait3A_101] : memref<10240x128xf32, #tpu.memory_space<vmem_shared>> -> memref<32x128xf32, #tpu.memory_space<vmem_shared>>
      tpu.wait_dma2 semaphore(%run_scoped3A : memref<!tpu.dma_semaphore, #tpu.memory_space<semaphore_mem>>) src(%arg9 : memref<32x128xf32, #tpu.memory_space<vmem>>) dst(%dma_wait3A_102 : memref<32x128xf32, #tpu.memory_space<vmem_shared>>)
      tpu.yield
    }) : () -> ()
    %mul3A_15 = arith.constant 640 : i32
    %mul3A_16 = arith.muli %arg1, %mul3A_15 : i32
    %add3A_17 = arith.constant 64 : i32
    %add3A_18 = arith.addi %mul3A_16, %add3A_17 : i32
    "tpu.region"() ({
      %run_scoped3A = tpu.sem_alloc : memref<!tpu.dma_semaphore, #tpu.memory_space<semaphore_mem>>
      %dma_start3A = arith.constant 0 : i32
      %dma_start3A_97 = tpu.memref_slice %arg10[%add3A_18, %dma_start3A] : memref<10240x128xf32, #tpu.memory_space<vmem_shared>> -> memref<32x128xf32, #tpu.memory_space<vmem_shared>>
      %dma_start3A_98 = arith.constant 0 : i32
      %dma_start3A_99 = tpu.memref_slice %arg10[%add3A_18, %dma_start3A_98] : memref<10240x128xf32, #tpu.memory_space<vmem_shared>> -> memref<32x128xf32, #tpu.memory_space<vmem_shared>>
      tpu.enqueue_dma source(%arg9 : memref<32x128xf32, #tpu.memory_space<vmem>>) target(%dma_start3A_99 : memref<32x128xf32, #tpu.memory_space<vmem_shared>>) target_semaphore(%run_scoped3A : memref<!tpu.dma_semaphore, #tpu.memory_space<semaphore_mem>>)
      %dma_wait3A = arith.constant 0 : i32
      %dma_wait3A_100 = tpu.memref_slice %arg10[%add3A_18, %dma_wait3A] : memref<10240x128xf32, #tpu.memory_space<vmem_shared>> -> memref<32x128xf32, #tpu.memory_space<vmem_shared>>
      %dma_wait3A_101 = arith.constant 0 : i32
      %dma_wait3A_102 = tpu.memref_slice %arg10[%add3A_18, %dma_wait3A_101] : memref<10240x128xf32, #tpu.memory_space<vmem_shared>> -> memref<32x128xf32, #tpu.memory_space<vmem_shared>>
      tpu.wait_dma2 semaphore(%run_scoped3A : memref<!tpu.dma_semaphore, #tpu.memory_space<semaphore_mem>>) src(%arg9 : memref<32x128xf32, #tpu.memory_space<vmem>>) dst(%dma_wait3A_102 : memref<32x128xf32, #tpu.memory_space<vmem_shared>>)
      tpu.yield
    }) : () -> ()
    %mul3A_19 = arith.constant 640 : i32
    %mul3A_20 = arith.muli %arg1, %mul3A_19 : i32
    %add3A_21 = arith.constant 96 : i32
    %add3A_22 = arith.addi %mul3A_20, %add3A_21 : i32
    "tpu.region"() ({
      %run_scoped3A = tpu.sem_alloc : memref<!tpu.dma_semaphore, #tpu.memory_space<semaphore_mem>>
      %dma_start3A = arith.constant 0 : i32
      %dma_start3A_97 = tpu.memref_slice %arg10[%add3A_22, %dma_start3A] : memref<10240x128xf32, #tpu.memory_space<vmem_shared>> -> memref<32x128xf32, #tpu.memory_space<vmem_shared>>
      %dma_start3A_98 = arith.constant 0 : i32
      %dma_start3A_99 = tpu.memref_slice %arg10[%add3A_22, %dma_start3A_98] : memref<10240x128xf32, #tpu.memory_space<vmem_shared>> -> memref<32x128xf32, #tpu.memory_space<vmem_shared>>
      tpu.enqueue_dma source(%arg9 : memref<32x128xf32, #tpu.memory_space<vmem>>) target(%dma_start3A_99 : memref<32x128xf32, #tpu.memory_space<vmem_shared>>) target_semaphore(%run_scoped3A : memref<!tpu.dma_semaphore, #tpu.memory_space<semaphore_mem>>)
      %dma_wait3A = arith.constant 0 : i32
      %dma_wait3A_100 = tpu.memref_slice %arg10[%add3A_22, %dma_wait3A] : memref<10240x128xf32, #tpu.memory_space<vmem_shared>> -> memref<32x128xf32, #tpu.memory_space<vmem_shared>>
      %dma_wait3A_101 = arith.constant 0 : i32
      %dma_wait3A_102 = tpu.memref_slice %arg10[%add3A_22, %dma_wait3A_101] : memref<10240x128xf32, #tpu.memory_space<vmem_shared>> -> memref<32x128xf32, #tpu.memory_space<vmem_shared>>
      tpu.wait_dma2 semaphore(%run_scoped3A : memref<!tpu.dma_semaphore, #tpu.memory_space<semaphore_mem>>) src(%arg9 : memref<32x128xf32, #tpu.memory_space<vmem>>) dst(%dma_wait3A_102 : memref<32x128xf32, #tpu.memory_space<vmem_shared>>)
      tpu.yield
    }) : () -> ()
    %mul3A_23 = arith.constant 640 : i32
    %mul3A_24 = arith.muli %arg1, %mul3A_23 : i32
    %add3A_25 = arith.constant 128 : i32
    %add3A_26 = arith.addi %mul3A_24, %add3A_25 : i32
    "tpu.region"() ({
      %run_scoped3A = tpu.sem_alloc : memref<!tpu.dma_semaphore, #tpu.memory_space<semaphore_mem>>
      %dma_start3A = arith.constant 0 : i32
      %dma_start3A_97 = tpu.memref_slice %arg10[%add3A_26, %dma_start3A] : memref<10240x128xf32, #tpu.memory_space<vmem_shared>> -> memref<32x128xf32, #tpu.memory_space<vmem_shared>>
      %dma_start3A_98 = arith.constant 0 : i32
      %dma_start3A_99 = tpu.memref_slice %arg10[%add3A_26, %dma_start3A_98] : memref<10240x128xf32, #tpu.memory_space<vmem_shared>> -> memref<32x128xf32, #tpu.memory_space<vmem_shared>>
      tpu.enqueue_dma source(%arg9 : memref<32x128xf32, #tpu.memory_space<vmem>>) target(%dma_start3A_99 : memref<32x128xf32, #tpu.memory_space<vmem_shared>>) target_semaphore(%run_scoped3A : memref<!tpu.dma_semaphore, #tpu.memory_space<semaphore_mem>>)
      %dma_wait3A = arith.constant 0 : i32
      %dma_wait3A_100 = tpu.memref_slice %arg10[%add3A_26, %dma_wait3A] : memref<10240x128xf32, #tpu.memory_space<vmem_shared>> -> memref<32x128xf32, #tpu.memory_space<vmem_shared>>
      %dma_wait3A_101 = arith.constant 0 : i32
      %dma_wait3A_102 = tpu.memref_slice %arg10[%add3A_26, %dma_wait3A_101] : memref<10240x128xf32, #tpu.memory_space<vmem_shared>> -> memref<32x128xf32, #tpu.memory_space<vmem_shared>>
      tpu.wait_dma2 semaphore(%run_scoped3A : memref<!tpu.dma_semaphore, #tpu.memory_space<semaphore_mem>>) src(%arg9 : memref<32x128xf32, #tpu.memory_space<vmem>>) dst(%dma_wait3A_102 : memref<32x128xf32, #tpu.memory_space<vmem_shared>>)
      tpu.yield
    }) : () -> ()
    %mul3A_27 = arith.constant 640 : i32
    %mul3A_28 = arith.muli %arg1, %mul3A_27 : i32
    %add3A_29 = arith.constant 160 : i32
    %add3A_30 = arith.addi %mul3A_28, %add3A_29 : i32
    "tpu.region"() ({
      %run_scoped3A = tpu.sem_alloc : memref<!tpu.dma_semaphore, #tpu.memory_space<semaphore_mem>>
      %dma_start3A = arith.constant 0 : i32
      %dma_start3A_97 = tpu.memref_slice %arg10[%add3A_30, %dma_start3A] : memref<10240x128xf32, #tpu.memory_space<vmem_shared>> -> memref<32x128xf32, #tpu.memory_space<vmem_shared>>
      %dma_start3A_98 = arith.constant 0 : i32
      %dma_start3A_99 = tpu.memref_slice %arg10[%add3A_30, %dma_start3A_98] : memref<10240x128xf32, #tpu.memory_space<vmem_shared>> -> memref<32x128xf32, #tpu.memory_space<vmem_shared>>
      tpu.enqueue_dma source(%arg9 : memref<32x128xf32, #tpu.memory_space<vmem>>) target(%dma_start3A_99 : memref<32x128xf32, #tpu.memory_space<vmem_shared>>) target_semaphore(%run_scoped3A : memref<!tpu.dma_semaphore, #tpu.memory_space<semaphore_mem>>)
      %dma_wait3A = arith.constant 0 : i32
      %dma_wait3A_100 = tpu.memref_slice %arg10[%add3A_30, %dma_wait3A] : memref<10240x128xf32, #tpu.memory_space<vmem_shared>> -> memref<32x128xf32, #tpu.memory_space<vmem_shared>>
      %dma_wait3A_101 = arith.constant 0 : i32
      %dma_wait3A_102 = tpu.memref_slice %arg10[%add3A_30, %dma_wait3A_101] : memref<10240x128xf32, #tpu.memory_space<vmem_shared>> -> memref<32x128xf32, #tpu.memory_space<vmem_shared>>
      tpu.wait_dma2 semaphore(%run_scoped3A : memref<!tpu.dma_semaphore, #tpu.memory_space<semaphore_mem>>) src(%arg9 : memref<32x128xf32, #tpu.memory_space<vmem>>) dst(%dma_wait3A_102 : memref<32x128xf32, #tpu.memory_space<vmem_shared>>)
      tpu.yield
    }) : () -> ()
    %mul3A_31 = arith.constant 640 : i32
    %mul3A_32 = arith.muli %arg1, %mul3A_31 : i32
    %add3A_33 = arith.constant 192 : i32
    %add3A_34 = arith.addi %mul3A_32, %add3A_33 : i32
    "tpu.region"() ({
      %run_scoped3A = tpu.sem_alloc : memref<!tpu.dma_semaphore, #tpu.memory_space<semaphore_mem>>
      %dma_start3A = arith.constant 0 : i32
      %dma_start3A_97 = tpu.memref_slice %arg10[%add3A_34, %dma_start3A] : memref<10240x128xf32, #tpu.memory_space<vmem_shared>> -> memref<32x128xf32, #tpu.memory_space<vmem_shared>>
      %dma_start3A_98 = arith.constant 0 : i32
      %dma_start3A_99 = tpu.memref_slice %arg10[%add3A_34, %dma_start3A_98] : memref<10240x128xf32, #tpu.memory_space<vmem_shared>> -> memref<32x128xf32, #tpu.memory_space<vmem_shared>>
      tpu.enqueue_dma source(%arg9 : memref<32x128xf32, #tpu.memory_space<vmem>>) target(%dma_start3A_99 : memref<32x128xf32, #tpu.memory_space<vmem_shared>>) target_semaphore(%run_scoped3A : memref<!tpu.dma_semaphore, #tpu.memory_space<semaphore_mem>>)
      %dma_wait3A = arith.constant 0 : i32
      %dma_wait3A_100 = tpu.memref_slice %arg10[%add3A_34, %dma_wait3A] : memref<10240x128xf32, #tpu.memory_space<vmem_shared>> -> memref<32x128xf32, #tpu.memory_space<vmem_shared>>
      %dma_wait3A_101 = arith.constant 0 : i32
      %dma_wait3A_102 = tpu.memref_slice %arg10[%add3A_34, %dma_wait3A_101] : memref<10240x128xf32, #tpu.memory_space<vmem_shared>> -> memref<32x128xf32, #tpu.memory_space<vmem_shared>>
      tpu.wait_dma2 semaphore(%run_scoped3A : memref<!tpu.dma_semaphore, #tpu.memory_space<semaphore_mem>>) src(%arg9 : memref<32x128xf32, #tpu.memory_space<vmem>>) dst(%dma_wait3A_102 : memref<32x128xf32, #tpu.memory_space<vmem_shared>>)
      tpu.yield
    }) : () -> ()
    %mul3A_35 = arith.constant 640 : i32
    %mul3A_36 = arith.muli %arg1, %mul3A_35 : i32
    %add3A_37 = arith.constant 224 : i32
    %add3A_38 = arith.addi %mul3A_36, %add3A_37 : i32
    "tpu.region"() ({
      %run_scoped3A = tpu.sem_alloc : memref<!tpu.dma_semaphore, #tpu.memory_space<semaphore_mem>>
      %dma_start3A = arith.constant 0 : i32
      %dma_start3A_97 = tpu.memref_slice %arg10[%add3A_38, %dma_start3A] : memref<10240x128xf32, #tpu.memory_space<vmem_shared>> -> memref<32x128xf32, #tpu.memory_space<vmem_shared>>
      %dma_start3A_98 = arith.constant 0 : i32
      %dma_start3A_99 = tpu.memref_slice %arg10[%add3A_38, %dma_start3A_98] : memref<10240x128xf32, #tpu.memory_space<vmem_shared>> -> memref<32x128xf32, #tpu.memory_space<vmem_shared>>
      tpu.enqueue_dma source(%arg9 : memref<32x128xf32, #tpu.memory_space<vmem>>) target(%dma_start3A_99 : memref<32x128xf32, #tpu.memory_space<vmem_shared>>) target_semaphore(%run_scoped3A : memref<!tpu.dma_semaphore, #tpu.memory_space<semaphore_mem>>)
      %dma_wait3A = arith.constant 0 : i32
      %dma_wait3A_100 = tpu.memref_slice %arg10[%add3A_38, %dma_wait3A] : memref<10240x128xf32, #tpu.memory_space<vmem_shared>> -> memref<32x128xf32, #tpu.memory_space<vmem_shared>>
      %dma_wait3A_101 = arith.constant 0 : i32
      %dma_wait3A_102 = tpu.memref_slice %arg10[%add3A_38, %dma_wait3A_101] : memref<10240x128xf32, #tpu.memory_space<vmem_shared>> -> memref<32x128xf32, #tpu.memory_space<vmem_shared>>
      tpu.wait_dma2 semaphore(%run_scoped3A : memref<!tpu.dma_semaphore, #tpu.memory_space<semaphore_mem>>) src(%arg9 : memref<32x128xf32, #tpu.memory_space<vmem>>) dst(%dma_wait3A_102 : memref<32x128xf32, #tpu.memory_space<vmem_shared>>)
      tpu.yield
    }) : () -> ()
    %mul3A_39 = arith.constant 640 : i32
    %mul3A_40 = arith.muli %arg1, %mul3A_39 : i32
    %add3A_41 = arith.constant 256 : i32
    %add3A_42 = arith.addi %mul3A_40, %add3A_41 : i32
    "tpu.region"() ({
      %run_scoped3A = tpu.sem_alloc : memref<!tpu.dma_semaphore, #tpu.memory_space<semaphore_mem>>
      %dma_start3A = arith.constant 0 : i32
      %dma_start3A_97 = tpu.memref_slice %arg10[%add3A_42, %dma_start3A] : memref<10240x128xf32, #tpu.memory_space<vmem_shared>> -> memref<32x128xf32, #tpu.memory_space<vmem_shared>>
      %dma_start3A_98 = arith.constant 0 : i32
      %dma_start3A_99 = tpu.memref_slice %arg10[%add3A_42, %dma_start3A_98] : memref<10240x128xf32, #tpu.memory_space<vmem_shared>> -> memref<32x128xf32, #tpu.memory_space<vmem_shared>>
      tpu.enqueue_dma source(%arg9 : memref<32x128xf32, #tpu.memory_space<vmem>>) target(%dma_start3A_99 : memref<32x128xf32, #tpu.memory_space<vmem_shared>>) target_semaphore(%run_scoped3A : memref<!tpu.dma_semaphore, #tpu.memory_space<semaphore_mem>>)
      %dma_wait3A = arith.constant 0 : i32
      %dma_wait3A_100 = tpu.memref_slice %arg10[%add3A_42, %dma_wait3A] : memref<10240x128xf32, #tpu.memory_space<vmem_shared>> -> memref<32x128xf32, #tpu.memory_space<vmem_shared>>
      %dma_wait3A_101 = arith.constant 0 : i32
      %dma_wait3A_102 = tpu.memref_slice %arg10[%add3A_42, %dma_wait3A_101] : memref<10240x128xf32, #tpu.memory_space<vmem_shared>> -> memref<32x128xf32, #tpu.memory_space<vmem_shared>>
      tpu.wait_dma2 semaphore(%run_scoped3A : memref<!tpu.dma_semaphore, #tpu.memory_space<semaphore_mem>>) src(%arg9 : memref<32x128xf32, #tpu.memory_space<vmem>>) dst(%dma_wait3A_102 : memref<32x128xf32, #tpu.memory_space<vmem_shared>>)
      tpu.yield
    }) : () -> ()
    %mul3A_43 = arith.constant 640 : i32
    %mul3A_44 = arith.muli %arg1, %mul3A_43 : i32
    %add3A_45 = arith.constant 288 : i32
    %add3A_46 = arith.addi %mul3A_44, %add3A_45 : i32
    "tpu.region"() ({
      %run_scoped3A = tpu.sem_alloc : memref<!tpu.dma_semaphore, #tpu.memory_space<semaphore_mem>>
      %dma_start3A = arith.constant 0 : i32
      %dma_start3A_97 = tpu.memref_slice %arg10[%add3A_46, %dma_start3A] : memref<10240x128xf32, #tpu.memory_space<vmem_shared>> -> memref<32x128xf32, #tpu.memory_space<vmem_shared>>
      %dma_start3A_98 = arith.constant 0 : i32
      %dma_start3A_99 = tpu.memref_slice %arg10[%add3A_46, %dma_start3A_98] : memref<10240x128xf32, #tpu.memory_space<vmem_shared>> -> memref<32x128xf32, #tpu.memory_space<vmem_shared>>
      tpu.enqueue_dma source(%arg9 : memref<32x128xf32, #tpu.memory_space<vmem>>) target(%dma_start3A_99 : memref<32x128xf32, #tpu.memory_space<vmem_shared>>) target_semaphore(%run_scoped3A : memref<!tpu.dma_semaphore, #tpu.memory_space<semaphore_mem>>)
      %dma_wait3A = arith.constant 0 : i32
      %dma_wait3A_100 = tpu.memref_slice %arg10[%add3A_46, %dma_wait3A] : memref<10240x128xf32, #tpu.memory_space<vmem_shared>> -> memref<32x128xf32, #tpu.memory_space<vmem_shared>>
      %dma_wait3A_101 = arith.constant 0 : i32
      %dma_wait3A_102 = tpu.memref_slice %arg10[%add3A_46, %dma_wait3A_101] : memref<10240x128xf32, #tpu.memory_space<vmem_shared>> -> memref<32x128xf32, #tpu.memory_space<vmem_shared>>
      tpu.wait_dma2 semaphore(%run_scoped3A : memref<!tpu.dma_semaphore, #tpu.memory_space<semaphore_mem>>) src(%arg9 : memref<32x128xf32, #tpu.memory_space<vmem>>) dst(%dma_wait3A_102 : memref<32x128xf32, #tpu.memory_space<vmem_shared>>)
      tpu.yield
    }) : () -> ()
    %mul3A_47 = arith.constant 640 : i32
    %mul3A_48 = arith.muli %arg1, %mul3A_47 : i32
    %add3A_49 = arith.constant 320 : i32
    %add3A_50 = arith.addi %mul3A_48, %add3A_49 : i32
    "tpu.region"() ({
      %run_scoped3A = tpu.sem_alloc : memref<!tpu.dma_semaphore, #tpu.memory_space<semaphore_mem>>
      %dma_start3A = arith.constant 0 : i32
      %dma_start3A_97 = tpu.memref_slice %arg10[%add3A_50, %dma_start3A] : memref<10240x128xf32, #tpu.memory_space<vmem_shared>> -> memref<32x128xf32, #tpu.memory_space<vmem_shared>>
      %dma_start3A_98 = arith.constant 0 : i32
      %dma_start3A_99 = tpu.memref_slice %arg10[%add3A_50, %dma_start3A_98] : memref<10240x128xf32, #tpu.memory_space<vmem_shared>> -> memref<32x128xf32, #tpu.memory_space<vmem_shared>>
      tpu.enqueue_dma source(%arg9 : memref<32x128xf32, #tpu.memory_space<vmem>>) target(%dma_start3A_99 : memref<32x128xf32, #tpu.memory_space<vmem_shared>>) target_semaphore(%run_scoped3A : memref<!tpu.dma_semaphore, #tpu.memory_space<semaphore_mem>>)
      %dma_wait3A = arith.constant 0 : i32
      %dma_wait3A_100 = tpu.memref_slice %arg10[%add3A_50, %dma_wait3A] : memref<10240x128xf32, #tpu.memory_space<vmem_shared>> -> memref<32x128xf32, #tpu.memory_space<vmem_shared>>
      %dma_wait3A_101 = arith.constant 0 : i32
      %dma_wait3A_102 = tpu.memref_slice %arg10[%add3A_50, %dma_wait3A_101] : memref<10240x128xf32, #tpu.memory_space<vmem_shared>> -> memref<32x128xf32, #tpu.memory_space<vmem_shared>>
      tpu.wait_dma2 semaphore(%run_scoped3A : memref<!tpu.dma_semaphore, #tpu.memory_space<semaphore_mem>>) src(%arg9 : memref<32x128xf32, #tpu.memory_space<vmem>>) dst(%dma_wait3A_102 : memref<32x128xf32, #tpu.memory_space<vmem_shared>>)
      tpu.yield
    }) : () -> ()
    %mul3A_51 = arith.constant 640 : i32
    %mul3A_52 = arith.muli %arg1, %mul3A_51 : i32
    %add3A_53 = arith.constant 352 : i32
    %add3A_54 = arith.addi %mul3A_52, %add3A_53 : i32
    "tpu.region"() ({
      %run_scoped3A = tpu.sem_alloc : memref<!tpu.dma_semaphore, #tpu.memory_space<semaphore_mem>>
      %dma_start3A = arith.constant 0 : i32
      %dma_start3A_97 = tpu.memref_slice %arg10[%add3A_54, %dma_start3A] : memref<10240x128xf32, #tpu.memory_space<vmem_shared>> -> memref<32x128xf32, #tpu.memory_space<vmem_shared>>
      %dma_start3A_98 = arith.constant 0 : i32
      %dma_start3A_99 = tpu.memref_slice %arg10[%add3A_54, %dma_start3A_98] : memref<10240x128xf32, #tpu.memory_space<vmem_shared>> -> memref<32x128xf32, #tpu.memory_space<vmem_shared>>
      tpu.enqueue_dma source(%arg9 : memref<32x128xf32, #tpu.memory_space<vmem>>) target(%dma_start3A_99 : memref<32x128xf32, #tpu.memory_space<vmem_shared>>) target_semaphore(%run_scoped3A : memref<!tpu.dma_semaphore, #tpu.memory_space<semaphore_mem>>)
      %dma_wait3A = arith.constant 0 : i32
      %dma_wait3A_100 = tpu.memref_slice %arg10[%add3A_54, %dma_wait3A] : memref<10240x128xf32, #tpu.memory_space<vmem_shared>> -> memref<32x128xf32, #tpu.memory_space<vmem_shared>>
      %dma_wait3A_101 = arith.constant 0 : i32
      %dma_wait3A_102 = tpu.memref_slice %arg10[%add3A_54, %dma_wait3A_101] : memref<10240x128xf32, #tpu.memory_space<vmem_shared>> -> memref<32x128xf32, #tpu.memory_space<vmem_shared>>
      tpu.wait_dma2 semaphore(%run_scoped3A : memref<!tpu.dma_semaphore, #tpu.memory_space<semaphore_mem>>) src(%arg9 : memref<32x128xf32, #tpu.memory_space<vmem>>) dst(%dma_wait3A_102 : memref<32x128xf32, #tpu.memory_space<vmem_shared>>)
      tpu.yield
    }) : () -> ()
    %mul3A_55 = arith.constant 640 : i32
    %mul3A_56 = arith.muli %arg1, %mul3A_55 : i32
    %add3A_57 = arith.constant 384 : i32
    %add3A_58 = arith.addi %mul3A_56, %add3A_57 : i32
    "tpu.region"() ({
      %run_scoped3A = tpu.sem_alloc : memref<!tpu.dma_semaphore, #tpu.memory_space<semaphore_mem>>
      %dma_start3A = arith.constant 0 : i32
      %dma_start3A_97 = tpu.memref_slice %arg10[%add3A_58, %dma_start3A] : memref<10240x128xf32, #tpu.memory_space<vmem_shared>> -> memref<32x128xf32, #tpu.memory_space<vmem_shared>>
      %dma_start3A_98 = arith.constant 0 : i32
      %dma_start3A_99 = tpu.memref_slice %arg10[%add3A_58, %dma_start3A_98] : memref<10240x128xf32, #tpu.memory_space<vmem_shared>> -> memref<32x128xf32, #tpu.memory_space<vmem_shared>>
      tpu.enqueue_dma source(%arg9 : memref<32x128xf32, #tpu.memory_space<vmem>>) target(%dma_start3A_99 : memref<32x128xf32, #tpu.memory_space<vmem_shared>>) target_semaphore(%run_scoped3A : memref<!tpu.dma_semaphore, #tpu.memory_space<semaphore_mem>>)
      %dma_wait3A = arith.constant 0 : i32
      %dma_wait3A_100 = tpu.memref_slice %arg10[%add3A_58, %dma_wait3A] : memref<10240x128xf32, #tpu.memory_space<vmem_shared>> -> memref<32x128xf32, #tpu.memory_space<vmem_shared>>
      %dma_wait3A_101 = arith.constant 0 : i32
      %dma_wait3A_102 = tpu.memref_slice %arg10[%add3A_58, %dma_wait3A_101] : memref<10240x128xf32, #tpu.memory_space<vmem_shared>> -> memref<32x128xf32, #tpu.memory_space<vmem_shared>>
      tpu.wait_dma2 semaphore(%run_scoped3A : memref<!tpu.dma_semaphore, #tpu.memory_space<semaphore_mem>>) src(%arg9 : memref<32x128xf32, #tpu.memory_space<vmem>>) dst(%dma_wait3A_102 : memref<32x128xf32, #tpu.memory_space<vmem_shared>>)
      tpu.yield
    }) : () -> ()
    %mul3A_59 = arith.constant 640 : i32
    %mul3A_60 = arith.muli %arg1, %mul3A_59 : i32
    %add3A_61 = arith.constant 416 : i32
    %add3A_62 = arith.addi %mul3A_60, %add3A_61 : i32
    "tpu.region"() ({
      %run_scoped3A = tpu.sem_alloc : memref<!tpu.dma_semaphore, #tpu.memory_space<semaphore_mem>>
      %dma_start3A = arith.constant 0 : i32
      %dma_start3A_97 = tpu.memref_slice %arg10[%add3A_62, %dma_start3A] : memref<10240x128xf32, #tpu.memory_space<vmem_shared>> -> memref<32x128xf32, #tpu.memory_space<vmem_shared>>
      %dma_start3A_98 = arith.constant 0 : i32
      %dma_start3A_99 = tpu.memref_slice %arg10[%add3A_62, %dma_start3A_98] : memref<10240x128xf32, #tpu.memory_space<vmem_shared>> -> memref<32x128xf32, #tpu.memory_space<vmem_shared>>
      tpu.enqueue_dma source(%arg9 : memref<32x128xf32, #tpu.memory_space<vmem>>) target(%dma_start3A_99 : memref<32x128xf32, #tpu.memory_space<vmem_shared>>) target_semaphore(%run_scoped3A : memref<!tpu.dma_semaphore, #tpu.memory_space<semaphore_mem>>)
      %dma_wait3A = arith.constant 0 : i32
      %dma_wait3A_100 = tpu.memref_slice %arg10[%add3A_62, %dma_wait3A] : memref<10240x128xf32, #tpu.memory_space<vmem_shared>> -> memref<32x128xf32, #tpu.memory_space<vmem_shared>>
      %dma_wait3A_101 = arith.constant 0 : i32
      %dma_wait3A_102 = tpu.memref_slice %arg10[%add3A_62, %dma_wait3A_101] : memref<10240x128xf32, #tpu.memory_space<vmem_shared>> -> memref<32x128xf32, #tpu.memory_space<vmem_shared>>
      tpu.wait_dma2 semaphore(%run_scoped3A : memref<!tpu.dma_semaphore, #tpu.memory_space<semaphore_mem>>) src(%arg9 : memref<32x128xf32, #tpu.memory_space<vmem>>) dst(%dma_wait3A_102 : memref<32x128xf32, #tpu.memory_space<vmem_shared>>)
      tpu.yield
    }) : () -> ()
    %mul3A_63 = arith.constant 640 : i32
    %mul3A_64 = arith.muli %arg1, %mul3A_63 : i32
    %add3A_65 = arith.constant 448 : i32
    %add3A_66 = arith.addi %mul3A_64, %add3A_65 : i32
    "tpu.region"() ({
      %run_scoped3A = tpu.sem_alloc : memref<!tpu.dma_semaphore, #tpu.memory_space<semaphore_mem>>
      %dma_start3A = arith.constant 0 : i32
      %dma_start3A_97 = tpu.memref_slice %arg10[%add3A_66, %dma_start3A] : memref<10240x128xf32, #tpu.memory_space<vmem_shared>> -> memref<32x128xf32, #tpu.memory_space<vmem_shared>>
      %dma_start3A_98 = arith.constant 0 : i32
      %dma_start3A_99 = tpu.memref_slice %arg10[%add3A_66, %dma_start3A_98] : memref<10240x128xf32, #tpu.memory_space<vmem_shared>> -> memref<32x128xf32, #tpu.memory_space<vmem_shared>>
      tpu.enqueue_dma source(%arg9 : memref<32x128xf32, #tpu.memory_space<vmem>>) target(%dma_start3A_99 : memref<32x128xf32, #tpu.memory_space<vmem_shared>>) target_semaphore(%run_scoped3A : memref<!tpu.dma_semaphore, #tpu.memory_space<semaphore_mem>>)
      %dma_wait3A = arith.constant 0 : i32
      %dma_wait3A_100 = tpu.memref_slice %arg10[%add3A_66, %dma_wait3A] : memref<10240x128xf32, #tpu.memory_space<vmem_shared>> -> memref<32x128xf32, #tpu.memory_space<vmem_shared>>
      %dma_wait3A_101 = arith.constant 0 : i32
      %dma_wait3A_102 = tpu.memref_slice %arg10[%add3A_66, %dma_wait3A_101] : memref<10240x128xf32, #tpu.memory_space<vmem_shared>> -> memref<32x128xf32, #tpu.memory_space<vmem_shared>>
      tpu.wait_dma2 semaphore(%run_scoped3A : memref<!tpu.dma_semaphore, #tpu.memory_space<semaphore_mem>>) src(%arg9 : memref<32x128xf32, #tpu.memory_space<vmem>>) dst(%dma_wait3A_102 : memref<32x128xf32, #tpu.memory_space<vmem_shared>>)
      tpu.yield
    }) : () -> ()
    %mul3A_67 = arith.constant 640 : i32
    %mul3A_68 = arith.muli %arg1, %mul3A_67 : i32
    %add3A_69 = arith.constant 480 : i32
    %add3A_70 = arith.addi %mul3A_68, %add3A_69 : i32
    "tpu.region"() ({
      %run_scoped3A = tpu.sem_alloc : memref<!tpu.dma_semaphore, #tpu.memory_space<semaphore_mem>>
      %dma_start3A = arith.constant 0 : i32
      %dma_start3A_97 = tpu.memref_slice %arg10[%add3A_70, %dma_start3A] : memref<10240x128xf32, #tpu.memory_space<vmem_shared>> -> memref<32x128xf32, #tpu.memory_space<vmem_shared>>
      %dma_start3A_98 = arith.constant 0 : i32
      %dma_start3A_99 = tpu.memref_slice %arg10[%add3A_70, %dma_start3A_98] : memref<10240x128xf32, #tpu.memory_space<vmem_shared>> -> memref<32x128xf32, #tpu.memory_space<vmem_shared>>
      tpu.enqueue_dma source(%arg9 : memref<32x128xf32, #tpu.memory_space<vmem>>) target(%dma_start3A_99 : memref<32x128xf32, #tpu.memory_space<vmem_shared>>) target_semaphore(%run_scoped3A : memref<!tpu.dma_semaphore, #tpu.memory_space<semaphore_mem>>)
      %dma_wait3A = arith.constant 0 : i32
      %dma_wait3A_100 = tpu.memref_slice %arg10[%add3A_70, %dma_wait3A] : memref<10240x128xf32, #tpu.memory_space<vmem_shared>> -> memref<32x128xf32, #tpu.memory_space<vmem_shared>>
      %dma_wait3A_101 = arith.constant 0 : i32
      %dma_wait3A_102 = tpu.memref_slice %arg10[%add3A_70, %dma_wait3A_101] : memref<10240x128xf32, #tpu.memory_space<vmem_shared>> -> memref<32x128xf32, #tpu.memory_space<vmem_shared>>
      tpu.wait_dma2 semaphore(%run_scoped3A : memref<!tpu.dma_semaphore, #tpu.memory_space<semaphore_mem>>) src(%arg9 : memref<32x128xf32, #tpu.memory_space<vmem>>) dst(%dma_wait3A_102 : memref<32x128xf32, #tpu.memory_space<vmem_shared>>)
      tpu.yield
    }) : () -> ()
    %mul3A_71 = arith.constant 640 : i32
    %mul3A_72 = arith.muli %arg1, %mul3A_71 : i32
    %add3A_73 = arith.constant 512 : i32
    %add3A_74 = arith.addi %mul3A_72, %add3A_73 : i32
    "tpu.region"() ({
      %run_scoped3A = tpu.sem_alloc : memref<!tpu.dma_semaphore, #tpu.memory_space<semaphore_mem>>
      %dma_start3A = arith.constant 0 : i32
      %dma_start3A_97 = tpu.memref_slice %arg10[%add3A_74, %dma_start3A] : memref<10240x128xf32, #tpu.memory_space<vmem_shared>> -> memref<32x128xf32, #tpu.memory_space<vmem_shared>>
      %dma_start3A_98 = arith.constant 0 : i32
      %dma_start3A_99 = tpu.memref_slice %arg10[%add3A_74, %dma_start3A_98] : memref<10240x128xf32, #tpu.memory_space<vmem_shared>> -> memref<32x128xf32, #tpu.memory_space<vmem_shared>>
      tpu.enqueue_dma source(%arg9 : memref<32x128xf32, #tpu.memory_space<vmem>>) target(%dma_start3A_99 : memref<32x128xf32, #tpu.memory_space<vmem_shared>>) target_semaphore(%run_scoped3A : memref<!tpu.dma_semaphore, #tpu.memory_space<semaphore_mem>>)
      %dma_wait3A = arith.constant 0 : i32
      %dma_wait3A_100 = tpu.memref_slice %arg10[%add3A_74, %dma_wait3A] : memref<10240x128xf32, #tpu.memory_space<vmem_shared>> -> memref<32x128xf32, #tpu.memory_space<vmem_shared>>
      %dma_wait3A_101 = arith.constant 0 : i32
      %dma_wait3A_102 = tpu.memref_slice %arg10[%add3A_74, %dma_wait3A_101] : memref<10240x128xf32, #tpu.memory_space<vmem_shared>> -> memref<32x128xf32, #tpu.memory_space<vmem_shared>>
      tpu.wait_dma2 semaphore(%run_scoped3A : memref<!tpu.dma_semaphore, #tpu.memory_space<semaphore_mem>>) src(%arg9 : memref<32x128xf32, #tpu.memory_space<vmem>>) dst(%dma_wait3A_102 : memref<32x128xf32, #tpu.memory_space<vmem_shared>>)
      tpu.yield
    }) : () -> ()
    %mul3A_75 = arith.constant 640 : i32
    %mul3A_76 = arith.muli %arg1, %mul3A_75 : i32
    %add3A_77 = arith.constant 544 : i32
    %add3A_78 = arith.addi %mul3A_76, %add3A_77 : i32
    "tpu.region"() ({
      %run_scoped3A = tpu.sem_alloc : memref<!tpu.dma_semaphore, #tpu.memory_space<semaphore_mem>>
      %dma_start3A = arith.constant 0 : i32
      %dma_start3A_97 = tpu.memref_slice %arg10[%add3A_78, %dma_start3A] : memref<10240x128xf32, #tpu.memory_space<vmem_shared>> -> memref<32x128xf32, #tpu.memory_space<vmem_shared>>
      %dma_start3A_98 = arith.constant 0 : i32
      %dma_start3A_99 = tpu.memref_slice %arg10[%add3A_78, %dma_start3A_98] : memref<10240x128xf32, #tpu.memory_space<vmem_shared>> -> memref<32x128xf32, #tpu.memory_space<vmem_shared>>
      tpu.enqueue_dma source(%arg9 : memref<32x128xf32, #tpu.memory_space<vmem>>) target(%dma_start3A_99 : memref<32x128xf32, #tpu.memory_space<vmem_shared>>) target_semaphore(%run_scoped3A : memref<!tpu.dma_semaphore, #tpu.memory_space<semaphore_mem>>)
      %dma_wait3A = arith.constant 0 : i32
      %dma_wait3A_100 = tpu.memref_slice %arg10[%add3A_78, %dma_wait3A] : memref<10240x128xf32, #tpu.memory_space<vmem_shared>> -> memref<32x128xf32, #tpu.memory_space<vmem_shared>>
      %dma_wait3A_101 = arith.constant 0 : i32
      %dma_wait3A_102 = tpu.memref_slice %arg10[%add3A_78, %dma_wait3A_101] : memref<10240x128xf32, #tpu.memory_space<vmem_shared>> -> memref<32x128xf32, #tpu.memory_space<vmem_shared>>
      tpu.wait_dma2 semaphore(%run_scoped3A : memref<!tpu.dma_semaphore, #tpu.memory_space<semaphore_mem>>) src(%arg9 : memref<32x128xf32, #tpu.memory_space<vmem>>) dst(%dma_wait3A_102 : memref<32x128xf32, #tpu.memory_space<vmem_shared>>)
      tpu.yield
    }) : () -> ()
    %mul3A_79 = arith.constant 640 : i32
    %mul3A_80 = arith.muli %arg1, %mul3A_79 : i32
    %add3A_81 = arith.constant 576 : i32
    %add3A_82 = arith.addi %mul3A_80, %add3A_81 : i32
    "tpu.region"() ({
      %run_scoped3A = tpu.sem_alloc : memref<!tpu.dma_semaphore, #tpu.memory_space<semaphore_mem>>
      %dma_start3A = arith.constant 0 : i32
      %dma_start3A_97 = tpu.memref_slice %arg10[%add3A_82, %dma_start3A] : memref<10240x128xf32, #tpu.memory_space<vmem_shared>> -> memref<32x128xf32, #tpu.memory_space<vmem_shared>>
      %dma_start3A_98 = arith.constant 0 : i32
      %dma_start3A_99 = tpu.memref_slice %arg10[%add3A_82, %dma_start3A_98] : memref<10240x128xf32, #tpu.memory_space<vmem_shared>> -> memref<32x128xf32, #tpu.memory_space<vmem_shared>>
      tpu.enqueue_dma source(%arg9 : memref<32x128xf32, #tpu.memory_space<vmem>>) target(%dma_start3A_99 : memref<32x128xf32, #tpu.memory_space<vmem_shared>>) target_semaphore(%run_scoped3A : memref<!tpu.dma_semaphore, #tpu.memory_space<semaphore_mem>>)
      %dma_wait3A = arith.constant 0 : i32
      %dma_wait3A_100 = tpu.memref_slice %arg10[%add3A_82, %dma_wait3A] : memref<10240x128xf32, #tpu.memory_space<vmem_shared>> -> memref<32x128xf32, #tpu.memory_space<vmem_shared>>
      %dma_wait3A_101 = arith.constant 0 : i32
      %dma_wait3A_102 = tpu.memref_slice %arg10[%add3A_82, %dma_wait3A_101] : memref<10240x128xf32, #tpu.memory_space<vmem_shared>> -> memref<32x128xf32, #tpu.memory_space<vmem_shared>>
      tpu.wait_dma2 semaphore(%run_scoped3A : memref<!tpu.dma_semaphore, #tpu.memory_space<semaphore_mem>>) src(%arg9 : memref<32x128xf32, #tpu.memory_space<vmem>>) dst(%dma_wait3A_102 : memref<32x128xf32, #tpu.memory_space<vmem_shared>>)
      tpu.yield
    }) : () -> ()
    %mul3A_83 = arith.constant 640 : i32
    %mul3A_84 = arith.muli %arg1, %mul3A_83 : i32
    %add3A_85 = arith.constant 608 : i32
    %add3A_86 = arith.addi %mul3A_84, %add3A_85 : i32
    "tpu.region"() ({
      %run_scoped3A = tpu.sem_alloc : memref<!tpu.dma_semaphore, #tpu.memory_space<semaphore_mem>>
      %dma_start3A = arith.constant 0 : i32
      %dma_start3A_97 = tpu.memref_slice %arg10[%add3A_86, %dma_start3A] : memref<10240x128xf32, #tpu.memory_space<vmem_shared>> -> memref<32x128xf32, #tpu.memory_space<vmem_shared>>
      %dma_start3A_98 = arith.constant 0 : i32
      %dma_start3A_99 = tpu.memref_slice %arg10[%add3A_86, %dma_start3A_98] : memref<10240x128xf32, #tpu.memory_space<vmem_shared>> -> memref<32x128xf32, #tpu.memory_space<vmem_shared>>
      tpu.enqueue_dma source(%arg9 : memref<32x128xf32, #tpu.memory_space<vmem>>) target(%dma_start3A_99 : memref<32x128xf32, #tpu.memory_space<vmem_shared>>) target_semaphore(%run_scoped3A : memref<!tpu.dma_semaphore, #tpu.memory_space<semaphore_mem>>)
      %dma_wait3A = arith.constant 0 : i32
      %dma_wait3A_100 = tpu.memref_slice %arg10[%add3A_86, %dma_wait3A] : memref<10240x128xf32, #tpu.memory_space<vmem_shared>> -> memref<32x128xf32, #tpu.memory_space<vmem_shared>>
      %dma_wait3A_101 = arith.constant 0 : i32
      %dma_wait3A_102 = tpu.memref_slice %arg10[%add3A_86, %dma_wait3A_101] : memref<10240x128xf32, #tpu.memory_space<vmem_shared>> -> memref<32x128xf32, #tpu.memory_space<vmem_shared>>
      tpu.wait_dma2 semaphore(%run_scoped3A : memref<!tpu.dma_semaphore, #tpu.memory_space<semaphore_mem>>) src(%arg9 : memref<32x128xf32, #tpu.memory_space<vmem>>) dst(%dma_wait3A_102 : memref<32x128xf32, #tpu.memory_space<vmem_shared>>)
      tpu.yield
    }) : () -> ()
    "tpu.region"() ({
      %run_scoped3A = tpu.sem_alloc : memref<!tpu.dma_semaphore, #tpu.memory_space<semaphore_mem>>
      %dma_start3A = arith.constant 0 : i32
      %dma_start3A_97 = arith.constant 0 : i32
      %dma_start3A_98 = tpu.memref_slice %arg2[%add3A, %dma_start3A, %dma_start3A_97] : memref<32x79x128xi32, #tpu.memory_space<hbm>> -> memref<1x79x128xi32, #tpu.memory_space<hbm>>
      %dma_start3A_99 = tpu.memref_squeeze %dma_start3A_98 : memref<1x79x128xi32, #tpu.memory_space<hbm>> -> memref<79x128xi32, #tpu.memory_space<hbm>>
      %dma_start3A_100 = arith.constant 0 : i32
      %dma_start3A_101 = arith.constant 0 : i32
      %dma_start3A_102 = tpu.memref_slice %arg2[%add3A, %dma_start3A_100, %dma_start3A_101] : memref<32x79x128xi32, #tpu.memory_space<hbm>> -> memref<1x79x128xi32, #tpu.memory_space<hbm>>
      %dma_start3A_103 = tpu.memref_squeeze %dma_start3A_102 : memref<1x79x128xi32, #tpu.memory_space<hbm>> -> memref<79x128xi32, #tpu.memory_space<hbm>>
      tpu.enqueue_dma source(%dma_start3A_103 : memref<79x128xi32, #tpu.memory_space<hbm>>) target(%arg6 : memref<79x128xi32, #tpu.memory_space<vmem>>) target_semaphore(%run_scoped3A : memref<!tpu.dma_semaphore, #tpu.memory_space<semaphore_mem>>)
      %dma_wait3A = arith.constant 0 : i32
      %dma_wait3A_104 = arith.constant 0 : i32
      %dma_wait3A_105 = tpu.memref_slice %arg2[%add3A, %dma_wait3A, %dma_wait3A_104] : memref<32x79x128xi32, #tpu.memory_space<hbm>> -> memref<1x79x128xi32, #tpu.memory_space<hbm>>
      %dma_wait3A_106 = tpu.memref_squeeze %dma_wait3A_105 : memref<1x79x128xi32, #tpu.memory_space<hbm>> -> memref<79x128xi32, #tpu.memory_space<hbm>>
      %dma_wait3A_107 = arith.constant 0 : i32
      %dma_wait3A_108 = arith.constant 0 : i32
      %dma_wait3A_109 = tpu.memref_slice %arg2[%add3A, %dma_wait3A_107, %dma_wait3A_108] : memref<32x79x128xi32, #tpu.memory_space<hbm>> -> memref<1x79x128xi32, #tpu.memory_space<hbm>>
      %dma_wait3A_110 = tpu.memref_squeeze %dma_wait3A_109 : memref<1x79x128xi32, #tpu.memory_space<hbm>> -> memref<79x128xi32, #tpu.memory_space<hbm>>
      tpu.wait_dma2 semaphore(%run_scoped3A : memref<!tpu.dma_semaphore, #tpu.memory_space<semaphore_mem>>) src(%dma_wait3A_110 : memref<79x128xi32, #tpu.memory_space<hbm>>) dst(%arg6 : memref<79x128xi32, #tpu.memory_space<vmem>>)
      tpu.yield
    }) : () -> ()
    "tpu.region"() ({
      %run_scoped3A = tpu.sem_alloc : memref<!tpu.dma_semaphore, #tpu.memory_space<semaphore_mem>>
      %dma_start3A = arith.constant 0 : i32
      %dma_start3A_97 = arith.constant 0 : i32
      %dma_start3A_98 = tpu.memref_slice %arg3[%add3A, %dma_start3A, %dma_start3A_97] : memref<32x79x128xi32, #tpu.memory_space<hbm>> -> memref<1x79x128xi32, #tpu.memory_space<hbm>>
      %dma_start3A_99 = tpu.memref_squeeze %dma_start3A_98 : memref<1x79x128xi32, #tpu.memory_space<hbm>> -> memref<79x128xi32, #tpu.memory_space<hbm>>
      %dma_start3A_100 = arith.constant 0 : i32
      %dma_start3A_101 = arith.constant 0 : i32
      %dma_start3A_102 = tpu.memref_slice %arg3[%add3A, %dma_start3A_100, %dma_start3A_101] : memref<32x79x128xi32, #tpu.memory_space<hbm>> -> memref<1x79x128xi32, #tpu.memory_space<hbm>>
      %dma_start3A_103 = tpu.memref_squeeze %dma_start3A_102 : memref<1x79x128xi32, #tpu.memory_space<hbm>> -> memref<79x128xi32, #tpu.memory_space<hbm>>
      tpu.enqueue_dma source(%dma_start3A_103 : memref<79x128xi32, #tpu.memory_space<hbm>>) target(%arg7 : memref<79x128xi32, #tpu.memory_space<vmem>>) target_semaphore(%run_scoped3A : memref<!tpu.dma_semaphore, #tpu.memory_space<semaphore_mem>>)
      %dma_wait3A = arith.constant 0 : i32
      %dma_wait3A_104 = arith.constant 0 : i32
      %dma_wait3A_105 = tpu.memref_slice %arg3[%add3A, %dma_wait3A, %dma_wait3A_104] : memref<32x79x128xi32, #tpu.memory_space<hbm>> -> memref<1x79x128xi32, #tpu.memory_space<hbm>>
      %dma_wait3A_106 = tpu.memref_squeeze %dma_wait3A_105 : memref<1x79x128xi32, #tpu.memory_space<hbm>> -> memref<79x128xi32, #tpu.memory_space<hbm>>
      %dma_wait3A_107 = arith.constant 0 : i32
      %dma_wait3A_108 = arith.constant 0 : i32
      %dma_wait3A_109 = tpu.memref_slice %arg3[%add3A, %dma_wait3A_107, %dma_wait3A_108] : memref<32x79x128xi32, #tpu.memory_space<hbm>> -> memref<1x79x128xi32, #tpu.memory_space<hbm>>
      %dma_wait3A_110 = tpu.memref_squeeze %dma_wait3A_109 : memref<1x79x128xi32, #tpu.memory_space<hbm>> -> memref<79x128xi32, #tpu.memory_space<hbm>>
      tpu.wait_dma2 semaphore(%run_scoped3A : memref<!tpu.dma_semaphore, #tpu.memory_space<semaphore_mem>>) src(%dma_wait3A_110 : memref<79x128xi32, #tpu.memory_space<hbm>>) dst(%arg7 : memref<79x128xi32, #tpu.memory_space<vmem>>)
      tpu.yield
    }) : () -> ()
    %barrier3A = arith.constant 0 : index
    tpu.barrier barrier_id(%barrier3A)
    %scan3A_87 = arith.constant 0 : i32
    %scan3A_88 = arith.constant 0 : i32
    %scan3A_89 = arith.constant 79 : i32
    %scan3A_90 = arith.addi %scan3A_88, %scan3A_89 : i32
    %scan3A_91 = arith.constant 1 : i32
    %scan3A_92 = scf.for %scan3A_97 = %scan3A_88 to %scan3A_90 step %scan3A_91 iter_args(%scan3A_98 = %scan3A_87) -> (i32)  : i32 {
      %dma_start3A = arith.constant 0 : i32
      %dma_start3A_99 = tpu.memref_slice %arg6[%scan3A_97, %dma_start3A] : memref<79x128xi32, #tpu.memory_space<vmem>> -> memref<1x128xi32, #tpu.memory_space<vmem>>
      %dma_start3A_100 = tpu.memref_squeeze %dma_start3A_99 : memref<1x128xi32, #tpu.memory_space<vmem>> -> memref<128xi32, #tpu.memory_space<vmem>>
      %dma_start3A_101 = arith.constant 0 : i32
      %dma_start3A_102 = arith.constant 0 : i32
      %dma_start3A_103 = tpu.memref_slice %arg4[%dma_start3A_101, %dma_start3A_102] : memref<10240x128xf32, #tpu.memory_space<hbm>> -> memref<10240x128xf32, #tpu.memory_space<hbm>>
      tpu.enqueue_indirect_dma source(%dma_start3A_103 : memref<10240x128xf32, #tpu.memory_space<hbm>>) target(%arg8 : memref<128x128xf32, #tpu.memory_space<vmem>>) offsets(%dma_start3A_100 : memref<128xi32, #tpu.memory_space<vmem>>) semaphore(%arg11 : memref<!tpu.dma_semaphore, #tpu.memory_space<semaphore_mem>>)
      %dma_wait3A = arith.constant 0 : i32
      %dma_wait3A_104 = tpu.memref_slice %arg6[%scan3A_97, %dma_wait3A] : memref<79x128xi32, #tpu.memory_space<vmem>> -> memref<1x128xi32, #tpu.memory_space<vmem>>
      %dma_wait3A_105 = tpu.memref_squeeze %dma_wait3A_104 : memref<1x128xi32, #tpu.memory_space<vmem>> -> memref<128xi32, #tpu.memory_space<vmem>>
      %dma_wait3A_106 = arith.constant 0 : i32
      %dma_wait3A_107 = arith.constant 0 : i32
      %dma_wait3A_108 = tpu.memref_slice %arg4[%dma_wait3A_106, %dma_wait3A_107] : memref<10240x128xf32, #tpu.memory_space<hbm>> -> memref<10240x128xf32, #tpu.memory_space<hbm>>
      tpu.wait_indirect_dma semaphore(%arg11 : memref<!tpu.dma_semaphore, #tpu.memory_space<semaphore_mem>>) src(%dma_wait3A_108 : memref<10240x128xf32, #tpu.memory_space<hbm>>) dst(%arg8 : memref<128x128xf32, #tpu.memory_space<vmem>>)
      "tpu.region"() ({
        %run_scoped3A = tpu.sem_alloc : memref<!tpu.dma_semaphore, #tpu.memory_space<semaphore_mem>>
        %dma_start3A_110 = arith.constant 0 : i32
        %dma_start3A_111 = tpu.memref_slice %arg7[%scan3A_97, %dma_start3A_110] : memref<79x128xi32, #tpu.memory_space<vmem>> -> memref<1x128xi32, #tpu.memory_space<vmem>>
        %dma_start3A_112 = tpu.memref_squeeze %dma_start3A_111 : memref<1x128xi32, #tpu.memory_space<vmem>> -> memref<128xi32, #tpu.memory_space<vmem>>
        %dma_start3A_113 = arith.constant 0 : i32
        %dma_start3A_114 = arith.constant 0 : i32
        %dma_start3A_115 = tpu.memref_slice %arg10[%dma_start3A_113, %dma_start3A_114] : memref<10240x128xf32, #tpu.memory_space<vmem_shared>> -> memref<10240x128xf32, #tpu.memory_space<vmem_shared>>
        tpu.enqueue_indirect_dma source(%arg8 : memref<128x128xf32, #tpu.memory_space<vmem>>) target(%dma_start3A_115 : memref<10240x128xf32, #tpu.memory_space<vmem_shared>>) offsets(%dma_start3A_112 : memref<128xi32, #tpu.memory_space<vmem>>) semaphore(%run_scoped3A : memref<!tpu.dma_semaphore, #tpu.memory_space<semaphore_mem>>) {add = true}
        %dma_wait3A_116 = arith.constant 0 : i32
        %dma_wait3A_117 = tpu.memref_slice %arg7[%scan3A_97, %dma_wait3A_116] : memref<79x128xi32, #tpu.memory_space<vmem>> -> memref<1x128xi32, #tpu.memory_space<vmem>>
        %dma_wait3A_118 = tpu.memref_squeeze %dma_wait3A_117 : memref<1x128xi32, #tpu.memory_space<vmem>> -> memref<128xi32, #tpu.memory_space<vmem>>
        %dma_wait3A_119 = arith.constant 0 : i32
        %dma_wait3A_120 = arith.constant 0 : i32
        %dma_wait3A_121 = tpu.memref_slice %arg10[%dma_wait3A_119, %dma_wait3A_120] : memref<10240x128xf32, #tpu.memory_space<vmem_shared>> -> memref<10240x128xf32, #tpu.memory_space<vmem_shared>>
        tpu.wait_indirect_dma semaphore(%run_scoped3A : memref<!tpu.dma_semaphore, #tpu.memory_space<semaphore_mem>>) src(%arg8 : memref<128x128xf32, #tpu.memory_space<vmem>>) dst(%dma_wait3A_121 : memref<10240x128xf32, #tpu.memory_space<vmem_shared>>)
        tpu.yield
      }) : () -> ()
      %scan3A_109 = arith.constant 0 : i32
      scf.yield %scan3A_109 : i32
    }
    %scan3A_93 = arith.constant 79 : i32
    %barrier3A_94 = arith.constant 0 : index
    tpu.barrier barrier_id(%barrier3A_94)
    %mul3A_95 = arith.constant 640 : i32
    %mul3A_96 = arith.muli %arg1, %mul3A_95 : i32
    "tpu.region"() ({
      %run_scoped3A = tpu.sem_alloc : memref<!tpu.dma_semaphore, #tpu.memory_space<semaphore_mem>>
      %dma_start3A = arith.constant 0 : i32
      %dma_start3A_97 = arith.constant 0 : i32
      %dma_start3A_98 = tpu.memref_slice %arg5[%arg0, %dma_start3A, %dma_start3A_97] : memref<2x10240x128xf32, #tpu.memory_space<hbm>> -> memref<1x10240x128xf32, #tpu.memory_space<hbm>>
      %dma_start3A_99 = tpu.memref_squeeze %dma_start3A_98 : memref<1x10240x128xf32, #tpu.memory_space<hbm>> -> memref<10240x128xf32, #tpu.memory_space<hbm>>
      %dma_start3A_100 = arith.constant 0 : i32
      %dma_start3A_101 = tpu.memref_slice %dma_start3A_99[%mul3A_96, %dma_start3A_100] : memref<10240x128xf32, #tpu.memory_space<hbm>> -> memref<640x128xf32, #tpu.memory_space<hbm>>
      %dma_start3A_102 = arith.constant 0 : i32
      %dma_start3A_103 = tpu.memref_slice %arg10[%mul3A_96, %dma_start3A_102] : memref<10240x128xf32, #tpu.memory_space<vmem_shared>> -> memref<640x128xf32, #tpu.memory_space<vmem_shared>>
      tpu.enqueue_dma source(%dma_start3A_103 : memref<640x128xf32, #tpu.memory_space<vmem_shared>>) target(%dma_start3A_101 : memref<640x128xf32, #tpu.memory_space<hbm>>) target_semaphore(%run_scoped3A : memref<!tpu.dma_semaphore, #tpu.memory_space<semaphore_mem>>)
      %dma_wait3A = arith.constant 0 : i32
      %dma_wait3A_104 = arith.constant 0 : i32
      %dma_wait3A_105 = tpu.memref_slice %arg5[%arg0, %dma_wait3A, %dma_wait3A_104] : memref<2x10240x128xf32, #tpu.memory_space<hbm>> -> memref<1x10240x128xf32, #tpu.memory_space<hbm>>
      %dma_wait3A_106 = tpu.memref_squeeze %dma_wait3A_105 : memref<1x10240x128xf32, #tpu.memory_space<hbm>> -> memref<10240x128xf32, #tpu.memory_space<hbm>>
      %dma_wait3A_107 = arith.constant 0 : i32
      %dma_wait3A_108 = tpu.memref_slice %dma_wait3A_106[%mul3A_96, %dma_wait3A_107] : memref<10240x128xf32, #tpu.memory_space<hbm>> -> memref<640x128xf32, #tpu.memory_space<hbm>>
      %dma_wait3A_109 = arith.constant 0 : i32
      %dma_wait3A_110 = tpu.memref_slice %arg10[%mul3A_96, %dma_wait3A_109] : memref<10240x128xf32, #tpu.memory_space<vmem_shared>> -> memref<640x128xf32, #tpu.memory_space<vmem_shared>>
      tpu.wait_dma2 semaphore(%run_scoped3A : memref<!tpu.dma_semaphore, #tpu.memory_space<semaphore_mem>>) src(%dma_wait3A_110 : memref<640x128xf32, #tpu.memory_space<vmem_shared>>) dst(%dma_wait3A_108 : memref<640x128xf32, #tpu.memory_space<hbm>>)
      tpu.yield
    }) : () -> ()
    return
  }
}

module attributes {stable_mosaic.version = 14 : i64} {
  func.func @_mm_scale_body(%arg0: i32, %arg1: memref<1024x128xf32, #tpu.memory_space<vmem>>, %arg2: memref<128x128xf32, #tpu.memory_space<vmem>>, %arg3: memref<2x1024x128xf32, #tpu.memory_space<vmem>>, %arg4: memref<1024x128xf32, #tpu.memory_space<vmem>>, %arg5: memref<1024x128xf32, #tpu.memory_space<vmem>>) attributes {dimension_semantics = [#tpu.dimension_semantics<arbitrary>], iteration_bounds = array<i64: 10>, scalar_prefetch = 0 : i64, scratch_operands = 0 : i64, tpu.core_type = #tpu.core_type<tc>, window_params = [{transform_indices = @transform_0, window_bounds = array<i64: 1024, 128>}, {pipeline_mode = #tpu.pipeline_mode<synchronous>, transform_indices = @transform_1, window_bounds = array<i64: 128, 128>}, {transform_indices = @transform_2, window_bounds = array<i64: 2, 1024, 128>}, {transform_indices = @transform_3, window_bounds = array<i64: 1024, 128>}, {transform_indices = @transform_4, window_bounds = array<i64: 1024, 128>}]} {
    %get3A = arith.constant 0 : index
    %get3A_0 = arith.constant 0 : index
    %get3A_1 = arith.constant 0 : index
    %get3A_2 = vector.load %arg3[%get3A, %get3A_0, %get3A_1] : memref<2x1024x128xf32, #tpu.memory_space<vmem>>, vector<1x1024x1xf32>
    %get3A_3 = vector.shape_cast %get3A_2 : vector<1x1024x1xf32> to vector<1024x1xf32>
    %add3A = arith.constant 1.000000e+00 : f32
    %add3A_4 = vector.broadcast %add3A : f32 to vector<1024x1xf32>
    %add3A_5 = arith.addf %add3A_4, %get3A_3 : vector<1024x1xf32>
    %get3A_6 = arith.constant 1 : index
    %get3A_7 = arith.constant 0 : index
    %get3A_8 = arith.constant 0 : index
    %get3A_9 = vector.load %arg3[%get3A_6, %get3A_7, %get3A_8] : memref<2x1024x128xf32, #tpu.memory_space<vmem>>, vector<1x1024x1xf32>
    %get3A_10 = vector.shape_cast %get3A_9 : vector<1x1024x1xf32> to vector<1024x1xf32>
    %add3A_11 = arith.addf %add3A_5, %get3A_10 : vector<1024x1xf32>
    %rsqrt3A = math.rsqrt %add3A_11 : vector<1024x1xf32>
    %broadcast_in_dim3A = arith.constant 0.000000e+00 : f32
    %broadcast_in_dim3A_12 = vector.broadcast %broadcast_in_dim3A : f32 to vector<1024x128xf32>
    %add3A_13 = vector.broadcast %rsqrt3A : vector<1024x1xf32> to vector<1024x128xf32>
    %add3A_14 = arith.addf %broadcast_in_dim3A_12, %add3A_13 : vector<1024x128xf32>
    %swap3A = arith.constant 0 : index
    %swap3A_15 = arith.constant 0 : index
    %swap3A_16 = vector.load %arg5[%swap3A, %swap3A_15] : memref<1024x128xf32, #tpu.memory_space<vmem>>, vector<1024x128xf32>
    tpu.vector_store %arg5[%swap3A, %swap3A_15], %add3A_14 {strides = array<i32>} : memref<1024x128xf32, #tpu.memory_space<vmem>>, vector<1024x128xf32>,
    %get3A_17 = arith.constant 0 : index
    %get3A_18 = arith.constant 0 : index
    %get3A_19 = vector.load %arg1[%get3A_17, %get3A_18] : memref<1024x128xf32, #tpu.memory_space<vmem>>, vector<1024x128xf32>
    %get3A_20 = arith.constant 0 : index
    %get3A_21 = arith.constant 0 : index
    %get3A_22 = vector.load %arg2[%get3A_20, %get3A_21] : memref<128x128xf32, #tpu.memory_space<vmem>>, vector<128x128xf32>
    %dot_general3A = arith.constant dense<0.000000e+00> : vector<1024x128xf32>
    %dot_general3A_23 = tpu.matmul %get3A_19, %get3A_22, %dot_general3A {dimension_numbers = #tpu.dot_dimension_numbers<[1], [0], [0], [1], [0, 0, 1, 1], [], []>, transpose_lhs_hint = false} : vector<1024x128xf32>, vector<128x128xf32>, vector<1024x128xf32> -> vector<1024x128xf32>
    %mul3A = vector.broadcast %rsqrt3A : vector<1024x1xf32> to vector<1024x128xf32>
    %mul3A_24 = arith.mulf %dot_general3A_23, %mul3A : vector<1024x128xf32>
    %swap3A_25 = arith.constant 0 : index
    %swap3A_26 = arith.constant 0 : index
    %swap3A_27 = vector.load %arg4[%swap3A_25, %swap3A_26] : memref<1024x128xf32, #tpu.memory_space<vmem>>, vector<1024x128xf32>
    tpu.vector_store %arg4[%swap3A_25, %swap3A_26], %mul3A_24 {strides = array<i32>} : memref<1024x128xf32, #tpu.memory_space<vmem>>, vector<1024x128xf32>,
    return
  }
  func.func @transform_0(%arg0: i32) -> (i32, i32) {
    %c0_i32 = arith.constant 0 : i32
    %c0_i32_0 = arith.constant 0 : i32
    return %arg0, %c0_i32 : i32, i32
  }
  func.func @transform_1(%arg0: i32) -> (i32, i32) {
    %c0_i32 = arith.constant 0 : i32
    %c0_i32_0 = arith.constant 0 : i32
    %c0_i32_1 = arith.constant 0 : i32
    return %c0_i32, %c0_i32_0 : i32, i32
  }
  func.func @transform_2(%arg0: i32) -> (i32, i32, i32) {
    %c0_i32 = arith.constant 0 : i32
    %c0_i32_0 = arith.constant 0 : i32
    %c0_i32_1 = arith.constant 0 : i32
    return %c0_i32, %arg0, %c0_i32_0 : i32, i32, i32
  }
  func.func @transform_3(%arg0: i32) -> (i32, i32) {
    %c0_i32 = arith.constant 0 : i32
    %c0_i32_0 = arith.constant 0 : i32
    return %arg0, %c0_i32 : i32, i32
  }
  func.func @transform_4(%arg0: i32) -> (i32, i32) {
    %c0_i32 = arith.constant 0 : i32
    %c0_i32_0 = arith.constant 0 : i32
    return %arg0, %c0_i32 : i32, i32
  }
}

module attributes {stable_mosaic.version = 14 : i64} {
  func.func @_combine_body(%arg0: i32, %arg1: memref<2x1024x128xf32, #tpu.memory_space<vmem>>, %arg2: memref<1024x128xf32, #tpu.memory_space<vmem>>, %arg3: memref<1024x128xf32, #tpu.memory_space<vmem>>, %arg4: memref<1x128xf32, #tpu.memory_space<vmem>>, %arg5: memref<1024x128xf32, #tpu.memory_space<vmem>>, %arg6: memref<1x128xf32, #tpu.memory_space<vmem>>, %arg7: memref<1x128xf32, #tpu.memory_space<vmem>>) attributes {dimension_semantics = [#tpu.dimension_semantics<arbitrary>], iteration_bounds = array<i64: 10>, scalar_prefetch = 0 : i64, scratch_operands = 0 : i64, tpu.core_type = #tpu.core_type<tc>, window_params = [{transform_indices = @transform_0, window_bounds = array<i64: 2, 1024, 128>}, {transform_indices = @transform_1, window_bounds = array<i64: 1024, 128>}, {transform_indices = @transform_2, window_bounds = array<i64: 1024, 128>}, {pipeline_mode = #tpu.pipeline_mode<synchronous>, transform_indices = @transform_3, window_bounds = array<i64: 1, 128>}, {transform_indices = @transform_4, window_bounds = array<i64: 1024, 128>}, {pipeline_mode = #tpu.pipeline_mode<synchronous>, transform_indices = @transform_5, window_bounds = array<i64: 1, 128>}, {pipeline_mode = #tpu.pipeline_mode<synchronous>, transform_indices = @transform_6, window_bounds = array<i64: 1, 128>}]} {
    %get3A = arith.constant 0 : index
    %get3A_0 = arith.constant 0 : index
    %get3A_1 = arith.constant 0 : index
    %get3A_2 = vector.load %arg1[%get3A, %get3A_0, %get3A_1] : memref<2x1024x128xf32, #tpu.memory_space<vmem>>, vector<1x1024x128xf32>
    %get3A_3 = vector.shape_cast %get3A_2 : vector<1x1024x128xf32> to vector<1024x128xf32>
    %get3A_4 = arith.constant 1 : index
    %get3A_5 = arith.constant 0 : index
    %get3A_6 = arith.constant 0 : index
    %get3A_7 = vector.load %arg1[%get3A_4, %get3A_5, %get3A_6] : memref<2x1024x128xf32, #tpu.memory_space<vmem>>, vector<1x1024x128xf32>
    %get3A_8 = vector.shape_cast %get3A_7 : vector<1x1024x128xf32> to vector<1024x128xf32>
    %add3A = arith.addf %get3A_3, %get3A_8 : vector<1024x128xf32>
    %get3A_9 = arith.constant 0 : index
    %get3A_10 = arith.constant 0 : index
    %get3A_11 = vector.load %arg2[%get3A_9, %get3A_10] : memref<1024x128xf32, #tpu.memory_space<vmem>>, vector<1024x128xf32>
    %add3A_12 = arith.addf %add3A, %get3A_11 : vector<1024x128xf32>
    %get3A_13 = arith.constant 0 : index
    %get3A_14 = arith.constant 0 : index
    %get3A_15 = vector.load %arg3[%get3A_13, %get3A_14] : memref<1024x128xf32, #tpu.memory_space<vmem>>, vector<1024x128xf32>
    %mul3A = arith.mulf %add3A_12, %get3A_15 : vector<1024x128xf32>
    %get3A_16 = arith.constant 0 : index
    %get3A_17 = arith.constant 0 : index
    %get3A_18 = vector.load %arg4[%get3A_16, %get3A_17] : memref<1x128xf32, #tpu.memory_space<vmem>>, vector<1x128xf32>
    %add3A_19 = vector.broadcast %get3A_18 : vector<1x128xf32> to vector<1024x128xf32>
    %add3A_20 = arith.addf %mul3A, %add3A_19 : vector<1024x128xf32>
    %iota3A = tpu.iota {dimensions = array<i32: 0>} : vector<1024x1xi32>
    %mul3A_21 = arith.constant 1024 : i32
    %mul3A_22 = arith.muli %arg0, %mul3A_21 : i32
    %add3A_23 = vector.broadcast %mul3A_22 : i32 to vector<1024x1xi32>
    %add3A_24 = arith.addi %iota3A, %add3A_23 : vector<1024x1xi32>
    %lt3A = arith.constant 10000 : i32
    %lt3A_25 = vector.broadcast %lt3A : i32 to vector<1024x1xi32>
    %lt3A_26 = arith.cmpi slt, %add3A_24, %lt3A_25 : vector<1024x1xi32>
    %jit3A = arith.constant 0.000000e+00 : f32
    %broadcast_in_dim3A = vector.shape_cast %lt3A_26 : vector<1024x1xi1> to vector<1024x1xi1>
    %broadcast_in_dim3A_27 = vector.broadcast %broadcast_in_dim3A : vector<1024x1xi1> to vector<1024x128xi1>
    %broadcast_in_dim3A_28 = vector.broadcast %jit3A : f32 to vector<1024x128xf32>
    %select_n3A = arith.select %broadcast_in_dim3A_27, %add3A_20, %broadcast_in_dim3A_28 : vector<1024x128xi1>, vector<1024x128xf32>
    %swap3A = arith.constant 0 : index
    %swap3A_29 = arith.constant 0 : index
    %swap3A_30 = vector.load %arg5[%swap3A, %swap3A_29] : memref<1024x128xf32, #tpu.memory_space<vmem>>, vector<1024x128xf32>
    tpu.vector_store %arg5[%swap3A, %swap3A_29], %select_n3A {strides = array<i32>} : memref<1024x128xf32, #tpu.memory_space<vmem>>, vector<1024x128xf32>,
    %eq3A = arith.constant 0 : i32
    %eq3A_31 = arith.cmpi eq, %arg0, %eq3A : i32
    %convert_element_type3A = arith.extui %eq3A_31 : i1 to i32
    %cond3A = arith.constant 0 : i32
    %cond3A_32 = arith.cmpi ne, %convert_element_type3A, %cond3A : i32
    scf.if %cond3A_32 {
      %broadcast_in_dim3A_53 = arith.constant 0.000000e+00 : f32
      %broadcast_in_dim3A_54 = vector.broadcast %broadcast_in_dim3A_53 : f32 to vector<1x128xf32>
      %swap3A_55 = arith.constant 0 : index
      %swap3A_56 = arith.constant 0 : index
      %swap3A_57 = vector.load %arg6[%swap3A_55, %swap3A_56] : memref<1x128xf32, #tpu.memory_space<vmem>>, vector<1x128xf32>
      tpu.vector_store %arg6[%swap3A_55, %swap3A_56], %broadcast_in_dim3A_54 {strides = array<i32>} : memref<1x128xf32, #tpu.memory_space<vmem>>, vector<1x128xf32>,
      %broadcast_in_dim3A_58 = arith.constant 0.000000e+00 : f32
      %broadcast_in_dim3A_59 = vector.broadcast %broadcast_in_dim3A_58 : f32 to vector<1x128xf32>
      %swap3A_60 = arith.constant 0 : index
      %swap3A_61 = arith.constant 0 : index
      %swap3A_62 = vector.load %arg7[%swap3A_60, %swap3A_61] : memref<1x128xf32, #tpu.memory_space<vmem>>, vector<1x128xf32>
      tpu.vector_store %arg7[%swap3A_60, %swap3A_61], %broadcast_in_dim3A_59 {strides = array<i32>} : memref<1x128xf32, #tpu.memory_space<vmem>>, vector<1x128xf32>,
    } else {
    }
    %get3A_33 = arith.constant 0 : index
    %get3A_34 = arith.constant 0 : index
    %get3A_35 = vector.load %arg6[%get3A_33, %get3A_34] : memref<1x128xf32, #tpu.memory_space<vmem>>, vector<1x128xf32>
    %reduce_sum3A = arith.constant dense<0.000000e+00> : vector<128xf32>
    %reduce_sum3A_36 = vector.multi_reduction <add>, %select_n3A, %reduce_sum3A [0] : vector<1024x128xf32> to vector<128xf32>
    %broadcast_in_dim3A_37 = vector.shape_cast %reduce_sum3A_36 : vector<128xf32> to vector<1x128xf32>
    %add3A_38 = arith.addf %get3A_35, %broadcast_in_dim3A_37 : vector<1x128xf32>
    %swap3A_39 = arith.constant 0 : index
    %swap3A_40 = arith.constant 0 : index
    %swap3A_41 = vector.load %arg6[%swap3A_39, %swap3A_40] : memref<1x128xf32, #tpu.memory_space<vmem>>, vector<1x128xf32>
    tpu.vector_store %arg6[%swap3A_39, %swap3A_40], %add3A_38 {strides = array<i32>} : memref<1x128xf32, #tpu.memory_space<vmem>>, vector<1x128xf32>,
    %get3A_42 = arith.constant 0 : index
    %get3A_43 = arith.constant 0 : index
    %get3A_44 = vector.load %arg7[%get3A_42, %get3A_43] : memref<1x128xf32, #tpu.memory_space<vmem>>, vector<1x128xf32>
    %mul3A_45 = arith.mulf %select_n3A, %select_n3A : vector<1024x128xf32>
    %reduce_sum3A_46 = arith.constant dense<0.000000e+00> : vector<128xf32>
    %reduce_sum3A_47 = vector.multi_reduction <add>, %mul3A_45, %reduce_sum3A_46 [0] : vector<1024x128xf32> to vector<128xf32>
    %broadcast_in_dim3A_48 = vector.shape_cast %reduce_sum3A_47 : vector<128xf32> to vector<1x128xf32>
    %add3A_49 = arith.addf %get3A_44, %broadcast_in_dim3A_48 : vector<1x128xf32>
    %swap3A_50 = arith.constant 0 : index
    %swap3A_51 = arith.constant 0 : index
    %swap3A_52 = vector.load %arg7[%swap3A_50, %swap3A_51] : memref<1x128xf32, #tpu.memory_space<vmem>>, vector<1x128xf32>
    tpu.vector_store %arg7[%swap3A_50, %swap3A_51], %add3A_49 {strides = array<i32>} : memref<1x128xf32, #tpu.memory_space<vmem>>, vector<1x128xf32>,
    return
  }
  func.func @transform_0(%arg0: i32) -> (i32, i32, i32) {
    %c0_i32 = arith.constant 0 : i32
    %c0_i32_0 = arith.constant 0 : i32
    %c0_i32_1 = arith.constant 0 : i32
    return %c0_i32, %arg0, %c0_i32_0 : i32, i32, i32
  }
  func.func @transform_1(%arg0: i32) -> (i32, i32) {
    %c0_i32 = arith.constant 0 : i32
    %c0_i32_0 = arith.constant 0 : i32
    return %arg0, %c0_i32 : i32, i32
  }
  func.func @transform_2(%arg0: i32) -> (i32, i32) {
    %c0_i32 = arith.constant 0 : i32
    %c0_i32_0 = arith.constant 0 : i32
    return %arg0, %c0_i32 : i32, i32
  }
  func.func @transform_3(%arg0: i32) -> (i32, i32) {
    %c0_i32 = arith.constant 0 : i32
    %c0_i32_0 = arith.constant 0 : i32
    %c0_i32_1 = arith.constant 0 : i32
    return %c0_i32, %c0_i32_0 : i32, i32
  }
  func.func @transform_4(%arg0: i32) -> (i32, i32) {
    %c0_i32 = arith.constant 0 : i32
    %c0_i32_0 = arith.constant 0 : i32
    return %arg0, %c0_i32 : i32, i32
  }
  func.func @transform_5(%arg0: i32) -> (i32, i32) {
    %c0_i32 = arith.constant 0 : i32
    %c0_i32_0 = arith.constant 0 : i32
    %c0_i32_1 = arith.constant 0 : i32
    return %c0_i32, %c0_i32_0 : i32, i32
  }
  func.func @transform_6(%arg0: i32) -> (i32, i32) {
    %c0_i32 = arith.constant 0 : i32
    %c0_i32_0 = arith.constant 0 : i32
    %c0_i32_1 = arith.constant 0 : i32
    return %c0_i32, %c0_i32_0 : i32, i32
  }
}

module attributes {stable_mosaic.version = 14 : i64} {
  func.func @_bn_relu_mm_body(%arg0: i32, %arg1: memref<1024x128xf32, #tpu.memory_space<vmem>>, %arg2: memref<1x128xf32, #tpu.memory_space<vmem>>, %arg3: memref<1x128xf32, #tpu.memory_space<vmem>>, %arg4: memref<1x128xf32, #tpu.memory_space<vmem>>, %arg5: memref<1x128xf32, #tpu.memory_space<vmem>>, %arg6: memref<128x128xf32, #tpu.memory_space<vmem>>, %arg7: memref<1024x128xf32, #tpu.memory_space<vmem>>, %arg8: memref<1024x128xf32, #tpu.memory_space<vmem>>) attributes {dimension_semantics = [#tpu.dimension_semantics<arbitrary>], iteration_bounds = array<i64: 10>, scalar_prefetch = 0 : i64, scratch_operands = 0 : i64, tpu.core_type = #tpu.core_type<tc>, window_params = [{transform_indices = @transform_0, window_bounds = array<i64: 1024, 128>}, {pipeline_mode = #tpu.pipeline_mode<synchronous>, transform_indices = @transform_1, window_bounds = array<i64: 1, 128>}, {pipeline_mode = #tpu.pipeline_mode<synchronous>, transform_indices = @transform_2, window_bounds = array<i64: 1, 128>}, {pipeline_mode = #tpu.pipeline_mode<synchronous>, transform_indices = @transform_3, window_bounds = array<i64: 1, 128>}, {pipeline_mode = #tpu.pipeline_mode<synchronous>, transform_indices = @transform_4, window_bounds = array<i64: 1, 128>}, {pipeline_mode = #tpu.pipeline_mode<synchronous>, transform_indices = @transform_5, window_bounds = array<i64: 128, 128>}, {transform_indices = @transform_6, window_bounds = array<i64: 1024, 128>}, {transform_indices = @transform_7, window_bounds = array<i64: 1024, 128>}]} {
    %get3A = arith.constant 0 : index
    %get3A_0 = arith.constant 0 : index
    %get3A_1 = vector.load %arg2[%get3A, %get3A_0] : memref<1x128xf32, #tpu.memory_space<vmem>>, vector<1x128xf32>
    %div3A = arith.constant 1.000000e+04 : f32
    %div3A_2 = vector.broadcast %div3A : f32 to vector<1x128xf32>
    %div3A_3 = arith.divf %get3A_1, %div3A_2 : vector<1x128xf32>
    %get3A_4 = arith.constant 0 : index
    %get3A_5 = arith.constant 0 : index
    %get3A_6 = vector.load %arg3[%get3A_4, %get3A_5] : memref<1x128xf32, #tpu.memory_space<vmem>>, vector<1x128xf32>
    %div3A_7 = arith.constant 1.000000e+04 : f32
    %div3A_8 = vector.broadcast %div3A_7 : f32 to vector<1x128xf32>
    %div3A_9 = arith.divf %get3A_6, %div3A_8 : vector<1x128xf32>
    %mul3A = arith.mulf %div3A_3, %div3A_3 : vector<1x128xf32>
    %sub3A = arith.subf %div3A_9, %mul3A : vector<1x128xf32>
    %get3A_10 = arith.constant 0 : index
    %get3A_11 = arith.constant 0 : index
    %get3A_12 = vector.load %arg4[%get3A_10, %get3A_11] : memref<1x128xf32, #tpu.memory_space<vmem>>, vector<1x128xf32>
    %get3A_13 = arith.constant 0 : index
    %get3A_14 = arith.constant 0 : index
    %get3A_15 = vector.load %arg1[%get3A_13, %get3A_14] : memref<1024x128xf32, #tpu.memory_space<vmem>>, vector<1024x128xf32>
    %sub3A_16 = vector.broadcast %div3A_3 : vector<1x128xf32> to vector<1024x128xf32>
    %sub3A_17 = arith.subf %get3A_15, %sub3A_16 : vector<1024x128xf32>
    %mul3A_18 = vector.broadcast %get3A_12 : vector<1x128xf32> to vector<1024x128xf32>
    %mul3A_19 = arith.mulf %mul3A_18, %sub3A_17 : vector<1024x128xf32>
    %add3A = arith.constant 9.99999974E-6 : f32
    %add3A_20 = vector.broadcast %add3A : f32 to vector<1x128xf32>
    %add3A_21 = arith.addf %sub3A, %add3A_20 : vector<1x128xf32>
    %rsqrt3A = math.rsqrt %add3A_21 : vector<1x128xf32>
    %mul3A_22 = vector.broadcast %rsqrt3A : vector<1x128xf32> to vector<1024x128xf32>
    %mul3A_23 = arith.mulf %mul3A_19, %mul3A_22 : vector<1024x128xf32>
    %get3A_24 = arith.constant 0 : index
    %get3A_25 = arith.constant 0 : index
    %get3A_26 = vector.load %arg5[%get3A_24, %get3A_25] : memref<1x128xf32, #tpu.memory_space<vmem>>, vector<1x128xf32>
    %add3A_27 = vector.broadcast %get3A_26 : vector<1x128xf32> to vector<1024x128xf32>
    %add3A_28 = arith.addf %mul3A_23, %add3A_27 : vector<1024x128xf32>
    %max3A = arith.constant 0.000000e+00 : f32
    %max3A_29 = vector.broadcast %max3A : f32 to vector<1024x128xf32>
    %max3A_30 = arith.maximumf %add3A_28, %max3A_29 : vector<1024x128xf32>
    %iota3A = tpu.iota {dimensions = array<i32: 0>} : vector<1024x1xi32>
    %mul3A_31 = arith.constant 1024 : i32
    %mul3A_32 = arith.muli %arg0, %mul3A_31 : i32
    %add3A_33 = vector.broadcast %mul3A_32 : i32 to vector<1024x1xi32>
    %add3A_34 = arith.addi %iota3A, %add3A_33 : vector<1024x1xi32>
    %lt3A = arith.constant 10000 : i32
    %lt3A_35 = vector.broadcast %lt3A : i32 to vector<1024x1xi32>
    %lt3A_36 = arith.cmpi slt, %add3A_34, %lt3A_35 : vector<1024x1xi32>
    %jit3A = arith.constant 0.000000e+00 : f32
    %broadcast_in_dim3A = vector.shape_cast %lt3A_36 : vector<1024x1xi1> to vector<1024x1xi1>
    %broadcast_in_dim3A_37 = vector.broadcast %broadcast_in_dim3A : vector<1024x1xi1> to vector<1024x128xi1>
    %broadcast_in_dim3A_38 = vector.broadcast %jit3A : f32 to vector<1024x128xf32>
    %select_n3A = arith.select %broadcast_in_dim3A_37, %max3A_30, %broadcast_in_dim3A_38 : vector<1024x128xi1>, vector<1024x128xf32>
    %get3A_39 = arith.constant 0 : index
    %get3A_40 = arith.constant 0 : index
    %get3A_41 = vector.load %arg6[%get3A_39, %get3A_40] : memref<128x128xf32, #tpu.memory_space<vmem>>, vector<128x128xf32>
    %dot_general3A = arith.constant dense<0.000000e+00> : vector<1024x128xf32>
    %dot_general3A_42 = tpu.matmul %select_n3A, %get3A_41, %dot_general3A {dimension_numbers = #tpu.dot_dimension_numbers<[1], [0], [0], [1], [0, 0, 1, 1], [], []>, transpose_lhs_hint = false} : vector<1024x128xf32>, vector<128x128xf32>, vector<1024x128xf32> -> vector<1024x128xf32>
    %get3A_43 = arith.constant 0 : index
    %get3A_44 = arith.constant 0 : index
    %get3A_45 = vector.load %arg7[%get3A_43, %get3A_44] : memref<1024x128xf32, #tpu.memory_space<vmem>>, vector<1024x128xf32>
    %mul3A_46 = arith.mulf %dot_general3A_42, %get3A_45 : vector<1024x128xf32>
    %swap3A = arith.constant 0 : index
    %swap3A_47 = arith.constant 0 : index
    %swap3A_48 = vector.load %arg8[%swap3A, %swap3A_47] : memref<1024x128xf32, #tpu.memory_space<vmem>>, vector<1024x128xf32>
    tpu.vector_store %arg8[%swap3A, %swap3A_47], %mul3A_46 {strides = array<i32>} : memref<1024x128xf32, #tpu.memory_space<vmem>>, vector<1024x128xf32>,
    return
  }
  func.func @transform_0(%arg0: i32) -> (i32, i32) {
    %c0_i32 = arith.constant 0 : i32
    %c0_i32_0 = arith.constant 0 : i32
    return %arg0, %c0_i32 : i32, i32
  }
  func.func @transform_1(%arg0: i32) -> (i32, i32) {
    %c0_i32 = arith.constant 0 : i32
    %c0_i32_0 = arith.constant 0 : i32
    %c0_i32_1 = arith.constant 0 : i32
    return %c0_i32, %c0_i32_0 : i32, i32
  }
  func.func @transform_2(%arg0: i32) -> (i32, i32) {
    %c0_i32 = arith.constant 0 : i32
    %c0_i32_0 = arith.constant 0 : i32
    %c0_i32_1 = arith.constant 0 : i32
    return %c0_i32, %c0_i32_0 : i32, i32
  }
  func.func @transform_3(%arg0: i32) -> (i32, i32) {
    %c0_i32 = arith.constant 0 : i32
    %c0_i32_0 = arith.constant 0 : i32
    %c0_i32_1 = arith.constant 0 : i32
    return %c0_i32, %c0_i32_0 : i32, i32
  }
  func.func @transform_4(%arg0: i32) -> (i32, i32) {
    %c0_i32 = arith.constant 0 : i32
    %c0_i32_0 = arith.constant 0 : i32
    %c0_i32_1 = arith.constant 0 : i32
    return %c0_i32, %c0_i32_0 : i32, i32
  }
  func.func @transform_5(%arg0: i32) -> (i32, i32) {
    %c0_i32 = arith.constant 0 : i32
    %c0_i32_0 = arith.constant 0 : i32
    %c0_i32_1 = arith.constant 0 : i32
    return %c0_i32, %c0_i32_0 : i32, i32
  }
  func.func @transform_6(%arg0: i32) -> (i32, i32) {
    %c0_i32 = arith.constant 0 : i32
    %c0_i32_0 = arith.constant 0 : i32
    return %arg0, %c0_i32 : i32, i32
  }
  func.func @transform_7(%arg0: i32) -> (i32, i32) {
    %c0_i32 = arith.constant 0 : i32
    %c0_i32_0 = arith.constant 0 : i32
    return %arg0, %c0_i32 : i32, i32
  }
}

module attributes {stable_mosaic.version = 14 : i64} {
  func.func @_bn_final_body(%arg0: i32, %arg1: memref<1024x128xf32, #tpu.memory_space<vmem>>, %arg2: memref<1x128xf32, #tpu.memory_space<vmem>>, %arg3: memref<1x128xf32, #tpu.memory_space<vmem>>, %arg4: memref<1x128xf32, #tpu.memory_space<vmem>>, %arg5: memref<1x128xf32, #tpu.memory_space<vmem>>, %arg6: memref<1024x128xf32, #tpu.memory_space<vmem>>) attributes {dimension_semantics = [#tpu.dimension_semantics<arbitrary>], iteration_bounds = array<i64: 10>, scalar_prefetch = 0 : i64, scratch_operands = 0 : i64, tpu.core_type = #tpu.core_type<tc>, window_params = [{transform_indices = @transform_0, window_bounds = array<i64: 1024, 128>}, {pipeline_mode = #tpu.pipeline_mode<synchronous>, transform_indices = @transform_1, window_bounds = array<i64: 1, 128>}, {pipeline_mode = #tpu.pipeline_mode<synchronous>, transform_indices = @transform_2, window_bounds = array<i64: 1, 128>}, {pipeline_mode = #tpu.pipeline_mode<synchronous>, transform_indices = @transform_3, window_bounds = array<i64: 1, 128>}, {pipeline_mode = #tpu.pipeline_mode<synchronous>, transform_indices = @transform_4, window_bounds = array<i64: 1, 128>}, {transform_indices = @transform_5, window_bounds = array<i64: 1024, 128>}]} {
    %get3A = arith.constant 0 : index
    %get3A_0 = arith.constant 0 : index
    %get3A_1 = vector.load %arg2[%get3A, %get3A_0] : memref<1x128xf32, #tpu.memory_space<vmem>>, vector<1x128xf32>
    %div3A = arith.constant 1.000000e+04 : f32
    %div3A_2 = vector.broadcast %div3A : f32 to vector<1x128xf32>
    %div3A_3 = arith.divf %get3A_1, %div3A_2 : vector<1x128xf32>
    %get3A_4 = arith.constant 0 : index
    %get3A_5 = arith.constant 0 : index
    %get3A_6 = vector.load %arg3[%get3A_4, %get3A_5] : memref<1x128xf32, #tpu.memory_space<vmem>>, vector<1x128xf32>
    %div3A_7 = arith.constant 1.000000e+04 : f32
    %div3A_8 = vector.broadcast %div3A_7 : f32 to vector<1x128xf32>
    %div3A_9 = arith.divf %get3A_6, %div3A_8 : vector<1x128xf32>
    %mul3A = arith.mulf %div3A_3, %div3A_3 : vector<1x128xf32>
    %sub3A = arith.subf %div3A_9, %mul3A : vector<1x128xf32>
    %get3A_10 = arith.constant 0 : index
    %get3A_11 = arith.constant 0 : index
    %get3A_12 = vector.load %arg4[%get3A_10, %get3A_11] : memref<1x128xf32, #tpu.memory_space<vmem>>, vector<1x128xf32>
    %get3A_13 = arith.constant 0 : index
    %get3A_14 = arith.constant 0 : index
    %get3A_15 = vector.load %arg1[%get3A_13, %get3A_14] : memref<1024x128xf32, #tpu.memory_space<vmem>>, vector<1024x128xf32>
    %sub3A_16 = vector.broadcast %div3A_3 : vector<1x128xf32> to vector<1024x128xf32>
    %sub3A_17 = arith.subf %get3A_15, %sub3A_16 : vector<1024x128xf32>
    %mul3A_18 = vector.broadcast %get3A_12 : vector<1x128xf32> to vector<1024x128xf32>
    %mul3A_19 = arith.mulf %mul3A_18, %sub3A_17 : vector<1024x128xf32>
    %add3A = arith.constant 9.99999974E-6 : f32
    %add3A_20 = vector.broadcast %add3A : f32 to vector<1x128xf32>
    %add3A_21 = arith.addf %sub3A, %add3A_20 : vector<1x128xf32>
    %rsqrt3A = math.rsqrt %add3A_21 : vector<1x128xf32>
    %mul3A_22 = vector.broadcast %rsqrt3A : vector<1x128xf32> to vector<1024x128xf32>
    %mul3A_23 = arith.mulf %mul3A_19, %mul3A_22 : vector<1024x128xf32>
    %get3A_24 = arith.constant 0 : index
    %get3A_25 = arith.constant 0 : index
    %get3A_26 = vector.load %arg5[%get3A_24, %get3A_25] : memref<1x128xf32, #tpu.memory_space<vmem>>, vector<1x128xf32>
    %add3A_27 = vector.broadcast %get3A_26 : vector<1x128xf32> to vector<1024x128xf32>
    %add3A_28 = arith.addf %mul3A_23, %add3A_27 : vector<1024x128xf32>
    %swap3A = arith.constant 0 : index
    %swap3A_29 = arith.constant 0 : index
    %swap3A_30 = vector.load %arg6[%swap3A, %swap3A_29] : memref<1024x128xf32, #tpu.memory_space<vmem>>, vector<1024x128xf32>
    tpu.vector_store %arg6[%swap3A, %swap3A_29], %add3A_28 {strides = array<i32>} : memref<1024x128xf32, #tpu.memory_space<vmem>>, vector<1024x128xf32>,
    return
  }
  func.func @transform_0(%arg0: i32) -> (i32, i32) {
    %c0_i32 = arith.constant 0 : i32
    %c0_i32_0 = arith.constant 0 : i32
    return %arg0, %c0_i32 : i32, i32
  }
  func.func @transform_1(%arg0: i32) -> (i32, i32) {
    %c0_i32 = arith.constant 0 : i32
    %c0_i32_0 = arith.constant 0 : i32
    %c0_i32_1 = arith.constant 0 : i32
    return %c0_i32, %c0_i32_0 : i32, i32
  }
  func.func @transform_2(%arg0: i32) -> (i32, i32) {
    %c0_i32 = arith.constant 0 : i32
    %c0_i32_0 = arith.constant 0 : i32
    %c0_i32_1 = arith.constant 0 : i32
    return %c0_i32, %c0_i32_0 : i32, i32
  }
  func.func @transform_3(%arg0: i32) -> (i32, i32) {
    %c0_i32 = arith.constant 0 : i32
    %c0_i32_0 = arith.constant 0 : i32
    %c0_i32_1 = arith.constant 0 : i32
    return %c0_i32, %c0_i32_0 : i32, i32
  }
  func.func @transform_4(%arg0: i32) -> (i32, i32) {
    %c0_i32 = arith.constant 0 : i32
    %c0_i32_0 = arith.constant 0 : i32
    %c0_i32_1 = arith.constant 0 : i32
    return %c0_i32, %c0_i32_0 : i32, i32
  }
  func.func @transform_5(%arg0: i32) -> (i32, i32) {
    %c0_i32 = arith.constant 0 : i32
    %c0_i32_0 = arith.constant 0 : i32
    return %arg0, %c0_i32 : i32, i32
  }
}

</mosaic_0001>

<sc_bundles>
// kernel: kernel.10.cloned.1.call-start
scs
__scs_entry_jumppad:
0x0: {  	(pc) =	sbr.rel $0x88, $3  }
0x1: {  	(tag) =	ssettag $0x0;
	lr =	simm.s32 $0x1  }
0x2: {  	[smem:$0x3F97] =	sst lr;
	_ =	strace $0xD0000000  }
0x3: {  	_ = 	snop  }
0x4: {  	_ = 	snop  }
0x5: {  	_ = 	snop  }
0x6: {  	_ = 	snop  }
0x7: {  	_ = 	snop  }
__scs_overlays_trampoline_lowered:
0x8: {  	[smem:$0x3FA6] =	sst s0  }
0x9: {  	[smem:$0x3FA7] =	sst s1  }
0xa: {  	[smem:$0x3FA8] =	sst s2  }
0xb: {  	[smem:$0x3FA9] =	sst s3  }
0xc: {  	[smem:$0x3FAA] =	sst s4  }
0xd: {  	[smem:$0x3FAB] =	sst s5  }
0xe: {  	[smem:$0x3FAC] =	sst s6  }
0xf: {  	[smem:$0x3FAD] =	sst s7  }
0x10: {  	[smem:$0x3FAE] =	sst s8  }
0x11: {  	[smem:$0x3FAF] =	sst s9;
	s0 =	simm.s32 @!p0 $0x0  }
0x12: {  	s1 =	sld [smem:$0x3F95];
	s0 =	simm.s32 @p0 $0x1  }
0x13: {  	[smem:$0x3FB0] =	sst s0;
	s0 =	simm.s32 @!p1 $0x0  }
0x14: {  	s2 =	sld [smem:$0x3F94];
	s0 =	simm.s32 @p1 $0x1  }
0x15: {  	[smem:$0x3FB1] =	sst s0;
	s0 =	simm.s32 @!p2 $0x0  }
0x16: {  	s3 =	sld [smem:$0x3FDB];
	s0 =	simm.s32 @p2 $0x1  }
0x17: {  	s4 =	simm.s32 $0x1BF5;
	[smem:$0x3FB3] =	sst s0  }
0x18: {  	s0 =	sld [smem:$0x3F96];
	_ =	swait.ge [sflag:s4], $0x0  }
0x19: {  	s7 =	sld [smem:$0x3F97]  }
0x1a: {  	s8 =	sadd.s32 $0xFFFFE003, lr  }
0x1b: {  	s9 =	sadd.s32 $0xFFFFFEF7, lr;
	s5 =	simm.s32 $0xFFFFFFFF;
	p2 =	slt.u32 s8, $0xFFFFF086  }
0x1c: {  	p1 =	slt.u32 s9, $0xF7A;
	s5 =	simm.s32 @!p2 $0x0  }
0x1d: {  	s5 =	simm.s32 @p1 $0x1;
	p0 =	seq.s32 s7, s2  }
0x1e: {  	s7 =	smul.u32 @!p0 $0xF7A, s2;
	p2 =	seq.s32 @!p0 s5, $0x0  }
0x1f: {  	s9 =	smul.u32 $0xF7A, s1;
	s8 =	simm.s32 @!p0 $0x1BF5;
	p2 =	por !p2, p0  }
0x20: {  	[sflag:s8] =	ssyncset.s32 @!p0 $0xFFFFF086;
	s6 =	sadd.s32 @!p0 s3, s7;
	s7 =	simm.s32 @!p0 $0x108  }
0x21: {  	s3 =	sadd.s32 s3, s9;
	s6 =	sadd.s32 @!p0 $0x88, s6;
	s7 =	simm.s32 @p2 $0x1082  }
0x22: {  	[simem:s7], [sflag:s8] =	dma.local @!p0 [hbm:s6], $0xF7A  }
0x23: {  	s9 =	sor.u32 $0xD0000000, s2;
	s6 =	simm.s32 $0x108;
	_ =	swait.ge @!p0 [sflag:s8], $0x0  }
0x24: {  	s3 =	sadd.s32 $0x88, s3;
	s6 =	simm.s32 @!p1 $0x1082;
	[sflag:s4] =	ssyncset.s32 $0xFFFFF086  }
0x25: {  	[simem:s6], [sflag:s4] =	dma.local [hbm:s3], $0xF7A  }
0x26: {  	[smem:$0x3F97] =	sst s1;
	(tag) =	ssettag s2;
	_ =	strace s9  }
0x27: {  	s1 =	sld [smem:$0x3FA7]  }
0x28: {  	s2 =	sld [smem:$0x3FA8]  }
0x29: {  	s4 =	sld [smem:$0x3FAA]  }
0x2a: {  	p0 =	seq.s32 s5, $0x0;
	s5 =	sld [smem:$0x3FAB]  }
0x2b: {  	s6 =	sld [smem:$0x3FAC]  }
0x2c: {  	s7 =	sld [smem:$0x3FAD]  }
0x2d: {  	s3 =	simm.s32 $0x108;
	s8 =	sld [smem:$0x3FAE]  }
0x2e: {  	s3 =	simm.s32 @!p0 $0x1082;
	s9 =	sld [smem:$0x3FAF]  }
0x2f: {  	lr =	sadd.s32 s0, s3;
	s0 =	sld [smem:$0x3FA6]  }
0x30: {  	s3 =	sld [smem:$0x3FA9]  }
0x31: {  	[smem:$0x3FB2] =	sst s10  }
0x32: {  	s10 =	sld [smem:$0x3FB0];
	_ =	sdelay $0x3  }
0x33: {  	p0 =	seq.s32 s10, $0x1;
	s10 =	sld [smem:$0x3FB2];
	_ =	sdelay $0x3  }
0x34: {  	[smem:$0x3FB2] =	sst s10  }
0x35: {  	s10 =	sld [smem:$0x3FB1];
	_ =	sdelay $0x3  }
0x36: {  	p1 =	seq.s32 s10, $0x1;
	s10 =	sld [smem:$0x3FB2];
	_ =	sdelay $0x3  }
0x37: {  	[smem:$0x3FB2] =	sst s10  }
0x38: {  	s10 =	sld [smem:$0x3FB3]  }
0x39: {  	_ = 	snop;
	(pc) =	sbr.ind lr, $3  }
0x3a: {  	_ = 	snop  }
0x3b: {  	_ = 	snop  }
0x3c: {  	p2 =	seq.s32 s10, $0x1;
	s10 =	sld [smem:$0x3FB2]  }
0x3d: {  	_ =	shalt  }
0x3e: {  	_ =	shalt  }
0x3f: {  	_ =	shalt  }
0x40: {  	_ =	shalt  }
0x41: {  	_ =	shalt  }
0x42: {  	_ =	shalt  }
0x43: {  	_ =	shalt  }
0x44: {  	_ =	shalt  }
0x45: {  	_ =	shalt  }
0x46: {  	_ =	shalt  }
0x47: {  	_ =	shalt  }
0x48: {  	_ =	shalt  }
0x49: {  	_ =	shalt  }
0x4a: {  	_ =	shalt  }
0x4b: {  	_ =	shalt  }
0x4c: {  	_ =	shalt  }
0x4d: {  	_ =	shalt  }
0x4e: {  	_ =	shalt  }
0x4f: {  	_ =	shalt  }
0x50: {  	_ =	shalt  }
0x51: {  	_ =	shalt  }
0x52: {  	_ =	shalt  }
0x53: {  	_ =	shalt  }
0x54: {  	_ =	shalt  }
0x55: {  	_ =	shalt  }
0x56: {  	_ =	shalt  }
0x57: {  	_ =	shalt  }
0x58: {  	_ =	shalt  }
0x59: {  	_ =	shalt  }
0x5a: {  	_ =	shalt  }
0x5b: {  	_ =	shalt  }
0x5c: {  	_ =	shalt  }
0x5d: {  	_ =	shalt  }
0x5e: {  	_ =	shalt  }
0x5f: {  	_ =	shalt  }
0x60: {  	_ =	shalt  }
0x61: {  	_ =	shalt  }
0x62: {  	_ =	shalt  }
0x63: {  	_ =	shalt  }
0x64: {  	_ =	shalt  }
0x65: {  	_ =	shalt  }
0x66: {  	_ =	shalt  }
0x67: {  	_ =	shalt  }
0x68: {  	_ =	shalt  }
0x69: {  	_ =	shalt  }
0x6a: {  	_ =	shalt  }
0x6b: {  	_ =	shalt  }
0x6c: {  	_ =	shalt  }
0x6d: {  	_ =	shalt  }
0x6e: {  	_ =	shalt  }
0x6f: {  	_ =	shalt  }
0x70: {  	_ =	shalt  }
0x71: {  	_ =	shalt  }
0x72: {  	_ =	shalt  }
0x73: {  	_ =	shalt  }
0x74: {  	_ =	shalt  }
0x75: {  	_ =	shalt  }
0x76: {  	_ =	shalt  }
0x77: {  	_ =	shalt  }
0x78: {  	_ =	shalt  }
0x79: {  	_ =	shalt  }
0x7a: {  	_ =	shalt  }
0x7b: {  	_ =	shalt  }
0x7c: {  	_ =	shalt  }
0x7d: {  	_ =	shalt  }
0x7e: {  	_ =	shalt  }
0x7f: {  	_ =	shalt  }
0x80: {  	_ =	shalt  }
0x81: {  	_ =	shalt  }
0x82: {  	_ =	shalt  }
0x83: {  	_ =	shalt  }
0x84: {  	_ =	shalt  }
0x85: {  	_ =	shalt  }
0x86: {  	_ =	shalt  }
0x87: {  	_ =	shalt  }
.Lfunc_end0:
.L_simem_size_0:
called_computation_lowered:
.L_overlay_start_0:
0x88: {  	s2 =	sld [smem:$0x3FD9]  }
0x89: {  	s3 =	sld [smem:$0x3FFE];
	_ =	sdelay $0x1  }
0x8a: {  	s1 =	srdreg.scid  }
0x8b: {  	s0 =	sand.u32 $0x1, s1  }
0x8c: {  	s16 =	sshll.u32 s0, $0xA;
	s2 =	sadd.s32 s3, s2  }
0x8d: {  	s2 =	sadd.s32 s2, s16  }
0x8e: {  	[smem:$0x3FBE] =	sst s2  }
0x8f: {  	_ = 	snop  }
0x90: {  	(tm) =	ssettm $0x1  }
0x91: {  	s17 =	sld [smem:$0x3FFB];
	_ =	sdelay $0x3  }
0x92: {  	_ =	strace s17  }
0x93: {  	s2 =	sld [smem:$0x3FFC];
	_ =	sdelay $0x3  }
0x94: {  	_ =	strace s2  }
0x95: {  	s2 =	sld [smem:$0x3FFD];
	_ =	sdelay $0x3  }
0x96: {  	_ =	strace s2  }
0x97: {  	_ =	strace $0x8FFFFFFF  }
0x98: {  	s18 =	sld [smem:$0x3FDB];
	_ =	sdelay $0x1  }
0x99: {  	s19 =	simm.s32 $_scs_section_size  }
0x9a: {  	s4 =	simm.s32 $_size__tile_overlayer_lowered;
	s5 =	simm.s32 $_tile_overlayer_lowered  }
0x9b: {  	s22 =	simm.s32 $0x1BFF;
	s21 =	sshll.u32 s5, $0x1;
	s2 =	sadd.s32 s19, s18  }
0x9c: {  	s6 =	simm.s32 $0x0;
	s20 =	sshll.u32 s4, $0x1;
	s4 =	sadd.s32 s21, s2  }
0x9d: {  	[timem:s6], [sflag:s22] =	dma.local [hbm:s4], s20  }
0x9e: {  	_ =	swait.ge [sflag:s22], s20  }
0x9f: {  	s3 =	ssub.s32 $0x0, s20;
	[sflag:s22] =	ssyncset.done $0x0  }
0xa0: {  	[sflag:s22] =	ssyncadd.s32 s3;
	_ =	sdelay $0x1  }
0xa1: {  	s23 =	simm.s32 $0x1B8B  }
0xa2: {  	_ =	swait.ge [sflag:s23], $0x1  }
0xa3: {  	[sflag:s23] =	ssyncset.done $0x0  }
0xa4: {  	s25 =	simm.s32 $0x1B8E;
	s24 =	sld [smem:$0x3FFE];
	[sflag:s23] =	ssyncadd.s32 $0xFFFFFFFF  }
0xa5: {  	s26 =	simm.s32 $execute0_lowered;
	[smem:$0x3FD2] =	sst s25  }
0xa6: {  	s4 =	sshll.u32 s26, $0x1;
	_ =	strace $0x80000046;
	[dreg:$0x1] =	wrdreg $0xFFFFFFFF  }
0xa7: {  	s28 =	simm.s32 $_size_execute0_lowered;
	s2 =	sadd.s32 s2, s4;
	[dreg:$0x0] =	wrdreg $0x0  }
0xa8: {  	s4 =	sshll.u32 s28, $0x1;
	[dreg:$0x2] =	wrdreg s2  }
0xa9: {  	[dreg:$0x3] =	wrdreg s4  }
0xaa: {  	[dreg:$0x4] =	wrdreg $0xC0  }
0xab: {  	_ =	task [dreg:s6], $0x5FFFF  }
0xac: {  	[dreg:$0x1] =	wrdreg $0xFFFFFFFF  }
0xad: {  	[dreg:$0x0] =	wrdreg $0x60  }
0xae: {  	[dreg:$0x2] =	wrdreg s24  }
0xaf: {  	[dreg:$0x3] =	wrdreg $0x78000  }
0xb0: {  	[dreg:$0x4] =	wrdreg $0x9  }
0xb1: {  	_ =	task.clear_ibuf [dreg:s6], $0x5FFFF;
	_ =	strace $0x90000046  }
0xb2: {  	s29 =	simm.s32 $0x9;
	_ =	strace $0x80000048  }
0xb3: {  	_ =	swait.ge [sflag:s29], $0x1  }
0xb4: {  	[sflag:s29] =	ssyncadd.s32 $0xFFFFFFFF  }
0xb5: {  	_ =	strace $0x90000048  }
0xb6: {  	_ =	sfence  }
0xb7: {  	s30 =	sld [smem:$0x0];
	_ =	sdelay $0x2  }
0xb8: {  	s31 =	sshll.u32 s1, $0xD;
	s1 =	sshrl.u32 s1, $0x2  }
0xb9: {  	s3 =	sand.u32 $0x4000, s31;
	s1 =	sadd.s32 s1, s30  }
0xba: {  	s0 =	sor.u32 s3, s0;
	s1 =	sshll.u32 s1, $0x11  }
0xbb: {  	s0 =	sor.u32 s1, s0  }
0xbc: {  	s0 =	sadd.s32 $0x8F2B, s0  }
0xbd: {  	[sflag:s0] =	ssyncadd.remote.s32 $0x1  }
0xbe: {  	_ =	sfence.sel $0xFFFF  }
0xbf: {  	[dreg:$0x0] =	wrdreg $0xFFFFFFFF;
	(pc) =	sbr.abs _section_cstart, $3  }
0xc0: {  	[dreg:$0x1] =	wrdreg $0xFFFFFFFF  }
0xc1: {  	_ =	task.clear_ibuf [dreg:s6], $0x2FFFF;
	_ =	strace $0x9FFFFFFF  }
0xc2: {  	(tm) =	ssettm $0x7FFFFFFF  }
0xc3: {  	_ =	shalt  }
tec
execute0_lowered:
.L_overlay_start_1:
0x0: {  	(tag) =	ssettag $0x1  }
0x1: {  	s0 =	rddreg [dreg:$0x0]  }
0x2: {  	s2 =	rddreg [dreg:$0x1];
	s1 =	srdreg.scid  }
0x3: {  	s20 =	stileid.u32;
	s3 =	simm.s32 $0x0;
	s28 =	simm.s32 $0x6800  }
0x4: {  	s29 =	simm.s32 $0x1;
	s30 =	simm.s32 $0x80;
	s5 =	smul.u32 $0x50000, s20  }
0x5: {  	s1 =	sand.u32 $0x1, s1;
	s4 =	sshll.u32 s20, $0x1;
	s22 =	smul.u32 $0x2800, s20  }
0x6: {  	s31 =	simm.s32 $0x2800;
	s4 =	sor.u32 s1, s4;
	s6 =	smul.u32 $0x28000, s1  }
0x7: {  	[smem:$0x7FF] =	sst s3;
	s1 =	ssub.s32 $0x2, s1;
	s4 =	smul.u32 $0x500, s4  }
0x8: {  	_ =	strace $0x80000047;
	s5 =	sshrl.u32 s5, $0x2;
	s7 =	sshrl.u32 s1, $0x1  }
0x9: {  	s1 =	ssub.s32 s1, s7;
	s24 =	sadd.s32 s4, s0;
	s4 =	sadd.s32 s5, s2  }
0xa: {  	s0 =	sadd.s32 s6, s0;
	s25 =	smax.u32 s1, $0x1;
	s5 =	sadd.s32 $0x1000, s4  }
0xb: {  	s6 =	sadd.s32 $0x2000, s4;
	s7 =	sadd.s32 $0x3000, s4;
	s8 =	sadd.s32 $0x4000, s4  }
0xc: {  	s9 =	sadd.s32 $0x5000, s4;
	s10 =	sadd.s32 $0x6000, s4;
	s11 =	sadd.s32 $0x7000, s4  }
0xd: {  	s12 =	sadd.s32 $0x8000, s4;
	s13 =	sadd.s32 $0x9000, s4;
	s14 =	sadd.s32 $0xA000, s4  }
0xe: {  	s15 =	sadd.s32 $0xB000, s4;
	s16 =	sadd.s32 $0xC000, s4;
	s17 =	sadd.s32 $0xD000, s4  }
0xf: {  	s18 =	sadd.s32 $0xE000, s4;
	s19 =	sadd.s32 $0xF000, s4;
	s20 =	sadd.s32 $0x10000, s4  }
0x10: {  	s21 =	sadd.s32 $0x11000, s4;
	s0 =	sadd.s32 $0xCA00, s0;
	s23 =	sadd.s32 $0x12000, s4  }
0x11: {  	v0 =	vimm.f32 $1.000000000e+00;
	v1 =	vimm.f32 $0.0e+00;
	s24 =	sadd.s32 $0x2A00, s24;
	s26 =	sadd.s32 $0x13000, s4;
	s22 =	sadd.s32 s22, s0  }
.LBB2_1:
0x12: {  	s0 =	simm.s32 $0x0;
	s1 =	simm.s32 $0x200  }
.LBB2_2:
0x13: {  	p0 =	sne.s32 s1, $0xFE00;
	[tilespmem:s0+$0x2870] =	vst v0  }
0x14: {  	[tilespmem:s0+$0x2800] =	vst v0  }
0x15: {  	[tilespmem:s0+$0x2810] =	vst v0  }
.Ltmp0:
0x16: {  	[tilespmem:s0+$0x2820] =	vst v0;
	(pc) =	sbr.rel @p0 .LBB2_2-.Ltmp0, $4  }
0x17: {  	[tilespmem:s0+$0x2830] =	vst v0  }
0x18: {  	[tilespmem:s0+$0x2840] =	vst v0  }
0x19: {  	[tilespmem:s0+$0x2850] =	vst v0  }
0x1a: {  	[tilespmem:s0+$0x2860] =	vst v0;
	s0 =	sshra.s32 s1, $0x2;
	s1 =	sadd.s32 $0x200, s1  }
0x1b: {  	[tilespmem:s0+$0x2870] =	vst v0  }
0x1c: {  	[tilespmem:s0+$0x2800] =	vst v0  }
0x1d: {  	[tilespmem:s0+$0x2810] =	vst v0  }
0x1e: {  	[tilespmem:s0+$0x2820] =	vst v0  }
0x1f: {  	[tilespmem:s0+$0x2830] =	vst v0  }
0x20: {  	[tilespmem:s0+$0x2840] =	vst v0  }
0x21: {  	[tilespmem:s0+$0x2850] =	vst v0  }
0x22: {  	[tilespmem:s0+$0x2860] =	vst v0;
	s0 =	simm.s32 $0x0;
	s1 =	simm.s32 $0x200  }
.LBB2_4:
0x23: {  	p0 =	sne.s32 s1, $0x3E00;
	[tilespmem:s0+$0x6870] =	vst v1  }
0x24: {  	[tilespmem:s0+$0x6800] =	vst v1  }
0x25: {  	[tilespmem:s0+$0x6810] =	vst v1  }
.Ltmp1:
0x26: {  	[tilespmem:s0+$0x6820] =	vst v1;
	(pc) =	sbr.rel @p0 .LBB2_4-.Ltmp1, $4  }
0x27: {  	[tilespmem:s0+$0x6830] =	vst v1  }
0x28: {  	[tilespmem:s0+$0x6840] =	vst v1  }
0x29: {  	[tilespmem:s0+$0x6850] =	vst v1  }
0x2a: {  	[tilespmem:s0+$0x6860] =	vst v1;
	s0 =	sshra.s32 s1, $0x2;
	s1 =	sadd.s32 $0x200, s1  }
0x2b: {  	[tilespmem:s0+$0x6870] =	vst v1  }
0x2c: {  	[tilespmem:s0+$0x6800] =	vst v1  }
0x2d: {  	[tilespmem:s0+$0x6810] =	vst v1  }
0x2e: {  	[tilespmem:s0+$0x6820] =	vst v1  }
0x2f: {  	[tilespmem:s0+$0x6830] =	vst v1  }
0x30: {  	[tilespmem:s0+$0x6840] =	vst v1  }
0x31: {  	[tilespmem:s0+$0x6850] =	vst v1  }
0x32: {  	[tilespmem:s0+$0x6860] =	vst v1  }
0x33: {  	[spmem:s4] =	stream.linear.scatter [tilespmem:s28], [sflag:$0x1], $0x1000, $0x38;
	[tilespmem:$0x1B800] =	vst v63  }
0x34: {  	_ =	swait.ge [sflag:s29], $0x1000  }
0x35: {  	[sflag:s29] =	ssyncset.done $0x0  }
0x36: {  	[sflag:s29] =	ssyncadd.s32 $0xFFFFF000  }
0x37: {  	[spmem:s5] =	stream.linear.scatter [tilespmem:s28], [sflag:$0x1], $0x1000, $0x38;
	[tilespmem:$0x1B800] =	vst v63  }
0x38: {  	_ =	swait.ge [sflag:s29], $0x1000  }
0x39: {  	[sflag:s29] =	ssyncset.done $0x0  }
0x3a: {  	[sflag:s29] =	ssyncadd.s32 $0xFFFFF000  }
0x3b: {  	[spmem:s6] =	stream.linear.scatter [tilespmem:s28], [sflag:$0x1], $0x1000, $0x38;
	[tilespmem:$0x1B800] =	vst v63  }
0x3c: {  	_ =	swait.ge [sflag:s29], $0x1000  }
0x3d: {  	[sflag:s29] =	ssyncset.done $0x0  }
0x3e: {  	[sflag:s29] =	ssyncadd.s32 $0xFFFFF000  }
0x3f: {  	[spmem:s7] =	stream.linear.scatter [tilespmem:s28], [sflag:$0x1], $0x1000, $0x38;
	[tilespmem:$0x1B800] =	vst v63  }
0x40: {  	_ =	swait.ge [sflag:s29], $0x1000  }
0x41: {  	[sflag:s29] =	ssyncset.done $0x0  }
0x42: {  	[sflag:s29] =	ssyncadd.s32 $0xFFFFF000  }
0x43: {  	[spmem:s8] =	stream.linear.scatter [tilespmem:s28], [sflag:$0x1], $0x1000, $0x38;
	[tilespmem:$0x1B800] =	vst v63  }
0x44: {  	_ =	swait.ge [sflag:s29], $0x1000  }
0x45: {  	[sflag:s29] =	ssyncset.done $0x0  }
0x46: {  	[sflag:s29] =	ssyncadd.s32 $0xFFFFF000  }
0x47: {  	[spmem:s9] =	stream.linear.scatter [tilespmem:s28], [sflag:$0x1], $0x1000, $0x38;
	[tilespmem:$0x1B800] =	vst v63  }
0x48: {  	_ =	swait.ge [sflag:s29], $0x1000  }
0x49: {  	[sflag:s29] =	ssyncset.done $0x0  }
0x4a: {  	[sflag:s29] =	ssyncadd.s32 $0xFFFFF000  }
0x4b: {  	[spmem:s10] =	stream.linear.scatter [tilespmem:s28], [sflag:$0x1], $0x1000, $0x38;
	[tilespmem:$0x1B800] =	vst v63  }
0x4c: {  	_ =	swait.ge [sflag:s29], $0x1000  }
0x4d: {  	[sflag:s29] =	ssyncset.done $0x0  }
0x4e: {  	[sflag:s29] =	ssyncadd.s32 $0xFFFFF000  }
0x4f: {  	[spmem:s11] =	stream.linear.scatter [tilespmem:s28], [sflag:$0x1], $0x1000, $0x38;
	[tilespmem:$0x1B800] =	vst v63  }
0x50: {  	_ =	swait.ge [sflag:s29], $0x1000  }
0x51: {  	[sflag:s29] =	ssyncset.done $0x0  }
0x52: {  	[sflag:s29] =	ssyncadd.s32 $0xFFFFF000  }
0x53: {  	[spmem:s12] =	stream.linear.scatter [tilespmem:s28], [sflag:$0x1], $0x1000, $0x38;
	[tilespmem:$0x1B800] =	vst v63  }
0x54: {  	_ =	swait.ge [sflag:s29], $0x1000  }
0x55: {  	[sflag:s29] =	ssyncset.done $0x0  }
0x56: {  	[sflag:s29] =	ssyncadd.s32 $0xFFFFF000  }
0x57: {  	[spmem:s13] =	stream.linear.scatter [tilespmem:s28], [sflag:$0x1], $0x1000, $0x38;
	[tilespmem:$0x1B800] =	vst v63  }
0x58: {  	_ =	swait.ge [sflag:s29], $0x1000  }
0x59: {  	[sflag:s29] =	ssyncset.done $0x0  }
0x5a: {  	[sflag:s29] =	ssyncadd.s32 $0xFFFFF000  }
0x5b: {  	[spmem:s14] =	stream.linear.scatter [tilespmem:s28], [sflag:$0x1], $0x1000, $0x38;
	[tilespmem:$0x1B800] =	vst v63  }
0x5c: {  	_ =	swait.ge [sflag:s29], $0x1000  }
0x5d: {  	[sflag:s29] =	ssyncset.done $0x0  }
0x5e: {  	[sflag:s29] =	ssyncadd.s32 $0xFFFFF000  }
0x5f: {  	[spmem:s15] =	stream.linear.scatter [tilespmem:s28], [sflag:$0x1], $0x1000, $0x38;
	[tilespmem:$0x1B800] =	vst v63  }
0x60: {  	_ =	swait.ge [sflag:s29], $0x1000  }
0x61: {  	[sflag:s29] =	ssyncset.done $0x0  }
0x62: {  	[sflag:s29] =	ssyncadd.s32 $0xFFFFF000  }
0x63: {  	[spmem:s16] =	stream.linear.scatter [tilespmem:s28], [sflag:$0x1], $0x1000, $0x38;
	[tilespmem:$0x1B800] =	vst v63  }
0x64: {  	_ =	swait.ge [sflag:s29], $0x1000  }
0x65: {  	[sflag:s29] =	ssyncset.done $0x0  }
0x66: {  	[sflag:s29] =	ssyncadd.s32 $0xFFFFF000  }
0x67: {  	[spmem:s17] =	stream.linear.scatter [tilespmem:s28], [sflag:$0x1], $0x1000, $0x38;
	[tilespmem:$0x1B800] =	vst v63  }
0x68: {  	_ =	swait.ge [sflag:s29], $0x1000  }
0x69: {  	[sflag:s29] =	ssyncset.done $0x0  }
0x6a: {  	[sflag:s29] =	ssyncadd.s32 $0xFFFFF000  }
0x6b: {  	[spmem:s18] =	stream.linear.scatter [tilespmem:s28], [sflag:$0x1], $0x1000, $0x38;
	[tilespmem:$0x1B800] =	vst v63  }
0x6c: {  	_ =	swait.ge [sflag:s29], $0x1000  }
0x6d: {  	[sflag:s29] =	ssyncset.done $0x0  }
0x6e: {  	[sflag:s29] =	ssyncadd.s32 $0xFFFFF000  }
0x6f: {  	[spmem:s19] =	stream.linear.scatter [tilespmem:s28], [sflag:$0x1], $0x1000, $0x38;
	[tilespmem:$0x1B800] =	vst v63  }
0x70: {  	_ =	swait.ge [sflag:s29], $0x1000  }
0x71: {  	[sflag:s29] =	ssyncset.done $0x0  }
0x72: {  	[sflag:s29] =	ssyncadd.s32 $0xFFFFF000  }
0x73: {  	[spmem:s20] =	stream.linear.scatter [tilespmem:s28], [sflag:$0x1], $0x1000, $0x38;
	[tilespmem:$0x1B800] =	vst v63  }
0x74: {  	_ =	swait.ge [sflag:s29], $0x1000  }
0x75: {  	[sflag:s29] =	ssyncset.done $0x0  }
0x76: {  	[sflag:s29] =	ssyncadd.s32 $0xFFFFF000  }
0x77: {  	[spmem:s21] =	stream.linear.scatter [tilespmem:s28], [sflag:$0x1], $0x1000, $0x38;
	[tilespmem:$0x1B800] =	vst v63  }
0x78: {  	_ =	swait.ge [sflag:s29], $0x1000  }
0x79: {  	[sflag:s29] =	ssyncset.done $0x0  }
0x7a: {  	[sflag:s29] =	ssyncadd.s32 $0xFFFFF000  }
0x7b: {  	[spmem:s23] =	stream.linear.scatter [tilespmem:s28], [sflag:$0x1], $0x1000, $0x38;
	[tilespmem:$0x1B800] =	vst v63  }
0x7c: {  	_ =	swait.ge [sflag:s29], $0x1000  }
0x7d: {  	[sflag:s29] =	ssyncset.done $0x0  }
0x7e: {  	[sflag:s29] =	ssyncadd.s32 $0xFFFFF000  }
0x7f: {  	[spmem:s26] =	stream.linear.scatter [tilespmem:s28], [sflag:$0x1], $0x1000, $0x38;
	[tilespmem:$0x1B800] =	vst v63  }
0x80: {  	_ =	swait.ge [sflag:s29], $0x1000  }
0x81: {  	[sflag:s29] =	ssyncset.done $0x0  }
0x82: {  	s1 =	simm.s32 $0x0;
	[sflag:s29] =	ssyncadd.s32 $0xFFFFF000  }
0x83: {  	[tilespmem:s1], [sflag:$0x1] =	stream.linear.gather [hbm4b:s24+s1], $0x2780, $0x38;
	[tilespmem:$0x1B800] =	vst v63  }
0x84: {  	_ =	swait.ge [sflag:s29], $0x2780  }
0x85: {  	[sflag:s29] =	ssyncset.done $0x0  }
0x86: {  	[sflag:s29] =	ssyncadd.s32 $0xFFFFD880  }
0x87: {  	s1 =	simm.s32 $0x0;
	[bflag:$0x0] =	sbarrier.arrive $0xFFFF  }
0x88: {  	[spmem:s2] =	stream.indirect.scatter.add.f32 [tilespmem:s31], [sflag:$0x1], $0x80, s1, s30, $0xb8;
	[tilespmem:$0x1B800] =	vst v63  }
0x89: {  	_ =	swait.ge [sflag:s29], $0x4000  }
0x8a: {  	s0 =	simm.s32 $0x200;
	[sflag:s29] =	ssyncset.done $0x0  }
.LBB2_6:
0x8b: {  	s1 =	sshra.s32 s0, $0x2;
	[sflag:s29] =	ssyncadd.s32 $0xFFFFC000;
	p0 =	sne.s32 s0, $0x9C00  }
0x8c: {  	[spmem:s2] =	stream.indirect.scatter.add.f32 [tilespmem:s31], [sflag:$0x1], $0x80, s1, s30, $0xb8;
	[tilespmem:$0x1B800] =	vst v63  }
.Ltmp2:
0x8d: {  	_ = 	snop;
	(pc) =	sbr.rel @p0 .LBB2_6-.Ltmp2, $4  }
0x8e: {  	_ = 	snop  }
0x8f: {  	s0 =	sadd.s32 $0x200, s0  }
0x90: {  	_ =	swait.ge [sflag:s29], $0x4000  }
0x91: {  	[sflag:s29] =	ssyncset.done $0x0  }
0x92: {  	[sflag:s29] =	ssyncadd.s32 $0xFFFFC000;
	s0 =	stileid.u32;
	s3 =	sadd.s32 $0x1, s3  }
0x93: {  	s1 =	sshrl.u32 s4, $0x3;
	s0 =	sshll.u32 s0, $0x6;
	p0 =	sne.s32 s3, s25  }
.Ltmp3:
0x94: {  	[bflag:$0x0] =	sbarrier.arrive $0xFFFF;
	s0 =	sor.u32 $0x1C01, s0;
	(pc) =	sbr.rel @p0 .LBB2_1-.Ltmp3, $4  }
0x95: {  	[hbm:s22], [sflag:s0] =	dma.local [spmem:s1], $0x2800  }
0x96: {  	_ =	swait.ge [sflag:s29], $0x2800  }
0x97: {  	[sflag:s29] =	ssyncset.done $0x0  }
0x98: {  	[sflag:s29] =	ssyncadd.s32 $0xFFFFD800  }
0x99: {  	_ =	sfence.sel $0x180000  }
0x9a: {  	[bflag:$0x0] =	sbarrier.arrive $0xFFFF  }
0x9b: {  	_ =	strace $0x90000047  }
0x9c: {  	s0 =	stileid.u32;
	[bflag:$0x2] =	sbarrier.arrive $0xFFFF  }
0x9d: {  	p0 =	sne.s32 s0, $0x0;
	s0 =	rddreg [dreg:$0x2]  }
0x9e: {  	s0 =	sadd.s32 @!p0 $0x100000, s0  }
0x9f: {  	[sflag:s0] =	ssyncadd.tile.s32 @!p0 $0x1;
	_ =	shalt  }
.Lfunc_end2:
_tile_overlayer_lowered:
.L_overlay_start_2:
0xa0: {  	(tag) =	ssettag $0x2  }
0xa1: {  	s0 =	rddreg [dreg:$0x0];
	s2 =	stileid.u32  }
0xa2: {  	s1 =	rddreg [dreg:$0x1];
	p0 =	sne.s32 s2, $0x0  }
0xa3: {  	s3 =	rddreg [dreg:$0x2];
	[bflag:$0x3] =	sbarrier.arrive $0xFFFF;
	s2 =	simm.s32 @!p0 $0x1C01  }
0xa4: {  	[timem:s3], [sflag:s2] =	dma.local @!p0 [hbm:s0], s1  }
0xa5: {  	s0 =	simm.s32 @!p0 $0x1  }
0xa6: {  	_ =	swait.ge @!p0 [sflag:s0], s1  }
0xa7: {  	s1 =	ssub.s32 @!p0 $0x0, s1;
	[sflag:s0] =	ssyncset.done @!p0 $0x0  }
0xa8: {  	[sflag:s0] =	ssyncadd.s32 @!p0 s1  }
0xa9: {  	[bflag:$0x3] =	sbarrier.arrive $0xFFFF  }
0xaa: {  	_ =	shalt  }

// kernel: kernel.13.cloned.1.call-start
scs
__scs_entry_jumppad:
0x0: {  	(pc) =	sbr.rel $0x88, $3  }
0x1: {  	(tag) =	ssettag $0x0;
	lr =	simm.s32 $0x1  }
0x2: {  	[smem:$0x3F97] =	sst lr;
	_ =	strace $0xD0000000  }
0x3: {  	_ = 	snop  }
0x4: {  	_ = 	snop  }
0x5: {  	_ = 	snop  }
0x6: {  	_ = 	snop  }
0x7: {  	_ = 	snop  }
__scs_overlays_trampoline_lowered:
0x8: {  	[smem:$0x3FA6] =	sst s0  }
0x9: {  	[smem:$0x3FA7] =	sst s1  }
0xa: {  	[smem:$0x3FA8] =	sst s2  }
0xb: {  	[smem:$0x3FA9] =	sst s3  }
0xc: {  	[smem:$0x3FAA] =	sst s4  }
0xd: {  	[smem:$0x3FAB] =	sst s5  }
0xe: {  	[smem:$0x3FAC] =	sst s6  }
0xf: {  	[smem:$0x3FAD] =	sst s7  }
0x10: {  	[smem:$0x3FAE] =	sst s8  }
0x11: {  	[smem:$0x3FAF] =	sst s9;
	s0 =	simm.s32 @!p0 $0x0  }
0x12: {  	s1 =	sld [smem:$0x3F95];
	s0 =	simm.s32 @p0 $0x1  }
0x13: {  	[smem:$0x3FB0] =	sst s0;
	s0 =	simm.s32 @!p1 $0x0  }
0x14: {  	s2 =	sld [smem:$0x3F94];
	s0 =	simm.s32 @p1 $0x1  }
0x15: {  	[smem:$0x3FB1] =	sst s0;
	s0 =	simm.s32 @!p2 $0x0  }
0x16: {  	s3 =	sld [smem:$0x3FDB];
	s0 =	simm.s32 @p2 $0x1  }
0x17: {  	s4 =	simm.s32 $0x1BF5;
	[smem:$0x3FB3] =	sst s0  }
0x18: {  	s0 =	sld [smem:$0x3F96];
	_ =	swait.ge [sflag:s4], $0x0  }
0x19: {  	s7 =	sld [smem:$0x3F97]  }
0x1a: {  	s8 =	sadd.s32 $0xFFFFE003, lr  }
0x1b: {  	s9 =	sadd.s32 $0xFFFFFEF7, lr;
	s5 =	simm.s32 $0xFFFFFFFF;
	p2 =	slt.u32 s8, $0xFFFFF086  }
0x1c: {  	p1 =	slt.u32 s9, $0xF7A;
	s5 =	simm.s32 @!p2 $0x0  }
0x1d: {  	s5 =	simm.s32 @p1 $0x1;
	p0 =	seq.s32 s7, s2  }
0x1e: {  	s7 =	smul.u32 @!p0 $0xF7A, s2;
	p2 =	seq.s32 @!p0 s5, $0x0  }
0x1f: {  	s9 =	smul.u32 $0xF7A, s1;
	s8 =	simm.s32 @!p0 $0x1BF5;
	p2 =	por !p2, p0  }
0x20: {  	[sflag:s8] =	ssyncset.s32 @!p0 $0xFFFFF086;
	s6 =	sadd.s32 @!p0 s3, s7;
	s7 =	simm.s32 @!p0 $0x108  }
0x21: {  	s3 =	sadd.s32 s3, s9;
	s6 =	sadd.s32 @!p0 $0x88, s6;
	s7 =	simm.s32 @p2 $0x1082  }
0x22: {  	[simem:s7], [sflag:s8] =	dma.local @!p0 [hbm:s6], $0xF7A  }
0x23: {  	s9 =	sor.u32 $0xD0000000, s2;
	s6 =	simm.s32 $0x108;
	_ =	swait.ge @!p0 [sflag:s8], $0x0  }
0x24: {  	s3 =	sadd.s32 $0x88, s3;
	s6 =	simm.s32 @!p1 $0x1082;
	[sflag:s4] =	ssyncset.s32 $0xFFFFF086  }
0x25: {  	[simem:s6], [sflag:s4] =	dma.local [hbm:s3], $0xF7A  }
0x26: {  	[smem:$0x3F97] =	sst s1;
	(tag) =	ssettag s2;
	_ =	strace s9  }
0x27: {  	s1 =	sld [smem:$0x3FA7]  }
0x28: {  	s2 =	sld [smem:$0x3FA8]  }
0x29: {  	s4 =	sld [smem:$0x3FAA]  }
0x2a: {  	p0 =	seq.s32 s5, $0x0;
	s5 =	sld [smem:$0x3FAB]  }
0x2b: {  	s6 =	sld [smem:$0x3FAC]  }
0x2c: {  	s7 =	sld [smem:$0x3FAD]  }
0x2d: {  	s3 =	simm.s32 $0x108;
	s8 =	sld [smem:$0x3FAE]  }
0x2e: {  	s3 =	simm.s32 @!p0 $0x1082;
	s9 =	sld [smem:$0x3FAF]  }
0x2f: {  	lr =	sadd.s32 s0, s3;
	s0 =	sld [smem:$0x3FA6]  }
0x30: {  	s3 =	sld [smem:$0x3FA9]  }
0x31: {  	[smem:$0x3FB2] =	sst s10  }
0x32: {  	s10 =	sld [smem:$0x3FB0];
	_ =	sdelay $0x3  }
0x33: {  	p0 =	seq.s32 s10, $0x1;
	s10 =	sld [smem:$0x3FB2];
	_ =	sdelay $0x3  }
0x34: {  	[smem:$0x3FB2] =	sst s10  }
0x35: {  	s10 =	sld [smem:$0x3FB1];
	_ =	sdelay $0x3  }
0x36: {  	p1 =	seq.s32 s10, $0x1;
	s10 =	sld [smem:$0x3FB2];
	_ =	sdelay $0x3  }
0x37: {  	[smem:$0x3FB2] =	sst s10  }
0x38: {  	s10 =	sld [smem:$0x3FB3]  }
0x39: {  	_ = 	snop;
	(pc) =	sbr.ind lr, $3  }
0x3a: {  	_ = 	snop  }
0x3b: {  	_ = 	snop  }
0x3c: {  	p2 =	seq.s32 s10, $0x1;
	s10 =	sld [smem:$0x3FB2]  }
0x3d: {  	_ =	shalt  }
0x3e: {  	_ =	shalt  }
0x3f: {  	_ =	shalt  }
0x40: {  	_ =	shalt  }
0x41: {  	_ =	shalt  }
0x42: {  	_ =	shalt  }
0x43: {  	_ =	shalt  }
0x44: {  	_ =	shalt  }
0x45: {  	_ =	shalt  }
0x46: {  	_ =	shalt  }
0x47: {  	_ =	shalt  }
0x48: {  	_ =	shalt  }
0x49: {  	_ =	shalt  }
0x4a: {  	_ =	shalt  }
0x4b: {  	_ =	shalt  }
0x4c: {  	_ =	shalt  }
0x4d: {  	_ =	shalt  }
0x4e: {  	_ =	shalt  }
0x4f: {  	_ =	shalt  }
0x50: {  	_ =	shalt  }
0x51: {  	_ =	shalt  }
0x52: {  	_ =	shalt  }
0x53: {  	_ =	shalt  }
0x54: {  	_ =	shalt  }
0x55: {  	_ =	shalt  }
0x56: {  	_ =	shalt  }
0x57: {  	_ =	shalt  }
0x58: {  	_ =	shalt  }
0x59: {  	_ =	shalt  }
0x5a: {  	_ =	shalt  }
0x5b: {  	_ =	shalt  }
0x5c: {  	_ =	shalt  }
0x5d: {  	_ =	shalt  }
0x5e: {  	_ =	shalt  }
0x5f: {  	_ =	shalt  }
0x60: {  	_ =	shalt  }
0x61: {  	_ =	shalt  }
0x62: {  	_ =	shalt  }
0x63: {  	_ =	shalt  }
0x64: {  	_ =	shalt  }
0x65: {  	_ =	shalt  }
0x66: {  	_ =	shalt  }
0x67: {  	_ =	shalt  }
0x68: {  	_ =	shalt  }
0x69: {  	_ =	shalt  }
0x6a: {  	_ =	shalt  }
0x6b: {  	_ =	shalt  }
0x6c: {  	_ =	shalt  }
0x6d: {  	_ =	shalt  }
0x6e: {  	_ =	shalt  }
0x6f: {  	_ =	shalt  }
0x70: {  	_ =	shalt  }
0x71: {  	_ =	shalt  }
0x72: {  	_ =	shalt  }
0x73: {  	_ =	shalt  }
0x74: {  	_ =	shalt  }
0x75: {  	_ =	shalt  }
0x76: {  	_ =	shalt  }
0x77: {  	_ =	shalt  }
0x78: {  	_ =	shalt  }
0x79: {  	_ =	shalt  }
0x7a: {  	_ =	shalt  }
0x7b: {  	_ =	shalt  }
0x7c: {  	_ =	shalt  }
0x7d: {  	_ =	shalt  }
0x7e: {  	_ =	shalt  }
0x7f: {  	_ =	shalt  }
0x80: {  	_ =	shalt  }
0x81: {  	_ =	shalt  }
0x82: {  	_ =	shalt  }
0x83: {  	_ =	shalt  }
0x84: {  	_ =	shalt  }
0x85: {  	_ =	shalt  }
0x86: {  	_ =	shalt  }
0x87: {  	_ =	shalt  }
.Lfunc_end0:
.L_simem_size_0:
called_computation.1_lowered:
.L_overlay_start_0:
0x88: {  	s2 =	sld [smem:$0x3FD9]  }
0x89: {  	s3 =	sld [smem:$0x3FFE];
	_ =	sdelay $0x1  }
0x8a: {  	s1 =	srdreg.scid  }
0x8b: {  	s0 =	sand.u32 $0x1, s1  }
0x8c: {  	s17 =	sshll.u32 s0, $0xA;
	s2 =	sadd.s32 s3, s2  }
0x8d: {  	s2 =	sadd.s32 s2, s17  }
0x8e: {  	[smem:$0x3FBE] =	sst s2  }
0x8f: {  	_ = 	snop  }
0x90: {  	s2 =	sld [smem:$0x3FD0];
	(tm) =	ssettm $0x1  }
0x91: {  	s18 =	sld [smem:$0x3FFB];
	_ =	sdelay $0x3  }
0x92: {  	_ =	strace s18  }
0x93: {  	s3 =	sld [smem:$0x3FFC];
	_ =	sdelay $0x3  }
0x94: {  	_ =	strace s3  }
0x95: {  	s3 =	sld [smem:$0x3FFD];
	_ =	sdelay $0x3  }
0x96: {  	_ =	strace s3  }
0x97: {  	_ =	strace $0x8FFFFFFF  }
0x98: {  	s19 =	sld [smem:$0x3FDB];
	_ =	sdelay $0x1  }
0x99: {  	s4 =	simm.s32 $_scs_section_size  }
0x9a: {  	s5 =	simm.s32 $_size__tile_overlayer_lowered;
	s6 =	simm.s32 $_tile_overlayer_lowered  }
0x9b: {  	s22 =	simm.s32 $0x1BFF;
	s21 =	sshll.u32 s6, $0x1;
	s3 =	sadd.s32 s4, s19  }
0x9c: {  	s7 =	simm.s32 $0x0;
	s20 =	sshll.u32 s5, $0x1;
	s5 =	sadd.s32 s21, s3  }
0x9d: {  	[timem:s7], [sflag:s22] =	dma.local [hbm:s5], s20  }
0x9e: {  	_ =	swait.ge [sflag:s22], s20  }
0x9f: {  	s4 =	ssub.s32 $0x0, s20;
	[sflag:s22] =	ssyncset.done $0x0  }
0xa0: {  	[sflag:s22] =	ssyncadd.s32 s4;
	_ =	sdelay $0x1  }
0xa1: {  	s23 =	simm.s32 $0x1B8B  }
0xa2: {  	_ =	swait.ge [sflag:s23], $0x1  }
0xa3: {  	[sflag:s23] =	ssyncset.done $0x0  }
0xa4: {  	s25 =	simm.s32 $0x1B8E;
	s24 =	sld [smem:$0x3FFE];
	[sflag:s23] =	ssyncadd.s32 $0xFFFFFFFF  }
0xa5: {  	s26 =	simm.s32 $execute0_lowered;
	[smem:$0x3FD2] =	sst s25  }
0xa6: {  	s5 =	sshll.u32 s26, $0x1;
	_ =	strace $0x80000049;
	[dreg:$0x1] =	wrdreg $0xFFFFFFFF  }
0xa7: {  	s28 =	simm.s32 $_size_execute0_lowered;
	s3 =	sadd.s32 s3, s5;
	[dreg:$0x0] =	wrdreg $0x0  }
0xa8: {  	s5 =	sshll.u32 s28, $0x1;
	[dreg:$0x2] =	wrdreg s3  }
0xa9: {  	[dreg:$0x3] =	wrdreg s5  }
0xaa: {  	[dreg:$0x4] =	wrdreg $0xC0  }
0xab: {  	_ =	task [dreg:s7], $0x5FFFF  }
0xac: {  	[dreg:$0x1] =	wrdreg $0xFFFFFFFF  }
0xad: {  	[dreg:$0x0] =	wrdreg $0x60  }
0xae: {  	[dreg:$0x2] =	wrdreg s2  }
0xaf: {  	[dreg:$0x3] =	wrdreg s24  }
0xb0: {  	[dreg:$0x4] =	wrdreg $0xA0000  }
0xb1: {  	[dreg:$0x5] =	wrdreg $0x9  }
0xb2: {  	_ =	task.clear_ibuf [dreg:s7], $0x6FFFF;
	_ =	strace $0x90000049  }
0xb3: {  	s29 =	simm.s32 $0x9;
	_ =	strace $0x8000004B  }
0xb4: {  	_ =	swait.ge [sflag:s29], $0x1  }
0xb5: {  	[sflag:s29] =	ssyncadd.s32 $0xFFFFFFFF  }
0xb6: {  	_ =	strace $0x9000004B  }
0xb7: {  	_ =	sfence  }
0xb8: {  	s30 =	sld [smem:$0x0];
	_ =	sdelay $0x2  }
0xb9: {  	s31 =	sshll.u32 s1, $0xD;
	s1 =	sshrl.u32 s1, $0x2  }
0xba: {  	s3 =	sand.u32 $0x4000, s31;
	s1 =	sadd.s32 s1, s30  }
0xbb: {  	s0 =	sor.u32 s3, s0;
	s1 =	sshll.u32 s1, $0x11  }
0xbc: {  	s0 =	sor.u32 s1, s0  }
0xbd: {  	s0 =	sadd.s32 $0x8F2B, s0  }
0xbe: {  	[sflag:s0] =	ssyncadd.remote.s32 $0x1  }
0xbf: {  	_ =	sfence.sel $0xFFFF  }
0xc0: {  	[dreg:$0x0] =	wrdreg $0xFFFFFFFF;
	(pc) =	sbr.abs _section_cstart, $3  }
0xc1: {  	[dreg:$0x1] =	wrdreg $0xFFFFFFFF  }
0xc2: {  	_ =	task.clear_ibuf [dreg:s7], $0x2FFFF;
	_ =	strace $0x9FFFFFFF  }
0xc3: {  	(tm) =	ssettm $0x7FFFFFFF  }
tec
execute0_lowered:
.L_overlay_start_1:
0x0: {  	(tag) =	ssettag $0x1  }
0x1: {  	s0 =	rddreg [dreg:$0x0]  }
0x2: {  	s1 =	srdreg.scid;
	s6 =	rddreg [dreg:$0x1]  }
0x3: {  	s18 =	stileid.u32;
	s2 =	rddreg [dreg:$0x2];
	s30 =	simm.s32 $0x9000  }
0x4: {  	s1 =	sand.u32 $0x1, s1;
	s3 =	sshll.u32 s18, $0x1;
	s21 =	smul.u32 $0x50000, s18  }
0x5: {  	s31 =	simm.s32 $0x2;
	s4 =	sor.u32 s1, s3;
	s9 =	smul.u32 $0x28000, s1  }
0x6: {  	s3 =	simm.s32 $0x0;
	s1 =	ssub.s32 $0x2, s1;
	s7 =	smul.u32 $0x500, s4  }
0x7: {  	[smem:$0x7FF] =	sst s3;
	s5 =	sshrl.u32 s21, $0x2;
	s4 =	sadd.s32 $0xCA00, s6  }
0x8: {  	s10 =	sshrl.u32 s1, $0x1;
	_ =	strace $0x8000004A;
	s5 =	sadd.s32 s5, s2  }
0x9: {  	s1 =	ssub.s32 s1, s10;
	s8 =	sadd.s32 s7, s6;
	s6 =	sadd.s32 s9, s6  }
0xa: {  	s22 =	sadd.s32 $0x1000, s5;
	s23 =	sadd.s32 $0x2000, s5;
	s24 =	sadd.s32 $0x3000, s5  }
0xb: {  	s25 =	sadd.s32 $0x4000, s5;
	s26 =	sadd.s32 $0x5000, s5;
	s11 =	sadd.s32 $0x6000, s5  }
0xc: {  	s12 =	sadd.s32 $0x7000, s5;
	s13 =	sadd.s32 $0x8000, s5;
	s14 =	sadd.s32 $0x9000, s5  }
0xd: {  	s15 =	sadd.s32 $0xA000, s5;
	s16 =	sadd.s32 $0xB000, s5;
	[dreg:$0x4] =	wrdreg s22  }
0xe: {  	s17 =	sadd.s32 $0xC000, s5;
	s19 =	sadd.s32 $0xE000, s5;
	[dreg:$0x5] =	wrdreg s23  }
0xf: {  	s20 =	sadd.s32 s0, s7;
	s21 =	sadd.s32 $0xF000, s5;
	[dreg:$0x6] =	wrdreg s24  }
0x10: {  	s28 =	sadd.s32 $0x12000, s5;
	s29 =	sadd.s32 $0x13000, s5;
	[dreg:$0x7] =	wrdreg s25  }
0x11: {  	s0 =	simm.s32 $0x80;
	[dreg:$0x8] =	wrdreg s26;
	s22 =	smul.u32 $0x2800, s18  }
0x12: {  	s18 =	sadd.s32 $0xD000, s5;
	s6 =	sadd.s32 $0x34A00, s6;
	s23 =	sadd.s32 $0x10000, s5  }
0x13: {  	s24 =	sadd.s32 $0x2A00, s8;
	s25 =	smax.u32 s1, $0x1;
	s26 =	sadd.s32 $0x11000, s5  }
0x14: {  	v0 =	vimm.f32 $0.0e+00;
	s1 =	simm.s32 $0x5000;
	s22 =	sadd.s32 s22, s6;
	s6 =	simm.s32 $0x1  }
.LBB2_1:
0x15: {  	s7 =	simm.s32 $0x0;
	s8 =	simm.s32 $0x200  }
.LBB2_2:
0x16: {  	p0 =	sne.s32 s8, $0x3E00;
	[tilespmem:s7+$0x9070] =	vst v0  }
0x17: {  	[tilespmem:s7+$0x9000] =	vst v0  }
0x18: {  	[tilespmem:s7+$0x9010] =	vst v0  }
.Ltmp0:
0x19: {  	[tilespmem:s7+$0x9020] =	vst v0;
	(pc) =	sbr.rel @p0 .LBB2_2-.Ltmp0, $4  }
0x1a: {  	[tilespmem:s7+$0x9030] =	vst v0  }
0x1b: {  	[tilespmem:s7+$0x9040] =	vst v0  }
0x1c: {  	[tilespmem:s7+$0x9050] =	vst v0  }
0x1d: {  	[tilespmem:s7+$0x9060] =	vst v0;
	s7 =	sshra.s32 s8, $0x2;
	s8 =	sadd.s32 $0x200, s8  }
0x1e: {  	[tilespmem:s7+$0x9070] =	vst v0  }
0x1f: {  	[tilespmem:s7+$0x9000] =	vst v0  }
0x20: {  	[tilespmem:s7+$0x9010] =	vst v0  }
0x21: {  	[tilespmem:s7+$0x9020] =	vst v0  }
0x22: {  	[tilespmem:s7+$0x9030] =	vst v0  }
0x23: {  	[tilespmem:s7+$0x9040] =	vst v0  }
0x24: {  	[tilespmem:s7+$0x9050] =	vst v0  }
0x25: {  	[tilespmem:s7+$0x9060] =	vst v0  }
0x26: {  	[spmem:s5] =	stream.linear.scatter [tilespmem:s30], [sflag:$0x2], $0x1000, $0x38;
	[tilespmem:$0x1E000] =	vst v63  }
0x27: {  	_ =	swait.ge [sflag:s31], $0x1000  }
0x28: {  	[sflag:s31] =	ssyncset.done $0x0  }
0x29: {  	s8 =	rddreg [dreg:$0x4];
	[sflag:s31] =	ssyncadd.s32 $0xFFFFF000  }
0x2a: {  	[spmem:s8] =	stream.linear.scatter [tilespmem:s30], [sflag:$0x2], $0x1000, $0x38;
	[tilespmem:$0x1E000] =	vst v63  }
0x2b: {  	_ =	swait.ge [sflag:s31], $0x1000  }
0x2c: {  	[sflag:s31] =	ssyncset.done $0x0  }
0x2d: {  	s9 =	rddreg [dreg:$0x5];
	[sflag:s31] =	ssyncadd.s32 $0xFFFFF000  }
0x2e: {  	[spmem:s9] =	stream.linear.scatter [tilespmem:s30], [sflag:$0x2], $0x1000, $0x38;
	[tilespmem:$0x1E000] =	vst v63  }
0x2f: {  	_ =	swait.ge [sflag:s31], $0x1000  }
0x30: {  	[sflag:s31] =	ssyncset.done $0x0  }
0x31: {  	s10 =	rddreg [dreg:$0x6];
	[sflag:s31] =	ssyncadd.s32 $0xFFFFF000  }
0x32: {  	[spmem:s10] =	stream.linear.scatter [tilespmem:s30], [sflag:$0x2], $0x1000, $0x38;
	[tilespmem:$0x1E000] =	vst v63  }
0x33: {  	_ =	swait.ge [sflag:s31], $0x1000  }
0x34: {  	[sflag:s31] =	ssyncset.done $0x0  }
0x35: {  	s8 =	rddreg [dreg:$0x7];
	[sflag:s31] =	ssyncadd.s32 $0xFFFFF000  }
0x36: {  	[spmem:s8] =	stream.linear.scatter [tilespmem:s30], [sflag:$0x2], $0x1000, $0x38;
	[tilespmem:$0x1E000] =	vst v63  }
0x37: {  	_ =	swait.ge [sflag:s31], $0x1000  }
0x38: {  	[sflag:s31] =	ssyncset.done $0x0  }
0x39: {  	s9 =	rddreg [dreg:$0x8];
	[sflag:s31] =	ssyncadd.s32 $0xFFFFF000  }
0x3a: {  	[spmem:s9] =	stream.linear.scatter [tilespmem:s30], [sflag:$0x2], $0x1000, $0x38;
	[tilespmem:$0x1E000] =	vst v63  }
0x3b: {  	_ =	swait.ge [sflag:s31], $0x1000  }
0x3c: {  	[sflag:s31] =	ssyncset.done $0x0  }
0x3d: {  	[sflag:s31] =	ssyncadd.s32 $0xFFFFF000  }
0x3e: {  	[spmem:s11] =	stream.linear.scatter [tilespmem:s30], [sflag:$0x2], $0x1000, $0x38;
	[tilespmem:$0x1E000] =	vst v63  }
0x3f: {  	_ =	swait.ge [sflag:s31], $0x1000  }
0x40: {  	[sflag:s31] =	ssyncset.done $0x0  }
0x41: {  	[sflag:s31] =	ssyncadd.s32 $0xFFFFF000  }
0x42: {  	[spmem:s12] =	stream.linear.scatter [tilespmem:s30], [sflag:$0x2], $0x1000, $0x38;
	[tilespmem:$0x1E000] =	vst v63  }
0x43: {  	_ =	swait.ge [sflag:s31], $0x1000  }
0x44: {  	[sflag:s31] =	ssyncset.done $0x0  }
0x45: {  	[sflag:s31] =	ssyncadd.s32 $0xFFFFF000  }
0x46: {  	[spmem:s13] =	stream.linear.scatter [tilespmem:s30], [sflag:$0x2], $0x1000, $0x38;
	[tilespmem:$0x1E000] =	vst v63  }
0x47: {  	_ =	swait.ge [sflag:s31], $0x1000  }
0x48: {  	[sflag:s31] =	ssyncset.done $0x0  }
0x49: {  	[sflag:s31] =	ssyncadd.s32 $0xFFFFF000  }
0x4a: {  	[spmem:s14] =	stream.linear.scatter [tilespmem:s30], [sflag:$0x2], $0x1000, $0x38;
	[tilespmem:$0x1E000] =	vst v63  }
0x4b: {  	_ =	swait.ge [sflag:s31], $0x1000  }
0x4c: {  	[sflag:s31] =	ssyncset.done $0x0  }
0x4d: {  	[sflag:s31] =	ssyncadd.s32 $0xFFFFF000  }
0x4e: {  	[spmem:s15] =	stream.linear.scatter [tilespmem:s30], [sflag:$0x2], $0x1000, $0x38;
	[tilespmem:$0x1E000] =	vst v63  }
0x4f: {  	_ =	swait.ge [sflag:s31], $0x1000  }
0x50: {  	[sflag:s31] =	ssyncset.done $0x0  }
0x51: {  	[sflag:s31] =	ssyncadd.s32 $0xFFFFF000  }
0x52: {  	[spmem:s16] =	stream.linear.scatter [tilespmem:s30], [sflag:$0x2], $0x1000, $0x38;
	[tilespmem:$0x1E000] =	vst v63  }
0x53: {  	_ =	swait.ge [sflag:s31], $0x1000  }
0x54: {  	[sflag:s31] =	ssyncset.done $0x0  }
0x55: {  	[sflag:s31] =	ssyncadd.s32 $0xFFFFF000  }
0x56: {  	[spmem:s17] =	stream.linear.scatter [tilespmem:s30], [sflag:$0x2], $0x1000, $0x38;
	[tilespmem:$0x1E000] =	vst v63  }
0x57: {  	_ =	swait.ge [sflag:s31], $0x1000  }
0x58: {  	[sflag:s31] =	ssyncset.done $0x0  }
0x59: {  	[sflag:s31] =	ssyncadd.s32 $0xFFFFF000  }
0x5a: {  	[spmem:s18] =	stream.linear.scatter [tilespmem:s30], [sflag:$0x2], $0x1000, $0x38;
	[tilespmem:$0x1E000] =	vst v63  }
0x5b: {  	_ =	swait.ge [sflag:s31], $0x1000  }
0x5c: {  	[sflag:s31] =	ssyncset.done $0x0  }
0x5d: {  	[sflag:s31] =	ssyncadd.s32 $0xFFFFF000  }
0x5e: {  	[spmem:s19] =	stream.linear.scatter [tilespmem:s30], [sflag:$0x2], $0x1000, $0x38;
	[tilespmem:$0x1E000] =	vst v63  }
0x5f: {  	_ =	swait.ge [sflag:s31], $0x1000  }
0x60: {  	[sflag:s31] =	ssyncset.done $0x0  }
0x61: {  	[sflag:s31] =	ssyncadd.s32 $0xFFFFF000  }
0x62: {  	[spmem:s21] =	stream.linear.scatter [tilespmem:s30], [sflag:$0x2], $0x1000, $0x38;
	[tilespmem:$0x1E000] =	vst v63  }
0x63: {  	_ =	swait.ge [sflag:s31], $0x1000  }
0x64: {  	[sflag:s31] =	ssyncset.done $0x0  }
0x65: {  	[sflag:s31] =	ssyncadd.s32 $0xFFFFF000  }
0x66: {  	[spmem:s23] =	stream.linear.scatter [tilespmem:s30], [sflag:$0x2], $0x1000, $0x38;
	[tilespmem:$0x1E000] =	vst v63  }
0x67: {  	_ =	swait.ge [sflag:s31], $0x1000  }
0x68: {  	[sflag:s31] =	ssyncset.done $0x0  }
0x69: {  	[sflag:s31] =	ssyncadd.s32 $0xFFFFF000  }
0x6a: {  	[spmem:s26] =	stream.linear.scatter [tilespmem:s30], [sflag:$0x2], $0x1000, $0x38;
	[tilespmem:$0x1E000] =	vst v63  }
0x6b: {  	_ =	swait.ge [sflag:s31], $0x1000  }
0x6c: {  	[sflag:s31] =	ssyncset.done $0x0  }
0x6d: {  	[sflag:s31] =	ssyncadd.s32 $0xFFFFF000  }
0x6e: {  	[spmem:s28] =	stream.linear.scatter [tilespmem:s30], [sflag:$0x2], $0x1000, $0x38;
	[tilespmem:$0x1E000] =	vst v63  }
0x6f: {  	_ =	swait.ge [sflag:s31], $0x1000  }
0x70: {  	[sflag:s31] =	ssyncset.done $0x0  }
0x71: {  	[sflag:s31] =	ssyncadd.s32 $0xFFFFF000  }
0x72: {  	[spmem:s29] =	stream.linear.scatter [tilespmem:s30], [sflag:$0x2], $0x1000, $0x38;
	[tilespmem:$0x1E000] =	vst v63  }
0x73: {  	_ =	swait.ge [sflag:s31], $0x1000  }
0x74: {  	[sflag:s31] =	ssyncset.done $0x0  }
0x75: {  	s10 =	simm.s32 $0x0;
	[sflag:s31] =	ssyncadd.s32 $0xFFFFF000  }
0x76: {  	[tilespmem:s10], [sflag:$0x2] =	stream.linear.gather [hbm4b:s20+s10], $0x2780, $0x38;
	[tilespmem:$0x1E000] =	vst v63  }
0x77: {  	_ =	swait.ge [sflag:s31], $0x2780  }
0x78: {  	[sflag:s31] =	ssyncset.done $0x0  }
0x79: {  	s8 =	simm.s32 $0x2800;
	[sflag:s31] =	ssyncadd.s32 $0xFFFFD880  }
0x7a: {  	[tilespmem:s8], [sflag:$0x2] =	stream.linear.gather [hbm4b:s24+s10], $0x2780, $0x38;
	[tilespmem:$0x1E000] =	vst v63  }
0x7b: {  	_ =	swait.ge [sflag:s31], $0x2780  }
0x7c: {  	[sflag:s31] =	ssyncset.done $0x0  }
0x7d: {  	[sflag:s31] =	ssyncadd.s32 $0xFFFFD880  }
0x7e: {  	s9 =	simm.s32 $0x0;
	[bflag:$0x0] =	sbarrier.arrive $0xFFFF  }
0x7f: {  	[tilespmem:s1], [sflag:$0x1] =	stream.indirect.gather [hbm4b:s4+s0], $0x80, s9, s0, $0xb8;
	[tilespmem:$0x1E000] =	vst v63  }
0x80: {  	_ =	swait.ge [sflag:s6], $0x4000  }
0x81: {  	[sflag:s6] =	ssyncset.done $0x0  }
0x82: {  	s10 =	simm.s32 $0x2800;
	[sflag:s6] =	ssyncadd.s32 $0xFFFFC000  }
0x83: {  	[spmem:s2] =	stream.indirect.scatter.add.f32 [tilespmem:s1], [sflag:$0x2], $0x80, s10, s0, $0xb8;
	[tilespmem:$0x1E000] =	vst v63  }
0x84: {  	_ =	swait.ge [sflag:s31], $0x4000  }
0x85: {  	s7 =	simm.s32 $0x200;
	s8 =	simm.s32 $0x400;
	[sflag:s31] =	ssyncset.done $0x0  }
.LBB2_4:
0x86: {  	s9 =	sshra.s32 s7, $0x2  }
0x87: {  	[sflag:s31] =	ssyncadd.s32 $0xFFFFC000;
	s7 =	smov.u32 s8;
	s10 =	sadd.s32 $0x200, s8  }
0x88: {  	[tilespmem:s1], [sflag:$0x1] =	stream.indirect.gather [hbm4b:s4+s0], $0x80, s9, s0, $0xb8;
	[tilespmem:$0x1E000] =	vst v63  }
0x89: {  	p0 =	sne.s32 s8, $0x9C00;
	_ =	swait.ge [sflag:s6], $0x4000  }
.Ltmp1:
0x8a: {  	[sflag:s6] =	ssyncset.done $0x0;
	(pc) =	sbr.rel @p0 .LBB2_4-.Ltmp1, $4  }
0x8b: {  	s8 =	sadd.s32 $0x2800, s9;
	[sflag:s6] =	ssyncadd.s32 $0xFFFFC000  }
0x8c: {  	[spmem:s2] =	stream.indirect.scatter.add.f32 [tilespmem:s1], [sflag:$0x2], $0x80, s8, s0, $0xb8;
	[tilespmem:$0x1E000] =	vst v63  }
0x8d: {  	_ =	swait.ge [sflag:s31], $0x4000  }
0x8e: {  	s8 =	smov.u32 s10;
	[sflag:s31] =	ssyncset.done $0x0  }
0x8f: {  	s7 =	sshra.s32 s7, $0x2;
	[sflag:s31] =	ssyncadd.s32 $0xFFFFC000  }
0x90: {  	[tilespmem:s1], [sflag:$0x1] =	stream.indirect.gather [hbm4b:s4+s0], $0x80, s7, s0, $0xb8;
	[tilespmem:$0x1E000] =	vst v63  }
0x91: {  	_ =	swait.ge [sflag:s6], $0x4000  }
0x92: {  	[sflag:s6] =	ssyncset.done $0x0  }
0x93: {  	s7 =	sadd.s32 $0x2800, s7;
	[sflag:s6] =	ssyncadd.s32 $0xFFFFC000  }
0x94: {  	[spmem:s2] =	stream.indirect.scatter.add.f32 [tilespmem:s1], [sflag:$0x2], $0x80, s7, s0, $0xb8;
	[tilespmem:$0x1E000] =	vst v63  }
0x95: {  	s10 =	stileid.u32;
	_ =	swait.ge [sflag:s31], $0x4000  }
0x96: {  	s8 =	sshrl.u32 s5, $0x3;
	s3 =	sadd.s32 $0x1, s3;
	[sflag:s31] =	ssyncset.done $0x0  }
0x97: {  	p0 =	sne.s32 s3, s25;
	s7 =	sshll.u32 s10, $0x6;
	[sflag:s31] =	ssyncadd.s32 $0xFFFFC000  }
.Ltmp2:
0x98: {  	s7 =	sor.u32 $0x1C02, s7;
	[bflag:$0x0] =	sbarrier.arrive $0xFFFF;
	(pc) =	sbr.rel @p0 .LBB2_1-.Ltmp2, $4  }
0x99: {  	[hbm:s22], [sflag:s7] =	dma.local [spmem:s8], $0x2800  }
0x9a: {  	_ =	swait.ge [sflag:s31], $0x2800  }
0x9b: {  	[sflag:s31] =	ssyncset.done $0x0  }
0x9c: {  	[sflag:s31] =	ssyncadd.s32 $0xFFFFD800  }
0x9d: {  	_ =	sfence.sel $0x180000  }
0x9e: {  	[bflag:$0x0] =	sbarrier.arrive $0xFFFF  }
0x9f: {  	_ =	strace $0x9000004A  }
0xa0: {  	s0 =	stileid.u32;
	[bflag:$0x2] =	sbarrier.arrive $0xFFFF  }
0xa1: {  	p0 =	sne.s32 s0, $0x0;
	s0 =	rddreg [dreg:$0x3]  }
0xa2: {  	s0 =	sadd.s32 @!p0 $0x100000, s0  }
0xa3: {  	[sflag:s0] =	ssyncadd.tile.s32 @!p0 $0x1;
	_ =	shalt  }
.Lfunc_end2:
_tile_overlayer_lowered:
.L_overlay_start_2:
0xa4: {  	(tag) =	ssettag $0x2  }
0xa5: {  	s0 =	rddreg [dreg:$0x0];
	s2 =	stileid.u32  }
0xa6: {  	s1 =	rddreg [dreg:$0x1];
	p0 =	sne.s32 s2, $0x0  }
0xa7: {  	s3 =	rddreg [dreg:$0x2];
	[bflag:$0x3] =	sbarrier.arrive $0xFFFF;
	s2 =	simm.s32 @!p0 $0x1C02  }
0xa8: {  	[timem:s3], [sflag:s2] =	dma.local @!p0 [hbm:s0], s1  }
0xa9: {  	s0 =	simm.s32 @!p0 $0x2  }
0xaa: {  	_ =	swait.ge @!p0 [sflag:s0], s1  }
0xab: {  	s1 =	ssub.s32 @!p0 $0x0, s1;
	[sflag:s0] =	ssyncset.done @!p0 $0x0  }
0xac: {  	[sflag:s0] =	ssyncadd.s32 @!p0 s1  }
0xad: {  	[bflag:$0x3] =	sbarrier.arrive $0xFFFF  }
0xae: {  	_ =	shalt  }

// kernel: kernel.16.cloned.1.call-start
scs
__scs_entry_jumppad:
0x0: {  	(pc) =	sbr.rel $0x88, $3  }
0x1: {  	(tag) =	ssettag $0x0;
	lr =	simm.s32 $0x1  }
0x2: {  	[smem:$0x3F97] =	sst lr;
	_ =	strace $0xD0000000  }
0x3: {  	_ = 	snop  }
0x4: {  	_ = 	snop  }
0x5: {  	_ = 	snop  }
0x6: {  	_ = 	snop  }
0x7: {  	_ = 	snop  }
__scs_overlays_trampoline_lowered:
0x8: {  	[smem:$0x3FA6] =	sst s0  }
0x9: {  	[smem:$0x3FA7] =	sst s1  }
0xa: {  	[smem:$0x3FA8] =	sst s2  }
0xb: {  	[smem:$0x3FA9] =	sst s3  }
0xc: {  	[smem:$0x3FAA] =	sst s4  }
0xd: {  	[smem:$0x3FAB] =	sst s5  }
0xe: {  	[smem:$0x3FAC] =	sst s6  }
0xf: {  	[smem:$0x3FAD] =	sst s7  }
0x10: {  	[smem:$0x3FAE] =	sst s8  }
0x11: {  	[smem:$0x3FAF] =	sst s9;
	s0 =	simm.s32 @!p0 $0x0  }
0x12: {  	s1 =	sld [smem:$0x3F95];
	s0 =	simm.s32 @p0 $0x1  }
0x13: {  	[smem:$0x3FB0] =	sst s0;
	s0 =	simm.s32 @!p1 $0x0  }
0x14: {  	s2 =	sld [smem:$0x3F94];
	s0 =	simm.s32 @p1 $0x1  }
0x15: {  	[smem:$0x3FB1] =	sst s0;
	s0 =	simm.s32 @!p2 $0x0  }
0x16: {  	s3 =	sld [smem:$0x3FDB];
	s0 =	simm.s32 @p2 $0x1  }
0x17: {  	s4 =	simm.s32 $0x1BF5;
	[smem:$0x3FB3] =	sst s0  }
0x18: {  	s0 =	sld [smem:$0x3F96];
	_ =	swait.ge [sflag:s4], $0x0  }
0x19: {  	s7 =	sld [smem:$0x3F97]  }
0x1a: {  	s8 =	sadd.s32 $0xFFFFE003, lr  }
0x1b: {  	s9 =	sadd.s32 $0xFFFFFEF7, lr;
	s5 =	simm.s32 $0xFFFFFFFF;
	p2 =	slt.u32 s8, $0xFFFFF086  }
0x1c: {  	p1 =	slt.u32 s9, $0xF7A;
	s5 =	simm.s32 @!p2 $0x0  }
0x1d: {  	s5 =	simm.s32 @p1 $0x1;
	p0 =	seq.s32 s7, s2  }
0x1e: {  	s7 =	smul.u32 @!p0 $0xF7A, s2;
	p2 =	seq.s32 @!p0 s5, $0x0  }
0x1f: {  	s9 =	smul.u32 $0xF7A, s1;
	s8 =	simm.s32 @!p0 $0x1BF5;
	p2 =	por !p2, p0  }
0x20: {  	[sflag:s8] =	ssyncset.s32 @!p0 $0xFFFFF086;
	s6 =	sadd.s32 @!p0 s3, s7;
	s7 =	simm.s32 @!p0 $0x108  }
0x21: {  	s3 =	sadd.s32 s3, s9;
	s6 =	sadd.s32 @!p0 $0x88, s6;
	s7 =	simm.s32 @p2 $0x1082  }
0x22: {  	[simem:s7], [sflag:s8] =	dma.local @!p0 [hbm:s6], $0xF7A  }
0x23: {  	s9 =	sor.u32 $0xD0000000, s2;
	s6 =	simm.s32 $0x108;
	_ =	swait.ge @!p0 [sflag:s8], $0x0  }
0x24: {  	s3 =	sadd.s32 $0x88, s3;
	s6 =	simm.s32 @!p1 $0x1082;
	[sflag:s4] =	ssyncset.s32 $0xFFFFF086  }
0x25: {  	[simem:s6], [sflag:s4] =	dma.local [hbm:s3], $0xF7A  }
0x26: {  	[smem:$0x3F97] =	sst s1;
	(tag) =	ssettag s2;
	_ =	strace s9  }
0x27: {  	s1 =	sld [smem:$0x3FA7]  }
0x28: {  	s2 =	sld [smem:$0x3FA8]  }
0x29: {  	s4 =	sld [smem:$0x3FAA]  }
0x2a: {  	p0 =	seq.s32 s5, $0x0;
	s5 =	sld [smem:$0x3FAB]  }
0x2b: {  	s6 =	sld [smem:$0x3FAC]  }
0x2c: {  	s7 =	sld [smem:$0x3FAD]  }
0x2d: {  	s3 =	simm.s32 $0x108;
	s8 =	sld [smem:$0x3FAE]  }
0x2e: {  	s3 =	simm.s32 @!p0 $0x1082;
	s9 =	sld [smem:$0x3FAF]  }
0x2f: {  	lr =	sadd.s32 s0, s3;
	s0 =	sld [smem:$0x3FA6]  }
0x30: {  	s3 =	sld [smem:$0x3FA9]  }
0x31: {  	[smem:$0x3FB2] =	sst s10  }
0x32: {  	s10 =	sld [smem:$0x3FB0];
	_ =	sdelay $0x3  }
0x33: {  	p0 =	seq.s32 s10, $0x1;
	s10 =	sld [smem:$0x3FB2];
	_ =	sdelay $0x3  }
0x34: {  	[smem:$0x3FB2] =	sst s10  }
0x35: {  	s10 =	sld [smem:$0x3FB1];
	_ =	sdelay $0x3  }
0x36: {  	p1 =	seq.s32 s10, $0x1;
	s10 =	sld [smem:$0x3FB2];
	_ =	sdelay $0x3  }
0x37: {  	[smem:$0x3FB2] =	sst s10  }
0x38: {  	s10 =	sld [smem:$0x3FB3]  }
0x39: {  	_ = 	snop;
	(pc) =	sbr.ind lr, $3  }
0x3a: {  	_ = 	snop  }
0x3b: {  	_ = 	snop  }
0x3c: {  	p2 =	seq.s32 s10, $0x1;
	s10 =	sld [smem:$0x3FB2]  }
0x3d: {  	_ =	shalt  }
0x3e: {  	_ =	shalt  }
0x3f: {  	_ =	shalt  }
0x40: {  	_ =	shalt  }
0x41: {  	_ =	shalt  }
0x42: {  	_ =	shalt  }
0x43: {  	_ =	shalt  }
0x44: {  	_ =	shalt  }
0x45: {  	_ =	shalt  }
0x46: {  	_ =	shalt  }
0x47: {  	_ =	shalt  }
0x48: {  	_ =	shalt  }
0x49: {  	_ =	shalt  }
0x4a: {  	_ =	shalt  }
0x4b: {  	_ =	shalt  }
0x4c: {  	_ =	shalt  }
0x4d: {  	_ =	shalt  }
0x4e: {  	_ =	shalt  }
0x4f: {  	_ =	shalt  }
0x50: {  	_ =	shalt  }
0x51: {  	_ =	shalt  }
0x52: {  	_ =	shalt  }
0x53: {  	_ =	shalt  }
0x54: {  	_ =	shalt  }
0x55: {  	_ =	shalt  }
0x56: {  	_ =	shalt  }
0x57: {  	_ =	shalt  }
0x58: {  	_ =	shalt  }
0x59: {  	_ =	shalt  }
0x5a: {  	_ =	shalt  }
0x5b: {  	_ =	shalt  }
0x5c: {  	_ =	shalt  }
0x5d: {  	_ =	shalt  }
0x5e: {  	_ =	shalt  }
0x5f: {  	_ =	shalt  }
0x60: {  	_ =	shalt  }
0x61: {  	_ =	shalt  }
0x62: {  	_ =	shalt  }
0x63: {  	_ =	shalt  }
0x64: {  	_ =	shalt  }
0x65: {  	_ =	shalt  }
0x66: {  	_ =	shalt  }
0x67: {  	_ =	shalt  }
0x68: {  	_ =	shalt  }
0x69: {  	_ =	shalt  }
0x6a: {  	_ =	shalt  }
0x6b: {  	_ =	shalt  }
0x6c: {  	_ =	shalt  }
0x6d: {  	_ =	shalt  }
0x6e: {  	_ =	shalt  }
0x6f: {  	_ =	shalt  }
0x70: {  	_ =	shalt  }
0x71: {  	_ =	shalt  }
0x72: {  	_ =	shalt  }
0x73: {  	_ =	shalt  }
0x74: {  	_ =	shalt  }
0x75: {  	_ =	shalt  }
0x76: {  	_ =	shalt  }
0x77: {  	_ =	shalt  }
0x78: {  	_ =	shalt  }
0x79: {  	_ =	shalt  }
0x7a: {  	_ =	shalt  }
0x7b: {  	_ =	shalt  }
0x7c: {  	_ =	shalt  }
0x7d: {  	_ =	shalt  }
0x7e: {  	_ =	shalt  }
0x7f: {  	_ =	shalt  }
0x80: {  	_ =	shalt  }
0x81: {  	_ =	shalt  }
0x82: {  	_ =	shalt  }
0x83: {  	_ =	shalt  }
0x84: {  	_ =	shalt  }
0x85: {  	_ =	shalt  }
0x86: {  	_ =	shalt  }
0x87: {  	_ =	shalt  }
.Lfunc_end0:
.L_simem_size_0:
called_computation.2_lowered:
.L_overlay_start_0:
0x88: {  	s2 =	sld [smem:$0x3FD9]  }
0x89: {  	s3 =	sld [smem:$0x3FFE];
	_ =	sdelay $0x1  }
0x8a: {  	s1 =	srdreg.scid  }
0x8b: {  	s0 =	sand.u32 $0x1, s1  }
0x8c: {  	s17 =	sshll.u32 s0, $0xA;
	s2 =	sadd.s32 s3, s2  }
0x8d: {  	s2 =	sadd.s32 s2, s17  }
0x8e: {  	[smem:$0x3FBE] =	sst s2  }
0x8f: {  	_ = 	snop  }
0x90: {  	s2 =	sld [smem:$0x3FD0];
	(tm) =	ssettm $0x1  }
0x91: {  	s18 =	sld [smem:$0x3FFB];
	_ =	sdelay $0x3  }
0x92: {  	_ =	strace s18  }
0x93: {  	s3 =	sld [smem:$0x3FFC];
	_ =	sdelay $0x3  }
0x94: {  	_ =	strace s3  }
0x95: {  	s3 =	sld [smem:$0x3FFD];
	_ =	sdelay $0x3  }
0x96: {  	_ =	strace s3  }
0x97: {  	_ =	strace $0x8FFFFFFF  }
0x98: {  	s19 =	sld [smem:$0x3FDB];
	_ =	sdelay $0x1  }
0x99: {  	s4 =	simm.s32 $_scs_section_size  }
0x9a: {  	s5 =	simm.s32 $_size__tile_overlayer_lowered;
	s6 =	simm.s32 $_tile_overlayer_lowered  }
0x9b: {  	s22 =	simm.s32 $0x1BFF;
	s21 =	sshll.u32 s6, $0x1;
	s3 =	sadd.s32 s4, s19  }
0x9c: {  	s7 =	simm.s32 $0x0;
	s20 =	sshll.u32 s5, $0x1;
	s5 =	sadd.s32 s21, s3  }
0x9d: {  	[timem:s7], [sflag:s22] =	dma.local [hbm:s5], s20  }
0x9e: {  	_ =	swait.ge [sflag:s22], s20  }
0x9f: {  	s4 =	ssub.s32 $0x0, s20;
	[sflag:s22] =	ssyncset.done $0x0  }
0xa0: {  	[sflag:s22] =	ssyncadd.s32 s4;
	_ =	sdelay $0x1  }
0xa1: {  	s23 =	simm.s32 $0x1B8B  }
0xa2: {  	_ =	swait.ge [sflag:s23], $0x1  }
0xa3: {  	[sflag:s23] =	ssyncset.done $0x0  }
0xa4: {  	s25 =	simm.s32 $0x1B8E;
	s24 =	sld [smem:$0x3FFE];
	[sflag:s23] =	ssyncadd.s32 $0xFFFFFFFF  }
0xa5: {  	s26 =	simm.s32 $execute0_lowered;
	[smem:$0x3FD2] =	sst s25  }
0xa6: {  	s5 =	sshll.u32 s26, $0x1;
	_ =	strace $0x8000004C;
	[dreg:$0x1] =	wrdreg $0xFFFFFFFF  }
0xa7: {  	s28 =	simm.s32 $_size_execute0_lowered;
	s3 =	sadd.s32 s3, s5;
	[dreg:$0x0] =	wrdreg $0x0  }
0xa8: {  	s5 =	sshll.u32 s28, $0x1;
	[dreg:$0x2] =	wrdreg s3  }
0xa9: {  	[dreg:$0x3] =	wrdreg s5  }
0xaa: {  	[dreg:$0x4] =	wrdreg $0xC0  }
0xab: {  	_ =	task [dreg:s7], $0x5FFFF  }
0xac: {  	[dreg:$0x1] =	wrdreg $0xFFFFFFFF  }
0xad: {  	[dreg:$0x0] =	wrdreg $0x60  }
0xae: {  	[dreg:$0x2] =	wrdreg s2  }
0xaf: {  	[dreg:$0x3] =	wrdreg s24  }
0xb0: {  	[dreg:$0x4] =	wrdreg $0xA0000  }
0xb1: {  	[dreg:$0x5] =	wrdreg $0x9  }
0xb2: {  	_ =	task.clear_ibuf [dreg:s7], $0x6FFFF;
	_ =	strace $0x9000004C  }
0xb3: {  	s29 =	simm.s32 $0x9;
	_ =	strace $0x8000004E  }
0xb4: {  	_ =	swait.ge [sflag:s29], $0x1  }
0xb5: {  	[sflag:s29] =	ssyncadd.s32 $0xFFFFFFFF  }
0xb6: {  	_ =	strace $0x9000004E  }
0xb7: {  	_ =	sfence  }
0xb8: {  	s30 =	sld [smem:$0x0];
	_ =	sdelay $0x2  }
0xb9: {  	s31 =	sshll.u32 s1, $0xD;
	s1 =	sshrl.u32 s1, $0x2  }
0xba: {  	s3 =	sand.u32 $0x4000, s31;
	s1 =	sadd.s32 s1, s30  }
0xbb: {  	s0 =	sor.u32 s3, s0;
	s1 =	sshll.u32 s1, $0x11  }
0xbc: {  	s0 =	sor.u32 s1, s0  }
0xbd: {  	s0 =	sadd.s32 $0x8F2B, s0  }
0xbe: {  	[sflag:s0] =	ssyncadd.remote.s32 $0x1  }
0xbf: {  	_ =	sfence.sel $0xFFFF  }
0xc0: {  	[dreg:$0x0] =	wrdreg $0xFFFFFFFF;
	(pc) =	sbr.abs _section_cstart, $3  }
0xc1: {  	[dreg:$0x1] =	wrdreg $0xFFFFFFFF  }
0xc2: {  	_ =	task.clear_ibuf [dreg:s7], $0x2FFFF;
	_ =	strace $0x9FFFFFFF  }
0xc3: {  	(tm) =	ssettm $0x7FFFFFFF  }
tec
execute0_lowered:
.L_overlay_start_1:
0x0: {  	(tag) =	ssettag $0x1  }
0x1: {  	s0 =	rddreg [dreg:$0x0]  }
0x2: {  	s1 =	srdreg.scid;
	s6 =	rddreg [dreg:$0x1]  }
0x3: {  	s18 =	stileid.u32;
	s2 =	rddreg [dreg:$0x2];
	s30 =	simm.s32 $0x9000  }
0x4: {  	s1 =	sand.u32 $0x1, s1;
	s3 =	sshll.u32 s18, $0x1;
	s21 =	smul.u32 $0x50000, s18  }
0x5: {  	s31 =	simm.s32 $0x2;
	s4 =	sor.u32 s1, s3;
	s9 =	smul.u32 $0x28000, s1  }
0x6: {  	s3 =	simm.s32 $0x0;
	s1 =	ssub.s32 $0x2, s1;
	s7 =	smul.u32 $0x500, s4  }
0x7: {  	[smem:$0x7FF] =	sst s3;
	s5 =	sshrl.u32 s21, $0x2;
	s4 =	sadd.s32 $0xCA00, s6  }
0x8: {  	s10 =	sshrl.u32 s1, $0x1;
	_ =	strace $0x8000004D;
	s5 =	sadd.s32 s5, s2  }
0x9: {  	s1 =	ssub.s32 s1, s10;
	s8 =	sadd.s32 s7, s6;
	s6 =	sadd.s32 s9, s6  }
0xa: {  	s22 =	sadd.s32 $0x1000, s5;
	s23 =	sadd.s32 $0x2000, s5;
	s24 =	sadd.s32 $0x3000, s5  }
0xb: {  	s25 =	sadd.s32 $0x4000, s5;
	s26 =	sadd.s32 $0x5000, s5;
	s11 =	sadd.s32 $0x6000, s5  }
0xc: {  	s12 =	sadd.s32 $0x7000, s5;
	s13 =	sadd.s32 $0x8000, s5;
	s14 =	sadd.s32 $0x9000, s5  }
0xd: {  	s15 =	sadd.s32 $0xA000, s5;
	s16 =	sadd.s32 $0xB000, s5;
	[dreg:$0x4] =	wrdreg s22  }
0xe: {  	s17 =	sadd.s32 $0xC000, s5;
	s19 =	sadd.s32 $0xE000, s5;
	[dreg:$0x5] =	wrdreg s23  }
0xf: {  	s20 =	sadd.s32 s0, s7;
	s21 =	sadd.s32 $0xF000, s5;
	[dreg:$0x6] =	wrdreg s24  }
0x10: {  	s28 =	sadd.s32 $0x12000, s5;
	s29 =	sadd.s32 $0x13000, s5;
	[dreg:$0x7] =	wrdreg s25  }
0x11: {  	s0 =	simm.s32 $0x80;
	[dreg:$0x8] =	wrdreg s26;
	s22 =	smul.u32 $0x2800, s18  }
0x12: {  	s18 =	sadd.s32 $0xD000, s5;
	s6 =	sadd.s32 $0x34A00, s6;
	s23 =	sadd.s32 $0x10000, s5  }
0x13: {  	s24 =	sadd.s32 $0x2A00, s8;
	s25 =	smax.u32 s1, $0x1;
	s26 =	sadd.s32 $0x11000, s5  }
0x14: {  	v0 =	vimm.f32 $0.0e+00;
	s1 =	simm.s32 $0x5000;
	s22 =	sadd.s32 s22, s6;
	s6 =	simm.s32 $0x1  }
.LBB2_1:
0x15: {  	s7 =	simm.s32 $0x0;
	s8 =	simm.s32 $0x200  }
.LBB2_2:
0x16: {  	p0 =	sne.s32 s8, $0x3E00;
	[tilespmem:s7+$0x9070] =	vst v0  }
0x17: {  	[tilespmem:s7+$0x9000] =	vst v0  }
0x18: {  	[tilespmem:s7+$0x9010] =	vst v0  }
.Ltmp0:
0x19: {  	[tilespmem:s7+$0x9020] =	vst v0;
	(pc) =	sbr.rel @p0 .LBB2_2-.Ltmp0, $4  }
0x1a: {  	[tilespmem:s7+$0x9030] =	vst v0  }
0x1b: {  	[tilespmem:s7+$0x9040] =	vst v0  }
0x1c: {  	[tilespmem:s7+$0x9050] =	vst v0  }
0x1d: {  	[tilespmem:s7+$0x9060] =	vst v0;
	s7 =	sshra.s32 s8, $0x2;
	s8 =	sadd.s32 $0x200, s8  }
0x1e: {  	[tilespmem:s7+$0x9070] =	vst v0  }
0x1f: {  	[tilespmem:s7+$0x9000] =	vst v0  }
0x20: {  	[tilespmem:s7+$0x9010] =	vst v0  }
0x21: {  	[tilespmem:s7+$0x9020] =	vst v0  }
0x22: {  	[tilespmem:s7+$0x9030] =	vst v0  }
0x23: {  	[tilespmem:s7+$0x9040] =	vst v0  }
0x24: {  	[tilespmem:s7+$0x9050] =	vst v0  }
0x25: {  	[tilespmem:s7+$0x9060] =	vst v0  }
0x26: {  	[spmem:s5] =	stream.linear.scatter [tilespmem:s30], [sflag:$0x2], $0x1000, $0x38;
	[tilespmem:$0x1E000] =	vst v63  }
0x27: {  	_ =	swait.ge [sflag:s31], $0x1000  }
0x28: {  	[sflag:s31] =	ssyncset.done $0x0  }
0x29: {  	s8 =	rddreg [dreg:$0x4];
	[sflag:s31] =	ssyncadd.s32 $0xFFFFF000  }
0x2a: {  	[spmem:s8] =	stream.linear.scatter [tilespmem:s30], [sflag:$0x2], $0x1000, $0x38;
	[tilespmem:$0x1E000] =	vst v63  }
0x2b: {  	_ =	swait.ge [sflag:s31], $0x1000  }
0x2c: {  	[sflag:s31] =	ssyncset.done $0x0  }
0x2d: {  	s9 =	rddreg [dreg:$0x5];
	[sflag:s31] =	ssyncadd.s32 $0xFFFFF000  }
0x2e: {  	[spmem:s9] =	stream.linear.scatter [tilespmem:s30], [sflag:$0x2], $0x1000, $0x38;
	[tilespmem:$0x1E000] =	vst v63  }
0x2f: {  	_ =	swait.ge [sflag:s31], $0x1000  }
0x30: {  	[sflag:s31] =	ssyncset.done $0x0  }
0x31: {  	s10 =	rddreg [dreg:$0x6];
	[sflag:s31] =	ssyncadd.s32 $0xFFFFF000  }
0x32: {  	[spmem:s10] =	stream.linear.scatter [tilespmem:s30], [sflag:$0x2], $0x1000, $0x38;
	[tilespmem:$0x1E000] =	vst v63  }
0x33: {  	_ =	swait.ge [sflag:s31], $0x1000  }
0x34: {  	[sflag:s31] =	ssyncset.done $0x0  }
0x35: {  	s8 =	rddreg [dreg:$0x7];
	[sflag:s31] =	ssyncadd.s32 $0xFFFFF000  }
0x36: {  	[spmem:s8] =	stream.linear.scatter [tilespmem:s30], [sflag:$0x2], $0x1000, $0x38;
	[tilespmem:$0x1E000] =	vst v63  }
0x37: {  	_ =	swait.ge [sflag:s31], $0x1000  }
0x38: {  	[sflag:s31] =	ssyncset.done $0x0  }
0x39: {  	s9 =	rddreg [dreg:$0x8];
	[sflag:s31] =	ssyncadd.s32 $0xFFFFF000  }
0x3a: {  	[spmem:s9] =	stream.linear.scatter [tilespmem:s30], [sflag:$0x2], $0x1000, $0x38;
	[tilespmem:$0x1E000] =	vst v63  }
0x3b: {  	_ =	swait.ge [sflag:s31], $0x1000  }
0x3c: {  	[sflag:s31] =	ssyncset.done $0x0  }
0x3d: {  	[sflag:s31] =	ssyncadd.s32 $0xFFFFF000  }
0x3e: {  	[spmem:s11] =	stream.linear.scatter [tilespmem:s30], [sflag:$0x2], $0x1000, $0x38;
	[tilespmem:$0x1E000] =	vst v63  }
0x3f: {  	_ =	swait.ge [sflag:s31], $0x1000  }
0x40: {  	[sflag:s31] =	ssyncset.done $0x0  }
0x41: {  	[sflag:s31] =	ssyncadd.s32 $0xFFFFF000  }
0x42: {  	[spmem:s12] =	stream.linear.scatter [tilespmem:s30], [sflag:$0x2], $0x1000, $0x38;
	[tilespmem:$0x1E000] =	vst v63  }
0x43: {  	_ =	swait.ge [sflag:s31], $0x1000  }
0x44: {  	[sflag:s31] =	ssyncset.done $0x0  }
0x45: {  	[sflag:s31] =	ssyncadd.s32 $0xFFFFF000  }
0x46: {  	[spmem:s13] =	stream.linear.scatter [tilespmem:s30], [sflag:$0x2], $0x1000, $0x38;
	[tilespmem:$0x1E000] =	vst v63  }
0x47: {  	_ =	swait.ge [sflag:s31], $0x1000  }
0x48: {  	[sflag:s31] =	ssyncset.done $0x0  }
0x49: {  	[sflag:s31] =	ssyncadd.s32 $0xFFFFF000  }
0x4a: {  	[spmem:s14] =	stream.linear.scatter [tilespmem:s30], [sflag:$0x2], $0x1000, $0x38;
	[tilespmem:$0x1E000] =	vst v63  }
0x4b: {  	_ =	swait.ge [sflag:s31], $0x1000  }
0x4c: {  	[sflag:s31] =	ssyncset.done $0x0  }
0x4d: {  	[sflag:s31] =	ssyncadd.s32 $0xFFFFF000  }
0x4e: {  	[spmem:s15] =	stream.linear.scatter [tilespmem:s30], [sflag:$0x2], $0x1000, $0x38;
	[tilespmem:$0x1E000] =	vst v63  }
0x4f: {  	_ =	swait.ge [sflag:s31], $0x1000  }
0x50: {  	[sflag:s31] =	ssyncset.done $0x0  }
0x51: {  	[sflag:s31] =	ssyncadd.s32 $0xFFFFF000  }
0x52: {  	[spmem:s16] =	stream.linear.scatter [tilespmem:s30], [sflag:$0x2], $0x1000, $0x38;
	[tilespmem:$0x1E000] =	vst v63  }
0x53: {  	_ =	swait.ge [sflag:s31], $0x1000  }
0x54: {  	[sflag:s31] =	ssyncset.done $0x0  }
0x55: {  	[sflag:s31] =	ssyncadd.s32 $0xFFFFF000  }
0x56: {  	[spmem:s17] =	stream.linear.scatter [tilespmem:s30], [sflag:$0x2], $0x1000, $0x38;
	[tilespmem:$0x1E000] =	vst v63  }
0x57: {  	_ =	swait.ge [sflag:s31], $0x1000  }
0x58: {  	[sflag:s31] =	ssyncset.done $0x0  }
0x59: {  	[sflag:s31] =	ssyncadd.s32 $0xFFFFF000  }
0x5a: {  	[spmem:s18] =	stream.linear.scatter [tilespmem:s30], [sflag:$0x2], $0x1000, $0x38;
	[tilespmem:$0x1E000] =	vst v63  }
0x5b: {  	_ =	swait.ge [sflag:s31], $0x1000  }
0x5c: {  	[sflag:s31] =	ssyncset.done $0x0  }
0x5d: {  	[sflag:s31] =	ssyncadd.s32 $0xFFFFF000  }
0x5e: {  	[spmem:s19] =	stream.linear.scatter [tilespmem:s30], [sflag:$0x2], $0x1000, $0x38;
	[tilespmem:$0x1E000] =	vst v63  }
0x5f: {  	_ =	swait.ge [sflag:s31], $0x1000  }
0x60: {  	[sflag:s31] =	ssyncset.done $0x0  }
0x61: {  	[sflag:s31] =	ssyncadd.s32 $0xFFFFF000  }
0x62: {  	[spmem:s21] =	stream.linear.scatter [tilespmem:s30], [sflag:$0x2], $0x1000, $0x38;
	[tilespmem:$0x1E000] =	vst v63  }
0x63: {  	_ =	swait.ge [sflag:s31], $0x1000  }
0x64: {  	[sflag:s31] =	ssyncset.done $0x0  }
0x65: {  	[sflag:s31] =	ssyncadd.s32 $0xFFFFF000  }
0x66: {  	[spmem:s23] =	stream.linear.scatter [tilespmem:s30], [sflag:$0x2], $0x1000, $0x38;
	[tilespmem:$0x1E000] =	vst v63  }
0x67: {  	_ =	swait.ge [sflag:s31], $0x1000  }
0x68: {  	[sflag:s31] =	ssyncset.done $0x0  }
0x69: {  	[sflag:s31] =	ssyncadd.s32 $0xFFFFF000  }
0x6a: {  	[spmem:s26] =	stream.linear.scatter [tilespmem:s30], [sflag:$0x2], $0x1000, $0x38;
	[tilespmem:$0x1E000] =	vst v63  }
0x6b: {  	_ =	swait.ge [sflag:s31], $0x1000  }
0x6c: {  	[sflag:s31] =	ssyncset.done $0x0  }
0x6d: {  	[sflag:s31] =	ssyncadd.s32 $0xFFFFF000  }
0x6e: {  	[spmem:s28] =	stream.linear.scatter [tilespmem:s30], [sflag:$0x2], $0x1000, $0x38;
	[tilespmem:$0x1E000] =	vst v63  }
0x6f: {  	_ =	swait.ge [sflag:s31], $0x1000  }
0x70: {  	[sflag:s31] =	ssyncset.done $0x0  }
0x71: {  	[sflag:s31] =	ssyncadd.s32 $0xFFFFF000  }
0x72: {  	[spmem:s29] =	stream.linear.scatter [tilespmem:s30], [sflag:$0x2], $0x1000, $0x38;
	[tilespmem:$0x1E000] =	vst v63  }
0x73: {  	_ =	swait.ge [sflag:s31], $0x1000  }
0x74: {  	[sflag:s31] =	ssyncset.done $0x0  }
0x75: {  	s10 =	simm.s32 $0x0;
	[sflag:s31] =	ssyncadd.s32 $0xFFFFF000  }
0x76: {  	[tilespmem:s10], [sflag:$0x2] =	stream.linear.gather [hbm4b:s20+s10], $0x2780, $0x38;
	[tilespmem:$0x1E000] =	vst v63  }
0x77: {  	_ =	swait.ge [sflag:s31], $0x2780  }
0x78: {  	[sflag:s31] =	ssyncset.done $0x0  }
0x79: {  	s8 =	simm.s32 $0x2800;
	[sflag:s31] =	ssyncadd.s32 $0xFFFFD880  }
0x7a: {  	[tilespmem:s8], [sflag:$0x2] =	stream.linear.gather [hbm4b:s24+s10], $0x2780, $0x38;
	[tilespmem:$0x1E000] =	vst v63  }
0x7b: {  	_ =	swait.ge [sflag:s31], $0x2780  }
0x7c: {  	[sflag:s31] =	ssyncset.done $0x0  }
0x7d: {  	[sflag:s31] =	ssyncadd.s32 $0xFFFFD880  }
0x7e: {  	s9 =	simm.s32 $0x0;
	[bflag:$0x0] =	sbarrier.arrive $0xFFFF  }
0x7f: {  	[tilespmem:s1], [sflag:$0x1] =	stream.indirect.gather [hbm4b:s4+s0], $0x80, s9, s0, $0xb8;
	[tilespmem:$0x1E000] =	vst v63  }
0x80: {  	_ =	swait.ge [sflag:s6], $0x4000  }
0x81: {  	[sflag:s6] =	ssyncset.done $0x0  }
0x82: {  	s10 =	simm.s32 $0x2800;
	[sflag:s6] =	ssyncadd.s32 $0xFFFFC000  }
0x83: {  	[spmem:s2] =	stream.indirect.scatter.add.f32 [tilespmem:s1], [sflag:$0x2], $0x80, s10, s0, $0xb8;
	[tilespmem:$0x1E000] =	vst v63  }
0x84: {  	_ =	swait.ge [sflag:s31], $0x4000  }
0x85: {  	s7 =	simm.s32 $0x200;
	s8 =	simm.s32 $0x400;
	[sflag:s31] =	ssyncset.done $0x0  }
.LBB2_4:
0x86: {  	s9 =	sshra.s32 s7, $0x2  }
0x87: {  	[sflag:s31] =	ssyncadd.s32 $0xFFFFC000;
	s7 =	smov.u32 s8;
	s10 =	sadd.s32 $0x200, s8  }
0x88: {  	[tilespmem:s1], [sflag:$0x1] =	stream.indirect.gather [hbm4b:s4+s0], $0x80, s9, s0, $0xb8;
	[tilespmem:$0x1E000] =	vst v63  }
0x89: {  	p0 =	sne.s32 s8, $0x9C00;
	_ =	swait.ge [sflag:s6], $0x4000  }
.Ltmp1:
0x8a: {  	[sflag:s6] =	ssyncset.done $0x0;
	(pc) =	sbr.rel @p0 .LBB2_4-.Ltmp1, $4  }
0x8b: {  	s8 =	sadd.s32 $0x2800, s9;
	[sflag:s6] =	ssyncadd.s32 $0xFFFFC000  }
0x8c: {  	[spmem:s2] =	stream.indirect.scatter.add.f32 [tilespmem:s1], [sflag:$0x2], $0x80, s8, s0, $0xb8;
	[tilespmem:$0x1E000] =	vst v63  }
0x8d: {  	_ =	swait.ge [sflag:s31], $0x4000  }
0x8e: {  	s8 =	smov.u32 s10;
	[sflag:s31] =	ssyncset.done $0x0  }
0x8f: {  	s7 =	sshra.s32 s7, $0x2;
	[sflag:s31] =	ssyncadd.s32 $0xFFFFC000  }
0x90: {  	[tilespmem:s1], [sflag:$0x1] =	stream.indirect.gather [hbm4b:s4+s0], $0x80, s7, s0, $0xb8;
	[tilespmem:$0x1E000] =	vst v63  }
0x91: {  	_ =	swait.ge [sflag:s6], $0x4000  }
0x92: {  	[sflag:s6] =	ssyncset.done $0x0  }
0x93: {  	s7 =	sadd.s32 $0x2800, s7;
	[sflag:s6] =	ssyncadd.s32 $0xFFFFC000  }
0x94: {  	[spmem:s2] =	stream.indirect.scatter.add.f32 [tilespmem:s1], [sflag:$0x2], $0x80, s7, s0, $0xb8;
	[tilespmem:$0x1E000] =	vst v63  }
0x95: {  	s10 =	stileid.u32;
	_ =	swait.ge [sflag:s31], $0x4000  }
0x96: {  	s8 =	sshrl.u32 s5, $0x3;
	s3 =	sadd.s32 $0x1, s3;
	[sflag:s31] =	ssyncset.done $0x0  }
0x97: {  	p0 =	sne.s32 s3, s25;
	s7 =	sshll.u32 s10, $0x6;
	[sflag:s31] =	ssyncadd.s32 $0xFFFFC000  }
.Ltmp2:
0x98: {  	s7 =	sor.u32 $0x1C02, s7;
	[bflag:$0x0] =	sbarrier.arrive $0xFFFF;
	(pc) =	sbr.rel @p0 .LBB2_1-.Ltmp2, $4  }
0x99: {  	[hbm:s22], [sflag:s7] =	dma.local [spmem:s8], $0x2800  }
0x9a: {  	_ =	swait.ge [sflag:s31], $0x2800  }
0x9b: {  	[sflag:s31] =	ssyncset.done $0x0  }
0x9c: {  	[sflag:s31] =	ssyncadd.s32 $0xFFFFD800  }
0x9d: {  	_ =	sfence.sel $0x180000  }
0x9e: {  	[bflag:$0x0] =	sbarrier.arrive $0xFFFF  }
0x9f: {  	_ =	strace $0x9000004D  }
0xa0: {  	s0 =	stileid.u32;
	[bflag:$0x2] =	sbarrier.arrive $0xFFFF  }
0xa1: {  	p0 =	sne.s32 s0, $0x0;
	s0 =	rddreg [dreg:$0x3]  }
0xa2: {  	s0 =	sadd.s32 @!p0 $0x100000, s0  }
0xa3: {  	[sflag:s0] =	ssyncadd.tile.s32 @!p0 $0x1;
	_ =	shalt  }
.Lfunc_end2:
_tile_overlayer_lowered:
.L_overlay_start_2:
0xa4: {  	(tag) =	ssettag $0x2  }
0xa5: {  	s0 =	rddreg [dreg:$0x0];
	s2 =	stileid.u32  }
0xa6: {  	s1 =	rddreg [dreg:$0x1];
	p0 =	sne.s32 s2, $0x0  }
0xa7: {  	s3 =	rddreg [dreg:$0x2];
	[bflag:$0x3] =	sbarrier.arrive $0xFFFF;
	s2 =	simm.s32 @!p0 $0x1C02  }
0xa8: {  	[timem:s3], [sflag:s2] =	dma.local @!p0 [hbm:s0], s1  }
0xa9: {  	s0 =	simm.s32 @!p0 $0x2  }
0xaa: {  	_ =	swait.ge @!p0 [sflag:s0], s1  }
0xab: {  	s1 =	ssub.s32 @!p0 $0x0, s1;
	[sflag:s0] =	ssyncset.done @!p0 $0x0  }
0xac: {  	[sflag:s0] =	ssyncadd.s32 @!p0 s1  }
0xad: {  	[bflag:$0x3] =	sbarrier.arrive $0xFFFF  }
0xae: {  	_ =	shalt  }

</sc_bundles>
